<compile_context>
chip_gen: v7x
topology: tpu7x:2x2x1
jax: 0.10.2.dev20260603
libtpu: 0.0.44.dev20260713+nightly
codegen_flags: <defaults>
</compile_context>

<pallas_src>
import functools

import jax
import jax.numpy as jnp
from jax import lax
from jax.experimental import pallas as pl
from jax.experimental.pallas import tpu as pltpu
from jax.experimental.pallas import tpu_sc as plsc

N = 10000
E = 160000
D = 256
DH = 128
NTILES = 16
K = 64
NB = 160
CHUNK = 40
NPH = NB // CHUNK
EPT = NB * K
NPAD = 10240
STRIPE = NPAD // NTILES


def _sc_agg_kernel(x2, srcs, dsts, agg_out, cnt_out,
                   src_v, dst_v, rows0, rows1, zbuf, z1, ones_v,
                   acc, cnt_sp, sem0, sem1):
  c = lax.axis_index("c")
  s = lax.axis_index("s")
  w = c * NTILES + s

  zero16 = jnp.zeros((16,), jnp.float32)
  one16 = jnp.ones((16,), jnp.float32)
  for r in range(16):
    for kk in range(8):
      zbuf[r, pl.ds(kk * 16, 16)] = zero16
  for kk in range(K // 16):
    ones_v[pl.ds(kk * 16, 16)] = one16
  for kk in range(STRIPE // 16):
    z1[pl.ds(kk * 16, 16)] = zero16

  def _zero_body(i, _):
    pltpu.sync_copy(zbuf, acc.at[pl.ds(s * STRIPE + i * 16, 16)])
    return 0
  lax.fori_loop(0, STRIPE // 16, _zero_body, 0)
  pltpu.sync_copy(z1, cnt_sp.at[pl.ds(s * STRIPE, STRIPE)])

  plsc.subcore_barrier()

  def _start(j, rows_ref, sem):
    pltpu.async_copy(x2.at[src_v.at[j]], rows_ref, sem)

  def _wait(rows_ref, sem):
    pltpu.make_async_copy(x2.at[src_v.at[0]], rows_ref, sem).wait()

  def _scatter(j, rows_ref):
    pltpu.sync_copy(rows_ref, acc.at[dst_v.at[j]], add=True)
    @pl.when(c == 0)
    def _():
      pltpu.sync_copy(ones_v.at[pl.ds(0, K // 2)],
                      cnt_sp.at[dst_v.at[j, pl.ds(0, K // 2)]], add=True)
    @pl.when(c == 1)
    def _():
      pltpu.sync_copy(ones_v.at[pl.ds(0, K // 2)],
                      cnt_sp.at[dst_v.at[j, pl.ds(K // 2, K // 2)]], add=True)

  for p in range(NPH):
    pltpu.sync_copy(srcs.at[w * NPH + p], src_v)
    pltpu.sync_copy(dsts.at[s * NPH + p], dst_v)
    _start(0, rows0, sem0)
    _start(1, rows1, sem1)

    def _body(i, _):
      j0 = i * 2
      _wait(rows0, sem0)
      _scatter(j0, rows0)
      @pl.when(j0 + 2 < CHUNK)
      def _():
        _start(j0 + 2, rows0, sem0)
      _wait(rows1, sem1)
      _scatter(j0 + 1, rows1)
      @pl.when(j0 + 3 < CHUNK)
      def _():
        _start(j0 + 3, rows1, sem1)
      return 0
    lax.fori_loop(0, CHUNK // 2, _body, 0)

  plsc.subcore_barrier()

  pltpu.sync_copy(acc.at[pl.ds(s * STRIPE, STRIPE)],
                  agg_out.at[pl.ds(c * NPAD + s * STRIPE, STRIPE)])
  pltpu.sync_copy(cnt_sp.at[pl.ds(s * STRIPE, STRIPE)],
                  cnt_out.at[pl.ds(c * NPAD + s * STRIPE, STRIPE)])


_sc_agg = functools.partial(
    pl.kernel,
    out_type=[jax.ShapeDtypeStruct((2 * NPAD, DH), jnp.float32),
              jax.ShapeDtypeStruct((2 * NPAD,), jnp.float32)],
    mesh=plsc.VectorSubcoreMesh(core_axis_name="c", subcore_axis_name="s"),
    scratch_types=[
        pltpu.VMEM((CHUNK, K), jnp.int32),
        pltpu.VMEM((CHUNK, K), jnp.int32),
        pltpu.VMEM((K, DH), jnp.float32),
        pltpu.VMEM((K, DH), jnp.float32),
        pltpu.VMEM((16, DH), jnp.float32),
        pltpu.VMEM((STRIPE,), jnp.float32),
        pltpu.VMEM((K,), jnp.float32),
        pltpu.VMEM_SHARED((NPAD, DH), jnp.float32),
        pltpu.VMEM_SHARED((NPAD,), jnp.float32),
        pltpu.SemaphoreType.DMA,
        pltpu.SemaphoreType.DMA,
    ],
)(_sc_agg_kernel)


ROWS_BLK = 1000


def _tc_pre_kernel(x_ref, wc_ref, b_ref, out_ref):
  out_ref[...] = (jnp.dot(x_ref[...], wc_ref[...],
                          preferred_element_type=jnp.float32) + b_ref[...])


def _tc_pre(x, wc, b):
  return pl.pallas_call(
      _tc_pre_kernel,
      grid=(N // ROWS_BLK,),
      in_specs=[
          pl.BlockSpec((ROWS_BLK, D), lambda i: (i, 0)),
          pl.BlockSpec((D, D), lambda i: (0, 0)),
          pl.BlockSpec((1, D), lambda i: (0, 0)),
      ],
      out_specs=pl.BlockSpec((ROWS_BLK, D), lambda i: (i, 0)),
      out_shape=jax.ShapeDtypeStruct((N, D), jnp.float32),
  )(x, wc, b)


def _tc_post_kernel(agg_ref, cnt_ref, pre_ref, wl_ref, out_ref):
  cnt = cnt_ref[0] + cnt_ref[1]
  inv = 1.0 / jnp.maximum(cnt, 1.0)
  y = jnp.dot(agg_ref[0], wl_ref[0], preferred_element_type=jnp.float32)
  y = y + jnp.dot(agg_ref[1], wl_ref[1], preferred_element_type=jnp.float32)
  t = y * inv + pre_ref[...]
  out_ref[...] = jnp.where(t > 0, t, jnp.exp(t) - 1.0)


def _tc_post(agg3, cnt2, pre, wl):
  return pl.pallas_call(
      _tc_post_kernel,
      grid=(N // ROWS_BLK,),
      in_specs=[
          pl.BlockSpec((2, ROWS_BLK, DH), lambda i: (0, i, 0)),
          pl.BlockSpec((2, ROWS_BLK, 1), lambda i: (0, i, 0)),
          pl.BlockSpec((ROWS_BLK, D), lambda i: (i, 0)),
          pl.BlockSpec((2, DH, D), lambda i: (0, 0, 0)),
      ],
      out_specs=pl.BlockSpec((ROWS_BLK, D), lambda i: (i, 0)),
      out_shape=jax.ShapeDtypeStruct((N, D), jnp.float32),
  )(agg3, cnt2, pre, wl)


def kernel(x, edge_index, W_l, b_l, W_r, W_lin, b_lin):
  src = edge_index[0]
  dst = edge_index[1]

  pad = NTILES * EPT - E
  src_p = jnp.concatenate([src, jnp.zeros((pad,), jnp.int32)])
  dst_p = jnp.concatenate(
      [dst, N + (jnp.arange(pad, dtype=jnp.int32) % (NPAD - N))])
  srcs2 = jnp.stack([src_p, src_p + N]).reshape(2 * NTILES * NPH, CHUNK, K)
  dsts = dst_p.reshape(NTILES * NPH, CHUNK, K)
  x_flat = x.reshape(N, 2, DH).transpose(1, 0, 2).reshape(2 * N, DH)

  wc = W_r + W_lin
  b = (b_l + b_lin).reshape(1, D)
  pre = _tc_pre(x, wc, b)
  agg, cnt = _sc_agg(x_flat, srcs2, dsts)

  agg3 = agg.reshape(2, NPAD, DH)
  cnt2 = cnt.reshape(2, NPAD, 1)
  wl = jnp.stack([W_l[:DH], W_l[DH:]])
  return _tc_post(agg3, cnt2, pre, wl)

# --- scband reference (transcript-rebuilt; emitter-appended) ---
"""Pipeline reference for scband-na-op-77318001262935 (READ-ONLY COPY).

The authoritative reference and input builder live on the scoring server;
editing this copy changes nothing except your own understanding.
"""

import jax, jax.numpy as jnp
import numpy as np

N_NODES = 10000
N_EDGES = 160000
D_IN = 256
D_OUT = 256


def setup_inputs(seed: int = 0) -> dict:
    key = jax.random.key(seed)
    k1, k2, k3, k4, k5, k6, k7 = jax.random.split(key, 7)
    x = jax.random.normal(k1, (N_NODES, D_IN), dtype=jnp.float32)
    edge_index = jax.random.randint(k2, (2, N_EDGES), 0, N_NODES, dtype=jnp.int32)
    s_in = 1.0 / np.sqrt(D_IN)
    # SAGEConv params: lin_l (applied to aggregated neighbors, with bias), lin_r (root, no bias)
    W_l = jax.random.normal(k3, (D_IN, D_OUT), dtype=jnp.float32) * s_in
    b_l = jnp.zeros((D_OUT,), dtype=jnp.float32)
    W_r = jax.random.normal(k4, (D_IN, D_OUT), dtype=jnp.float32) * s_in
    # with_linear skip Linear(in_dim, out_dim)
    W_lin = jax.random.normal(k5, (D_IN, D_OUT), dtype=jnp.float32) * s_in
    b_lin = jax.random.normal(k6, (D_OUT,), dtype=jnp.float32) * s_in
    return {"x": x, "edge_index": edge_index, "W_l": W_l, "b_l": b_l, "W_r": W_r, "W_lin": W_lin, "b_lin": b_lin}


def reference(x, edge_index, W_l, b_l, W_r, W_lin, b_lin):
    # NaOp forward with op = SAGEConv(mean aggr), with_linear=True:
    #   F.elu(sage(x, edge_index) + linear(x))
    src = edge_index[0]
    dst = edge_index[1]
    msgs = jnp.take(x, src, axis=0)                          # gather source node features
    agg = jax.ops.segment_sum(msgs, dst, num_segments=x.shape[0])  # scatter-add to dst
    cnt = jax.ops.segment_sum(jnp.ones((msgs.shape[0],), dtype=x.dtype), dst, num_segments=x.shape[0])
    mean_agg = agg / jnp.maximum(cnt, 1.0)[:, None]          # mean aggregation
    sage_out = mean_agg @ W_l + b_l + x @ W_r
    lin_out = x @ W_lin + b_lin
    return jax.nn.elu(sage_out + lin_out)

if __name__ == "__main__":
    import jax
    _d = setup_inputs()
    print(jax.jit(kernel)(*tuple(_d.values())))

</pallas_src>

<mosaic_0001>
#map = affine_map<(d0, d1) -> (0, 0)>
#map1 = affine_map<(d0, d1) -> (0, 0, 0)>
#map2 = affine_map<(d0, d1) -> (0)>
module attributes {stable_mosaic.version = 14 : i64} {
  func.func @_sc_agg_kernel(%arg0: i32, %arg1: i32, %arg2: memref<20000x128xf32, #tpu.memory_space<hbm>>, %arg3: memref<128x40x64xi32, #tpu.memory_space<hbm>>, %arg4: memref<64x40x64xi32, #tpu.memory_space<hbm>>, %arg5: memref<20480x128xf32, #tpu.memory_space<hbm>>, %arg6: memref<20480xf32, #tpu.memory_space<hbm>>, %arg7: memref<40x64xi32, #tpu.memory_space<vmem>>, %arg8: memref<40x64xi32, #tpu.memory_space<vmem>>, %arg9: memref<64x128xf32, #tpu.memory_space<vmem>>, %arg10: memref<64x128xf32, #tpu.memory_space<vmem>>, %arg11: memref<16x128xf32, #tpu.memory_space<vmem>>, %arg12: memref<640xf32, #tpu.memory_space<vmem>>, %arg13: memref<64xf32, #tpu.memory_space<vmem>>, %arg14: memref<10240x128xf32, #tpu.memory_space<vmem_shared>>, %arg15: memref<10240xf32, #tpu.memory_space<vmem_shared>>, %arg16: memref<!tpu.dma_semaphore, #tpu.memory_space<semaphore_mem>>, %arg17: memref<!tpu.dma_semaphore, #tpu.memory_space<semaphore_mem>>) attributes {dimension_semantics = [#tpu.dimension_semantics<core_parallel>, #tpu.dimension_semantics<subcore_parallel>], iteration_bounds = array<i64: 2, 16>, scalar_prefetch = 0 : i64, scratch_operands = 11 : i64, tpu.core_type = #tpu.core_type<sc_vector_subcore>, window_params = [{transform_indices = #map}, {transform_indices = #map1}, {transform_indices = #map1}, {transform_indices = #map}, {transform_indices = #map2}]} {
    %mul3A = arith.constant 16 : i32
    %mul3A_0 = arith.muli %arg0, %mul3A : i32
    %add3A = arith.addi %mul3A_0, %arg1 : i32
    %broadcast_in_dim3A = arith.constant 0.000000e+00 : f32
    %broadcast_in_dim3A_1 = vector.broadcast %broadcast_in_dim3A : f32 to vector<16xf32>
    %broadcast_in_dim3A_2 = arith.constant 1.000000e+00 : f32
    %broadcast_in_dim3A_3 = vector.broadcast %broadcast_in_dim3A_2 : f32 to vector<16xf32>
    %swap3A = arith.constant 0 : i32
    %swap3A_4 = arith.index_cast %swap3A : i32 to index
    %swap3A_5 = arith.constant 0 : index
    %swap3A_6 = tpu.vector_load %arg11[%swap3A_4, %swap3A_5] {strides = array<i32>} : memref<16x128xf32, #tpu.memory_space<vmem>>, vector<1x16xf32>,
    %swap3A_7 = vector.shape_cast %swap3A_6 : vector<1x16xf32> to vector<16xf32>
    %swap3A_8 = vector.shape_cast %broadcast_in_dim3A_1 : vector<16xf32> to vector<1x16xf32>
    tpu.vector_store %arg11[%swap3A_4, %swap3A_5], %swap3A_8 {strides = array<i32>} : memref<16x128xf32, #tpu.memory_space<vmem>>, vector<1x16xf32>,
    %swap3A_9 = arith.constant 0 : i32
    %swap3A_10 = arith.index_cast %swap3A_9 : i32 to index
    %swap3A_11 = arith.constant 16 : index
    %swap3A_12 = tpu.vector_load %arg11[%swap3A_10, %swap3A_11] {strides = array<i32>} : memref<16x128xf32, #tpu.memory_space<vmem>>, vector<1x16xf32>,
    %swap3A_13 = vector.shape_cast %swap3A_12 : vector<1x16xf32> to vector<16xf32>
    %swap3A_14 = vector.shape_cast %broadcast_in_dim3A_1 : vector<16xf32> to vector<1x16xf32>
    tpu.vector_store %arg11[%swap3A_10, %swap3A_11], %swap3A_14 {strides = array<i32>} : memref<16x128xf32, #tpu.memory_space<vmem>>, vector<1x16xf32>,
    %swap3A_15 = arith.constant 0 : i32
    %swap3A_16 = arith.index_cast %swap3A_15 : i32 to index
    %swap3A_17 = arith.constant 32 : index
    %swap3A_18 = tpu.vector_load %arg11[%swap3A_16, %swap3A_17] {strides = array<i32>} : memref<16x128xf32, #tpu.memory_space<vmem>>, vector<1x16xf32>,
    %swap3A_19 = vector.shape_cast %swap3A_18 : vector<1x16xf32> to vector<16xf32>
    %swap3A_20 = vector.shape_cast %broadcast_in_dim3A_1 : vector<16xf32> to vector<1x16xf32>
    tpu.vector_store %arg11[%swap3A_16, %swap3A_17], %swap3A_20 {strides = array<i32>} : memref<16x128xf32, #tpu.memory_space<vmem>>, vector<1x16xf32>,
    %swap3A_21 = arith.constant 0 : i32
    %swap3A_22 = arith.index_cast %swap3A_21 : i32 to index
    %swap3A_23 = arith.constant 48 : index
    %swap3A_24 = tpu.vector_load %arg11[%swap3A_22, %swap3A_23] {strides = array<i32>} : memref<16x128xf32, #tpu.memory_space<vmem>>, vector<1x16xf32>,
    %swap3A_25 = vector.shape_cast %swap3A_24 : vector<1x16xf32> to vector<16xf32>
    %swap3A_26 = vector.shape_cast %broadcast_in_dim3A_1 : vector<16xf32> to vector<1x16xf32>
    tpu.vector_store %arg11[%swap3A_22, %swap3A_23], %swap3A_26 {strides = array<i32>} : memref<16x128xf32, #tpu.memory_space<vmem>>, vector<1x16xf32>,
    %swap3A_27 = arith.constant 0 : i32
    %swap3A_28 = arith.index_cast %swap3A_27 : i32 to index
    %swap3A_29 = arith.constant 64 : index
    %swap3A_30 = tpu.vector_load %arg11[%swap3A_28, %swap3A_29] {strides = array<i32>} : memref<16x128xf32, #tpu.memory_space<vmem>>, vector<1x16xf32>,
    %swap3A_31 = vector.shape_cast %swap3A_30 : vector<1x16xf32> to vector<16xf32>
    %swap3A_32 = vector.shape_cast %broadcast_in_dim3A_1 : vector<16xf32> to vector<1x16xf32>
    tpu.vector_store %arg11[%swap3A_28, %swap3A_29], %swap3A_32 {strides = array<i32>} : memref<16x128xf32, #tpu.memory_space<vmem>>, vector<1x16xf32>,
    %swap3A_33 = arith.constant 0 : i32
    %swap3A_34 = arith.index_cast %swap3A_33 : i32 to index
    %swap3A_35 = arith.constant 80 : index
    %swap3A_36 = tpu.vector_load %arg11[%swap3A_34, %swap3A_35] {strides = array<i32>} : memref<16x128xf32, #tpu.memory_space<vmem>>, vector<1x16xf32>,
    %swap3A_37 = vector.shape_cast %swap3A_36 : vector<1x16xf32> to vector<16xf32>
    %swap3A_38 = vector.shape_cast %broadcast_in_dim3A_1 : vector<16xf32> to vector<1x16xf32>
    tpu.vector_store %arg11[%swap3A_34, %swap3A_35], %swap3A_38 {strides = array<i32>} : memref<16x128xf32, #tpu.memory_space<vmem>>, vector<1x16xf32>,
    %swap3A_39 = arith.constant 0 : i32
    %swap3A_40 = arith.index_cast %swap3A_39 : i32 to index
    %swap3A_41 = arith.constant 96 : index
    %swap3A_42 = tpu.vector_load %arg11[%swap3A_40, %swap3A_41] {strides = array<i32>} : memref<16x128xf32, #tpu.memory_space<vmem>>, vector<1x16xf32>,
    %swap3A_43 = vector.shape_cast %swap3A_42 : vector<1x16xf32> to vector<16xf32>
    %swap3A_44 = vector.shape_cast %broadcast_in_dim3A_1 : vector<16xf32> to vector<1x16xf32>
    tpu.vector_store %arg11[%swap3A_40, %swap3A_41], %swap3A_44 {strides = array<i32>} : memref<16x128xf32, #tpu.memory_space<vmem>>, vector<1x16xf32>,
    %swap3A_45 = arith.constant 0 : i32
    %swap3A_46 = arith.index_cast %swap3A_45 : i32 to index
    %swap3A_47 = arith.constant 112 : index
    %swap3A_48 = tpu.vector_load %arg11[%swap3A_46, %swap3A_47] {strides = array<i32>} : memref<16x128xf32, #tpu.memory_space<vmem>>, vector<1x16xf32>,
    %swap3A_49 = vector.shape_cast %swap3A_48 : vector<1x16xf32> to vector<16xf32>
    %swap3A_50 = vector.shape_cast %broadcast_in_dim3A_1 : vector<16xf32> to vector<1x16xf32>
    tpu.vector_store %arg11[%swap3A_46, %swap3A_47], %swap3A_50 {strides = array<i32>} : memref<16x128xf32, #tpu.memory_space<vmem>>, vector<1x16xf32>,
    %swap3A_51 = arith.constant 1 : i32
    %swap3A_52 = arith.index_cast %swap3A_51 : i32 to index
    %swap3A_53 = arith.constant 0 : index
    %swap3A_54 = tpu.vector_load %arg11[%swap3A_52, %swap3A_53] {strides = array<i32>} : memref<16x128xf32, #tpu.memory_space<vmem>>, vector<1x16xf32>,
    %swap3A_55 = vector.shape_cast %swap3A_54 : vector<1x16xf32> to vector<16xf32>
    %swap3A_56 = vector.shape_cast %broadcast_in_dim3A_1 : vector<16xf32> to vector<1x16xf32>
    tpu.vector_store %arg11[%swap3A_52, %swap3A_53], %swap3A_56 {strides = array<i32>} : memref<16x128xf32, #tpu.memory_space<vmem>>, vector<1x16xf32>,
    %swap3A_57 = arith.constant 1 : i32
    %swap3A_58 = arith.index_cast %swap3A_57 : i32 to index
    %swap3A_59 = arith.constant 16 : index
    %swap3A_60 = tpu.vector_load %arg11[%swap3A_58, %swap3A_59] {strides = array<i32>} : memref<16x128xf32, #tpu.memory_space<vmem>>, vector<1x16xf32>,
    %swap3A_61 = vector.shape_cast %swap3A_60 : vector<1x16xf32> to vector<16xf32>
    %swap3A_62 = vector.shape_cast %broadcast_in_dim3A_1 : vector<16xf32> to vector<1x16xf32>
    tpu.vector_store %arg11[%swap3A_58, %swap3A_59], %swap3A_62 {strides = array<i32>} : memref<16x128xf32, #tpu.memory_space<vmem>>, vector<1x16xf32>,
    %swap3A_63 = arith.constant 1 : i32
    %swap3A_64 = arith.index_cast %swap3A_63 : i32 to index
    %swap3A_65 = arith.constant 32 : index
    %swap3A_66 = tpu.vector_load %arg11[%swap3A_64, %swap3A_65] {strides = array<i32>} : memref<16x128xf32, #tpu.memory_space<vmem>>, vector<1x16xf32>,
    %swap3A_67 = vector.shape_cast %swap3A_66 : vector<1x16xf32> to vector<16xf32>
    %swap3A_68 = vector.shape_cast %broadcast_in_dim3A_1 : vector<16xf32> to vector<1x16xf32>
    tpu.vector_store %arg11[%swap3A_64, %swap3A_65], %swap3A_68 {strides = array<i32>} : memref<16x128xf32, #tpu.memory_space<vmem>>, vector<1x16xf32>,
    %swap3A_69 = arith.constant 1 : i32
    %swap3A_70 = arith.index_cast %swap3A_69 : i32 to index
    %swap3A_71 = arith.constant 48 : index
    %swap3A_72 = tpu.vector_load %arg11[%swap3A_70, %swap3A_71] {strides = array<i32>} : memref<16x128xf32, #tpu.memory_space<vmem>>, vector<1x16xf32>,
    %swap3A_73 = vector.shape_cast %swap3A_72 : vector<1x16xf32> to vector<16xf32>
    %swap3A_74 = vector.shape_cast %broadcast_in_dim3A_1 : vector<16xf32> to vector<1x16xf32>
    tpu.vector_store %arg11[%swap3A_70, %swap3A_71], %swap3A_74 {strides = array<i32>} : memref<16x128xf32, #tpu.memory_space<vmem>>, vector<1x16xf32>,
    %swap3A_75 = arith.constant 1 : i32
    %swap3A_76 = arith.index_cast %swap3A_75 : i32 to index
    %swap3A_77 = arith.constant 64 : index
    %swap3A_78 = tpu.vector_load %arg11[%swap3A_76, %swap3A_77] {strides = array<i32>} : memref<16x128xf32, #tpu.memory_space<vmem>>, vector<1x16xf32>,
    %swap3A_79 = vector.shape_cast %swap3A_78 : vector<1x16xf32> to vector<16xf32>
    %swap3A_80 = vector.shape_cast %broadcast_in_dim3A_1 : vector<16xf32> to vector<1x16xf32>
    tpu.vector_store %arg11[%swap3A_76, %swap3A_77], %swap3A_80 {strides = array<i32>} : memref<16x128xf32, #tpu.memory_space<vmem>>, vector<1x16xf32>,
    %swap3A_81 = arith.constant 1 : i32
    %swap3A_82 = arith.index_cast %swap3A_81 : i32 to index
    %swap3A_83 = arith.constant 80 : index
    %swap3A_84 = tpu.vector_load %arg11[%swap3A_82, %swap3A_83] {strides = array<i32>} : memref<16x128xf32, #tpu.memory_space<vmem>>, vector<1x16xf32>,
    %swap3A_85 = vector.shape_cast %swap3A_84 : vector<1x16xf32> to vector<16xf32>
    %swap3A_86 = vector.shape_cast %broadcast_in_dim3A_1 : vector<16xf32> to vector<1x16xf32>
    tpu.vector_store %arg11[%swap3A_82, %swap3A_83], %swap3A_86 {strides = array<i32>} : memref<16x128xf32, #tpu.memory_space<vmem>>, vector<1x16xf32>,
    %swap3A_87 = arith.constant 1 : i32
    %swap3A_88 = arith.index_cast %swap3A_87 : i32 to index
    %swap3A_89 = arith.constant 96 : index
    %swap3A_90 = tpu.vector_load %arg11[%swap3A_88, %swap3A_89] {strides = array<i32>} : memref<16x128xf32, #tpu.memory_space<vmem>>, vector<1x16xf32>,
    %swap3A_91 = vector.shape_cast %swap3A_90 : vector<1x16xf32> to vector<16xf32>
    %swap3A_92 = vector.shape_cast %broadcast_in_dim3A_1 : vector<16xf32> to vector<1x16xf32>
    tpu.vector_store %arg11[%swap3A_88, %swap3A_89], %swap3A_92 {strides = array<i32>} : memref<16x128xf32, #tpu.memory_space<vmem>>, vector<1x16xf32>,
    %swap3A_93 = arith.constant 1 : i32
    %swap3A_94 = arith.index_cast %swap3A_93 : i32 to index
    %swap3A_95 = arith.constant 112 : index
    %swap3A_96 = tpu.vector_load %arg11[%swap3A_94, %swap3A_95] {strides = array<i32>} : memref<16x128xf32, #tpu.memory_space<vmem>>, vector<1x16xf32>,
    %swap3A_97 = vector.shape_cast %swap3A_96 : vector<1x16xf32> to vector<16xf32>
    %swap3A_98 = vector.shape_cast %broadcast_in_dim3A_1 : vector<16xf32> to vector<1x16xf32>
    tpu.vector_store %arg11[%swap3A_94, %swap3A_95], %swap3A_98 {strides = array<i32>} : memref<16x128xf32, #tpu.memory_space<vmem>>, vector<1x16xf32>,
    %swap3A_99 = arith.constant 2 : i32
    %swap3A_100 = arith.index_cast %swap3A_99 : i32 to index
    %swap3A_101 = arith.constant 0 : index
    %swap3A_102 = tpu.vector_load %arg11[%swap3A_100, %swap3A_101] {strides = array<i32>} : memref<16x128xf32, #tpu.memory_space<vmem>>, vector<1x16xf32>,
    %swap3A_103 = vector.shape_cast %swap3A_102 : vector<1x16xf32> to vector<16xf32>
    %swap3A_104 = vector.shape_cast %broadcast_in_dim3A_1 : vector<16xf32> to vector<1x16xf32>
    tpu.vector_store %arg11[%swap3A_100, %swap3A_101], %swap3A_104 {strides = array<i32>} : memref<16x128xf32, #tpu.memory_space<vmem>>, vector<1x16xf32>,
    %swap3A_105 = arith.constant 2 : i32
    %swap3A_106 = arith.index_cast %swap3A_105 : i32 to index
    %swap3A_107 = arith.constant 16 : index
    %swap3A_108 = tpu.vector_load %arg11[%swap3A_106, %swap3A_107] {strides = array<i32>} : memref<16x128xf32, #tpu.memory_space<vmem>>, vector<1x16xf32>,
    %swap3A_109 = vector.shape_cast %swap3A_108 : vector<1x16xf32> to vector<16xf32>
    %swap3A_110 = vector.shape_cast %broadcast_in_dim3A_1 : vector<16xf32> to vector<1x16xf32>
    tpu.vector_store %arg11[%swap3A_106, %swap3A_107], %swap3A_110 {strides = array<i32>} : memref<16x128xf32, #tpu.memory_space<vmem>>, vector<1x16xf32>,
    %swap3A_111 = arith.constant 2 : i32
    %swap3A_112 = arith.index_cast %swap3A_111 : i32 to index
    %swap3A_113 = arith.constant 32 : index
    %swap3A_114 = tpu.vector_load %arg11[%swap3A_112, %swap3A_113] {strides = array<i32>} : memref<16x128xf32, #tpu.memory_space<vmem>>, vector<1x16xf32>,
    %swap3A_115 = vector.shape_cast %swap3A_114 : vector<1x16xf32> to vector<16xf32>
    %swap3A_116 = vector.shape_cast %broadcast_in_dim3A_1 : vector<16xf32> to vector<1x16xf32>
    tpu.vector_store %arg11[%swap3A_112, %swap3A_113], %swap3A_116 {strides = array<i32>} : memref<16x128xf32, #tpu.memory_space<vmem>>, vector<1x16xf32>,
    %swap3A_117 = arith.constant 2 : i32
    %swap3A_118 = arith.index_cast %swap3A_117 : i32 to index
    %swap3A_119 = arith.constant 48 : index
    %swap3A_120 = tpu.vector_load %arg11[%swap3A_118, %swap3A_119] {strides = array<i32>} : memref<16x128xf32, #tpu.memory_space<vmem>>, vector<1x16xf32>,
    %swap3A_121 = vector.shape_cast %swap3A_120 : vector<1x16xf32> to vector<16xf32>
    %swap3A_122 = vector.shape_cast %broadcast_in_dim3A_1 : vector<16xf32> to vector<1x16xf32>
    tpu.vector_store %arg11[%swap3A_118, %swap3A_119], %swap3A_122 {strides = array<i32>} : memref<16x128xf32, #tpu.memory_space<vmem>>, vector<1x16xf32>,
    %swap3A_123 = arith.constant 2 : i32
    %swap3A_124 = arith.index_cast %swap3A_123 : i32 to index
    %swap3A_125 = arith.constant 64 : index
    %swap3A_126 = tpu.vector_load %arg11[%swap3A_124, %swap3A_125] {strides = array<i32>} : memref<16x128xf32, #tpu.memory_space<vmem>>, vector<1x16xf32>,
    %swap3A_127 = vector.shape_cast %swap3A_126 : vector<1x16xf32> to vector<16xf32>
    %swap3A_128 = vector.shape_cast %broadcast_in_dim3A_1 : vector<16xf32> to vector<1x16xf32>
    tpu.vector_store %arg11[%swap3A_124, %swap3A_125], %swap3A_128 {strides = array<i32>} : memref<16x128xf32, #tpu.memory_space<vmem>>, vector<1x16xf32>,
    %swap3A_129 = arith.constant 2 : i32
    %swap3A_130 = arith.index_cast %swap3A_129 : i32 to index
    %swap3A_131 = arith.constant 80 : index
    %swap3A_132 = tpu.vector_load %arg11[%swap3A_130, %swap3A_131] {strides = array<i32>} : memref<16x128xf32, #tpu.memory_space<vmem>>, vector<1x16xf32>,
    %swap3A_133 = vector.shape_cast %swap3A_132 : vector<1x16xf32> to vector<16xf32>
    %swap3A_134 = vector.shape_cast %broadcast_in_dim3A_1 : vector<16xf32> to vector<1x16xf32>
    tpu.vector_store %arg11[%swap3A_130, %swap3A_131], %swap3A_134 {strides = array<i32>} : memref<16x128xf32, #tpu.memory_space<vmem>>, vector<1x16xf32>,
    %swap3A_135 = arith.constant 2 : i32
    %swap3A_136 = arith.index_cast %swap3A_135 : i32 to index
    %swap3A_137 = arith.constant 96 : index
    %swap3A_138 = tpu.vector_load %arg11[%swap3A_136, %swap3A_137] {strides = array<i32>} : memref<16x128xf32, #tpu.memory_space<vmem>>, vector<1x16xf32>,
    %swap3A_139 = vector.shape_cast %swap3A_138 : vector<1x16xf32> to vector<16xf32>
    %swap3A_140 = vector.shape_cast %broadcast_in_dim3A_1 : vector<16xf32> to vector<1x16xf32>
    tpu.vector_store %arg11[%swap3A_136, %swap3A_137], %swap3A_140 {strides = array<i32>} : memref<16x128xf32, #tpu.memory_space<vmem>>, vector<1x16xf32>,
    %swap3A_141 = arith.constant 2 : i32
    %swap3A_142 = arith.index_cast %swap3A_141 : i32 to index
    %swap3A_143 = arith.constant 112 : index
    %swap3A_144 = tpu.vector_load %arg11[%swap3A_142, %swap3A_143] {strides = array<i32>} : memref<16x128xf32, #tpu.memory_space<vmem>>, vector<1x16xf32>,
    %swap3A_145 = vector.shape_cast %swap3A_144 : vector<1x16xf32> to vector<16xf32>
    %swap3A_146 = vector.shape_cast %broadcast_in_dim3A_1 : vector<16xf32> to vector<1x16xf32>
    tpu.vector_store %arg11[%swap3A_142, %swap3A_143], %swap3A_146 {strides = array<i32>} : memref<16x128xf32, #tpu.memory_space<vmem>>, vector<1x16xf32>,
    %swap3A_147 = arith.constant 3 : i32
    %swap3A_148 = arith.index_cast %swap3A_147 : i32 to index
    %swap3A_149 = arith.constant 0 : index
    %swap3A_150 = tpu.vector_load %arg11[%swap3A_148, %swap3A_149] {strides = array<i32>} : memref<16x128xf32, #tpu.memory_space<vmem>>, vector<1x16xf32>,
    %swap3A_151 = vector.shape_cast %swap3A_150 : vector<1x16xf32> to vector<16xf32>
    %swap3A_152 = vector.shape_cast %broadcast_in_dim3A_1 : vector<16xf32> to vector<1x16xf32>
    tpu.vector_store %arg11[%swap3A_148, %swap3A_149], %swap3A_152 {strides = array<i32>} : memref<16x128xf32, #tpu.memory_space<vmem>>, vector<1x16xf32>,
    %swap3A_153 = arith.constant 3 : i32
    %swap3A_154 = arith.index_cast %swap3A_153 : i32 to index
    %swap3A_155 = arith.constant 16 : index
    %swap3A_156 = tpu.vector_load %arg11[%swap3A_154, %swap3A_155] {strides = array<i32>} : memref<16x128xf32, #tpu.memory_space<vmem>>, vector<1x16xf32>,
    %swap3A_157 = vector.shape_cast %swap3A_156 : vector<1x16xf32> to vector<16xf32>
    %swap3A_158 = vector.shape_cast %broadcast_in_dim3A_1 : vector<16xf32> to vector<1x16xf32>
    tpu.vector_store %arg11[%swap3A_154, %swap3A_155], %swap3A_158 {strides = array<i32>} : memref<16x128xf32, #tpu.memory_space<vmem>>, vector<1x16xf32>,
    %swap3A_159 = arith.constant 3 : i32
    %swap3A_160 = arith.index_cast %swap3A_159 : i32 to index
    %swap3A_161 = arith.constant 32 : index
    %swap3A_162 = tpu.vector_load %arg11[%swap3A_160, %swap3A_161] {strides = array<i32>} : memref<16x128xf32, #tpu.memory_space<vmem>>, vector<1x16xf32>,
    %swap3A_163 = vector.shape_cast %swap3A_162 : vector<1x16xf32> to vector<16xf32>
    %swap3A_164 = vector.shape_cast %broadcast_in_dim3A_1 : vector<16xf32> to vector<1x16xf32>
    tpu.vector_store %arg11[%swap3A_160, %swap3A_161], %swap3A_164 {strides = array<i32>} : memref<16x128xf32, #tpu.memory_space<vmem>>, vector<1x16xf32>,
    %swap3A_165 = arith.constant 3 : i32
    %swap3A_166 = arith.index_cast %swap3A_165 : i32 to index
    %swap3A_167 = arith.constant 48 : index
    %swap3A_168 = tpu.vector_load %arg11[%swap3A_166, %swap3A_167] {strides = array<i32>} : memref<16x128xf32, #tpu.memory_space<vmem>>, vector<1x16xf32>,
    %swap3A_169 = vector.shape_cast %swap3A_168 : vector<1x16xf32> to vector<16xf32>
    %swap3A_170 = vector.shape_cast %broadcast_in_dim3A_1 : vector<16xf32> to vector<1x16xf32>
    tpu.vector_store %arg11[%swap3A_166, %swap3A_167], %swap3A_170 {strides = array<i32>} : memref<16x128xf32, #tpu.memory_space<vmem>>, vector<1x16xf32>,
    %swap3A_171 = arith.constant 3 : i32
    %swap3A_172 = arith.index_cast %swap3A_171 : i32 to index
    %swap3A_173 = arith.constant 64 : index
    %swap3A_174 = tpu.vector_load %arg11[%swap3A_172, %swap3A_173] {strides = array<i32>} : memref<16x128xf32, #tpu.memory_space<vmem>>, vector<1x16xf32>,
    %swap3A_175 = vector.shape_cast %swap3A_174 : vector<1x16xf32> to vector<16xf32>
    %swap3A_176 = vector.shape_cast %broadcast_in_dim3A_1 : vector<16xf32> to vector<1x16xf32>
    tpu.vector_store %arg11[%swap3A_172, %swap3A_173], %swap3A_176 {strides = array<i32>} : memref<16x128xf32, #tpu.memory_space<vmem>>, vector<1x16xf32>,
    %swap3A_177 = arith.constant 3 : i32
    %swap3A_178 = arith.index_cast %swap3A_177 : i32 to index
    %swap3A_179 = arith.constant 80 : index
    %swap3A_180 = tpu.vector_load %arg11[%swap3A_178, %swap3A_179] {strides = array<i32>} : memref<16x128xf32, #tpu.memory_space<vmem>>, vector<1x16xf32>,
    %swap3A_181 = vector.shape_cast %swap3A_180 : vector<1x16xf32> to vector<16xf32>
    %swap3A_182 = vector.shape_cast %broadcast_in_dim3A_1 : vector<16xf32> to vector<1x16xf32>
    tpu.vector_store %arg11[%swap3A_178, %swap3A_179], %swap3A_182 {strides = array<i32>} : memref<16x128xf32, #tpu.memory_space<vmem>>, vector<1x16xf32>,
    %swap3A_183 = arith.constant 3 : i32
    %swap3A_184 = arith.index_cast %swap3A_183 : i32 to index
    %swap3A_185 = arith.constant 96 : index
    %swap3A_186 = tpu.vector_load %arg11[%swap3A_184, %swap3A_185] {strides = array<i32>} : memref<16x128xf32, #tpu.memory_space<vmem>>, vector<1x16xf32>,
    %swap3A_187 = vector.shape_cast %swap3A_186 : vector<1x16xf32> to vector<16xf32>
    %swap3A_188 = vector.shape_cast %broadcast_in_dim3A_1 : vector<16xf32> to vector<1x16xf32>
    tpu.vector_store %arg11[%swap3A_184, %swap3A_185], %swap3A_188 {strides = array<i32>} : memref<16x128xf32, #tpu.memory_space<vmem>>, vector<1x16xf32>,
    %swap3A_189 = arith.constant 3 : i32
    %swap3A_190 = arith.index_cast %swap3A_189 : i32 to index
    %swap3A_191 = arith.constant 112 : index
    %swap3A_192 = tpu.vector_load %arg11[%swap3A_190, %swap3A_191] {strides = array<i32>} : memref<16x128xf32, #tpu.memory_space<vmem>>, vector<1x16xf32>,
    %swap3A_193 = vector.shape_cast %swap3A_192 : vector<1x16xf32> to vector<16xf32>
    %swap3A_194 = vector.shape_cast %broadcast_in_dim3A_1 : vector<16xf32> to vector<1x16xf32>
    tpu.vector_store %arg11[%swap3A_190, %swap3A_191], %swap3A_194 {strides = array<i32>} : memref<16x128xf32, #tpu.memory_space<vmem>>, vector<1x16xf32>,
    %swap3A_195 = arith.constant 4 : i32
    %swap3A_196 = arith.index_cast %swap3A_195 : i32 to index
    %swap3A_197 = arith.constant 0 : index
    %swap3A_198 = tpu.vector_load %arg11[%swap3A_196, %swap3A_197] {strides = array<i32>} : memref<16x128xf32, #tpu.memory_space<vmem>>, vector<1x16xf32>,
    %swap3A_199 = vector.shape_cast %swap3A_198 : vector<1x16xf32> to vector<16xf32>
    %swap3A_200 = vector.shape_cast %broadcast_in_dim3A_1 : vector<16xf32> to vector<1x16xf32>
    tpu.vector_store %arg11[%swap3A_196, %swap3A_197], %swap3A_200 {strides = array<i32>} : memref<16x128xf32, #tpu.memory_space<vmem>>, vector<1x16xf32>,
    %swap3A_201 = arith.constant 4 : i32
    %swap3A_202 = arith.index_cast %swap3A_201 : i32 to index
    %swap3A_203 = arith.constant 16 : index
    %swap3A_204 = tpu.vector_load %arg11[%swap3A_202, %swap3A_203] {strides = array<i32>} : memref<16x128xf32, #tpu.memory_space<vmem>>, vector<1x16xf32>,
    %swap3A_205 = vector.shape_cast %swap3A_204 : vector<1x16xf32> to vector<16xf32>
    %swap3A_206 = vector.shape_cast %broadcast_in_dim3A_1 : vector<16xf32> to vector<1x16xf32>
    tpu.vector_store %arg11[%swap3A_202, %swap3A_203], %swap3A_206 {strides = array<i32>} : memref<16x128xf32, #tpu.memory_space<vmem>>, vector<1x16xf32>,
    %swap3A_207 = arith.constant 4 : i32
    %swap3A_208 = arith.index_cast %swap3A_207 : i32 to index
    %swap3A_209 = arith.constant 32 : index
    %swap3A_210 = tpu.vector_load %arg11[%swap3A_208, %swap3A_209] {strides = array<i32>} : memref<16x128xf32, #tpu.memory_space<vmem>>, vector<1x16xf32>,
    %swap3A_211 = vector.shape_cast %swap3A_210 : vector<1x16xf32> to vector<16xf32>
    %swap3A_212 = vector.shape_cast %broadcast_in_dim3A_1 : vector<16xf32> to vector<1x16xf32>
    tpu.vector_store %arg11[%swap3A_208, %swap3A_209], %swap3A_212 {strides = array<i32>} : memref<16x128xf32, #tpu.memory_space<vmem>>, vector<1x16xf32>,
    %swap3A_213 = arith.constant 4 : i32
    %swap3A_214 = arith.index_cast %swap3A_213 : i32 to index
    %swap3A_215 = arith.constant 48 : index
    %swap3A_216 = tpu.vector_load %arg11[%swap3A_214, %swap3A_215] {strides = array<i32>} : memref<16x128xf32, #tpu.memory_space<vmem>>, vector<1x16xf32>,
    %swap3A_217 = vector.shape_cast %swap3A_216 : vector<1x16xf32> to vector<16xf32>
    %swap3A_218 = vector.shape_cast %broadcast_in_dim3A_1 : vector<16xf32> to vector<1x16xf32>
    tpu.vector_store %arg11[%swap3A_214, %swap3A_215], %swap3A_218 {strides = array<i32>} : memref<16x128xf32, #tpu.memory_space<vmem>>, vector<1x16xf32>,
    %swap3A_219 = arith.constant 4 : i32
    %swap3A_220 = arith.index_cast %swap3A_219 : i32 to index
    %swap3A_221 = arith.constant 64 : index
    %swap3A_222 = tpu.vector_load %arg11[%swap3A_220, %swap3A_221] {strides = array<i32>} : memref<16x128xf32, #tpu.memory_space<vmem>>, vector<1x16xf32>,
    %swap3A_223 = vector.shape_cast %swap3A_222 : vector<1x16xf32> to vector<16xf32>
    %swap3A_224 = vector.shape_cast %broadcast_in_dim3A_1 : vector<16xf32> to vector<1x16xf32>
    tpu.vector_store %arg11[%swap3A_220, %swap3A_221], %swap3A_224 {strides = array<i32>} : memref<16x128xf32, #tpu.memory_space<vmem>>, vector<1x16xf32>,
    %swap3A_225 = arith.constant 4 : i32
    %swap3A_226 = arith.index_cast %swap3A_225 : i32 to index
    %swap3A_227 = arith.constant 80 : index
    %swap3A_228 = tpu.vector_load %arg11[%swap3A_226, %swap3A_227] {strides = array<i32>} : memref<16x128xf32, #tpu.memory_space<vmem>>, vector<1x16xf32>,
    %swap3A_229 = vector.shape_cast %swap3A_228 : vector<1x16xf32> to vector<16xf32>
    %swap3A_230 = vector.shape_cast %broadcast_in_dim3A_1 : vector<16xf32> to vector<1x16xf32>
    tpu.vector_store %arg11[%swap3A_226, %swap3A_227], %swap3A_230 {strides = array<i32>} : memref<16x128xf32, #tpu.memory_space<vmem>>, vector<1x16xf32>,
    %swap3A_231 = arith.constant 4 : i32
    %swap3A_232 = arith.index_cast %swap3A_231 : i32 to index
    %swap3A_233 = arith.constant 96 : index
    %swap3A_234 = tpu.vector_load %arg11[%swap3A_232, %swap3A_233] {strides = array<i32>} : memref<16x128xf32, #tpu.memory_space<vmem>>, vector<1x16xf32>,
    %swap3A_235 = vector.shape_cast %swap3A_234 : vector<1x16xf32> to vector<16xf32>
    %swap3A_236 = vector.shape_cast %broadcast_in_dim3A_1 : vector<16xf32> to vector<1x16xf32>
    tpu.vector_store %arg11[%swap3A_232, %swap3A_233], %swap3A_236 {strides = array<i32>} : memref<16x128xf32, #tpu.memory_space<vmem>>, vector<1x16xf32>,
    %swap3A_237 = arith.constant 4 : i32
    %swap3A_238 = arith.index_cast %swap3A_237 : i32 to index
    %swap3A_239 = arith.constant 112 : index
    %swap3A_240 = tpu.vector_load %arg11[%swap3A_238, %swap3A_239] {strides = array<i32>} : memref<16x128xf32, #tpu.memory_space<vmem>>, vector<1x16xf32>,
    %swap3A_241 = vector.shape_cast %swap3A_240 : vector<1x16xf32> to vector<16xf32>
    %swap3A_242 = vector.shape_cast %broadcast_in_dim3A_1 : vector<16xf32> to vector<1x16xf32>
    tpu.vector_store %arg11[%swap3A_238, %swap3A_239], %swap3A_242 {strides = array<i32>} : memref<16x128xf32, #tpu.memory_space<vmem>>, vector<1x16xf32>,
    %swap3A_243 = arith.constant 5 : i32
    %swap3A_244 = arith.index_cast %swap3A_243 : i32 to index
    %swap3A_245 = arith.constant 0 : index
    %swap3A_246 = tpu.vector_load %arg11[%swap3A_244, %swap3A_245] {strides = array<i32>} : memref<16x128xf32, #tpu.memory_space<vmem>>, vector<1x16xf32>,
    %swap3A_247 = vector.shape_cast %swap3A_246 : vector<1x16xf32> to vector<16xf32>
    %swap3A_248 = vector.shape_cast %broadcast_in_dim3A_1 : vector<16xf32> to vector<1x16xf32>
    tpu.vector_store %arg11[%swap3A_244, %swap3A_245], %swap3A_248 {strides = array<i32>} : memref<16x128xf32, #tpu.memory_space<vmem>>, vector<1x16xf32>,
    %swap3A_249 = arith.constant 5 : i32
    %swap3A_250 = arith.index_cast %swap3A_249 : i32 to index
    %swap3A_251 = arith.constant 16 : index
    %swap3A_252 = tpu.vector_load %arg11[%swap3A_250, %swap3A_251] {strides = array<i32>} : memref<16x128xf32, #tpu.memory_space<vmem>>, vector<1x16xf32>,
    %swap3A_253 = vector.shape_cast %swap3A_252 : vector<1x16xf32> to vector<16xf32>
    %swap3A_254 = vector.shape_cast %broadcast_in_dim3A_1 : vector<16xf32> to vector<1x16xf32>
    tpu.vector_store %arg11[%swap3A_250, %swap3A_251], %swap3A_254 {strides = array<i32>} : memref<16x128xf32, #tpu.memory_space<vmem>>, vector<1x16xf32>,
    %swap3A_255 = arith.constant 5 : i32
    %swap3A_256 = arith.index_cast %swap3A_255 : i32 to index
    %swap3A_257 = arith.constant 32 : index
    %swap3A_258 = tpu.vector_load %arg11[%swap3A_256, %swap3A_257] {strides = array<i32>} : memref<16x128xf32, #tpu.memory_space<vmem>>, vector<1x16xf32>,
    %swap3A_259 = vector.shape_cast %swap3A_258 : vector<1x16xf32> to vector<16xf32>
    %swap3A_260 = vector.shape_cast %broadcast_in_dim3A_1 : vector<16xf32> to vector<1x16xf32>
    tpu.vector_store %arg11[%swap3A_256, %swap3A_257], %swap3A_260 {strides = array<i32>} : memref<16x128xf32, #tpu.memory_space<vmem>>, vector<1x16xf32>,
    %swap3A_261 = arith.constant 5 : i32
    %swap3A_262 = arith.index_cast %swap3A_261 : i32 to index
    %swap3A_263 = arith.constant 48 : index
    %swap3A_264 = tpu.vector_load %arg11[%swap3A_262, %swap3A_263] {strides = array<i32>} : memref<16x128xf32, #tpu.memory_space<vmem>>, vector<1x16xf32>,
    %swap3A_265 = vector.shape_cast %swap3A_264 : vector<1x16xf32> to vector<16xf32>
    %swap3A_266 = vector.shape_cast %broadcast_in_dim3A_1 : vector<16xf32> to vector<1x16xf32>
    tpu.vector_store %arg11[%swap3A_262, %swap3A_263], %swap3A_266 {strides = array<i32>} : memref<16x128xf32, #tpu.memory_space<vmem>>, vector<1x16xf32>,
    %swap3A_267 = arith.constant 5 : i32
    %swap3A_268 = arith.index_cast %swap3A_267 : i32 to index
    %swap3A_269 = arith.constant 64 : index
    %swap3A_270 = tpu.vector_load %arg11[%swap3A_268, %swap3A_269] {strides = array<i32>} : memref<16x128xf32, #tpu.memory_space<vmem>>, vector<1x16xf32>,
    %swap3A_271 = vector.shape_cast %swap3A_270 : vector<1x16xf32> to vector<16xf32>
    %swap3A_272 = vector.shape_cast %broadcast_in_dim3A_1 : vector<16xf32> to vector<1x16xf32>
    tpu.vector_store %arg11[%swap3A_268, %swap3A_269], %swap3A_272 {strides = array<i32>} : memref<16x128xf32, #tpu.memory_space<vmem>>, vector<1x16xf32>,
    %swap3A_273 = arith.constant 5 : i32
    %swap3A_274 = arith.index_cast %swap3A_273 : i32 to index
    %swap3A_275 = arith.constant 80 : index
    %swap3A_276 = tpu.vector_load %arg11[%swap3A_274, %swap3A_275] {strides = array<i32>} : memref<16x128xf32, #tpu.memory_space<vmem>>, vector<1x16xf32>,
    %swap3A_277 = vector.shape_cast %swap3A_276 : vector<1x16xf32> to vector<16xf32>
    %swap3A_278 = vector.shape_cast %broadcast_in_dim3A_1 : vector<16xf32> to vector<1x16xf32>
    tpu.vector_store %arg11[%swap3A_274, %swap3A_275], %swap3A_278 {strides = array<i32>} : memref<16x128xf32, #tpu.memory_space<vmem>>, vector<1x16xf32>,
    %swap3A_279 = arith.constant 5 : i32
    %swap3A_280 = arith.index_cast %swap3A_279 : i32 to index
    %swap3A_281 = arith.constant 96 : index
    %swap3A_282 = tpu.vector_load %arg11[%swap3A_280, %swap3A_281] {strides = array<i32>} : memref<16x128xf32, #tpu.memory_space<vmem>>, vector<1x16xf32>,
    %swap3A_283 = vector.shape_cast %swap3A_282 : vector<1x16xf32> to vector<16xf32>
    %swap3A_284 = vector.shape_cast %broadcast_in_dim3A_1 : vector<16xf32> to vector<1x16xf32>
    tpu.vector_store %arg11[%swap3A_280, %swap3A_281], %swap3A_284 {strides = array<i32>} : memref<16x128xf32, #tpu.memory_space<vmem>>, vector<1x16xf32>,
    %swap3A_285 = arith.constant 5 : i32
    %swap3A_286 = arith.index_cast %swap3A_285 : i32 to index
    %swap3A_287 = arith.constant 112 : index
    %swap3A_288 = tpu.vector_load %arg11[%swap3A_286, %swap3A_287] {strides = array<i32>} : memref<16x128xf32, #tpu.memory_space<vmem>>, vector<1x16xf32>,
    %swap3A_289 = vector.shape_cast %swap3A_288 : vector<1x16xf32> to vector<16xf32>
    %swap3A_290 = vector.shape_cast %broadcast_in_dim3A_1 : vector<16xf32> to vector<1x16xf32>
    tpu.vector_store %arg11[%swap3A_286, %swap3A_287], %swap3A_290 {strides = array<i32>} : memref<16x128xf32, #tpu.memory_space<vmem>>, vector<1x16xf32>,
    %swap3A_291 = arith.constant 6 : i32
    %swap3A_292 = arith.index_cast %swap3A_291 : i32 to index
    %swap3A_293 = arith.constant 0 : index
    %swap3A_294 = tpu.vector_load %arg11[%swap3A_292, %swap3A_293] {strides = array<i32>} : memref<16x128xf32, #tpu.memory_space<vmem>>, vector<1x16xf32>,
    %swap3A_295 = vector.shape_cast %swap3A_294 : vector<1x16xf32> to vector<16xf32>
    %swap3A_296 = vector.shape_cast %broadcast_in_dim3A_1 : vector<16xf32> to vector<1x16xf32>
    tpu.vector_store %arg11[%swap3A_292, %swap3A_293], %swap3A_296 {strides = array<i32>} : memref<16x128xf32, #tpu.memory_space<vmem>>, vector<1x16xf32>,
    %swap3A_297 = arith.constant 6 : i32
    %swap3A_298 = arith.index_cast %swap3A_297 : i32 to index
    %swap3A_299 = arith.constant 16 : index
    %swap3A_300 = tpu.vector_load %arg11[%swap3A_298, %swap3A_299] {strides = array<i32>} : memref<16x128xf32, #tpu.memory_space<vmem>>, vector<1x16xf32>,
    %swap3A_301 = vector.shape_cast %swap3A_300 : vector<1x16xf32> to vector<16xf32>
    %swap3A_302 = vector.shape_cast %broadcast_in_dim3A_1 : vector<16xf32> to vector<1x16xf32>
    tpu.vector_store %arg11[%swap3A_298, %swap3A_299], %swap3A_302 {strides = array<i32>} : memref<16x128xf32, #tpu.memory_space<vmem>>, vector<1x16xf32>,
    %swap3A_303 = arith.constant 6 : i32
    %swap3A_304 = arith.index_cast %swap3A_303 : i32 to index
    %swap3A_305 = arith.constant 32 : index
    %swap3A_306 = tpu.vector_load %arg11[%swap3A_304, %swap3A_305] {strides = array<i32>} : memref<16x128xf32, #tpu.memory_space<vmem>>, vector<1x16xf32>,
    %swap3A_307 = vector.shape_cast %swap3A_306 : vector<1x16xf32> to vector<16xf32>
    %swap3A_308 = vector.shape_cast %broadcast_in_dim3A_1 : vector<16xf32> to vector<1x16xf32>
    tpu.vector_store %arg11[%swap3A_304, %swap3A_305], %swap3A_308 {strides = array<i32>} : memref<16x128xf32, #tpu.memory_space<vmem>>, vector<1x16xf32>,
    %swap3A_309 = arith.constant 6 : i32
    %swap3A_310 = arith.index_cast %swap3A_309 : i32 to index
    %swap3A_311 = arith.constant 48 : index
    %swap3A_312 = tpu.vector_load %arg11[%swap3A_310, %swap3A_311] {strides = array<i32>} : memref<16x128xf32, #tpu.memory_space<vmem>>, vector<1x16xf32>,
    %swap3A_313 = vector.shape_cast %swap3A_312 : vector<1x16xf32> to vector<16xf32>
    %swap3A_314 = vector.shape_cast %broadcast_in_dim3A_1 : vector<16xf32> to vector<1x16xf32>
    tpu.vector_store %arg11[%swap3A_310, %swap3A_311], %swap3A_314 {strides = array<i32>} : memref<16x128xf32, #tpu.memory_space<vmem>>, vector<1x16xf32>,
    %swap3A_315 = arith.constant 6 : i32
    %swap3A_316 = arith.index_cast %swap3A_315 : i32 to index
    %swap3A_317 = arith.constant 64 : index
    %swap3A_318 = tpu.vector_load %arg11[%swap3A_316, %swap3A_317] {strides = array<i32>} : memref<16x128xf32, #tpu.memory_space<vmem>>, vector<1x16xf32>,
    %swap3A_319 = vector.shape_cast %swap3A_318 : vector<1x16xf32> to vector<16xf32>
    %swap3A_320 = vector.shape_cast %broadcast_in_dim3A_1 : vector<16xf32> to vector<1x16xf32>
    tpu.vector_store %arg11[%swap3A_316, %swap3A_317], %swap3A_320 {strides = array<i32>} : memref<16x128xf32, #tpu.memory_space<vmem>>, vector<1x16xf32>,
    %swap3A_321 = arith.constant 6 : i32
    %swap3A_322 = arith.index_cast %swap3A_321 : i32 to index
    %swap3A_323 = arith.constant 80 : index
    %swap3A_324 = tpu.vector_load %arg11[%swap3A_322, %swap3A_323] {strides = array<i32>} : memref<16x128xf32, #tpu.memory_space<vmem>>, vector<1x16xf32>,
    %swap3A_325 = vector.shape_cast %swap3A_324 : vector<1x16xf32> to vector<16xf32>
    %swap3A_326 = vector.shape_cast %broadcast_in_dim3A_1 : vector<16xf32> to vector<1x16xf32>
    tpu.vector_store %arg11[%swap3A_322, %swap3A_323], %swap3A_326 {strides = array<i32>} : memref<16x128xf32, #tpu.memory_space<vmem>>, vector<1x16xf32>,
    %swap3A_327 = arith.constant 6 : i32
    %swap3A_328 = arith.index_cast %swap3A_327 : i32 to index
    %swap3A_329 = arith.constant 96 : index
    %swap3A_330 = tpu.vector_load %arg11[%swap3A_328, %swap3A_329] {strides = array<i32>} : memref<16x128xf32, #tpu.memory_space<vmem>>, vector<1x16xf32>,
    %swap3A_331 = vector.shape_cast %swap3A_330 : vector<1x16xf32> to vector<16xf32>
    %swap3A_332 = vector.shape_cast %broadcast_in_dim3A_1 : vector<16xf32> to vector<1x16xf32>
    tpu.vector_store %arg11[%swap3A_328, %swap3A_329], %swap3A_332 {strides = array<i32>} : memref<16x128xf32, #tpu.memory_space<vmem>>, vector<1x16xf32>,
    %swap3A_333 = arith.constant 6 : i32
    %swap3A_334 = arith.index_cast %swap3A_333 : i32 to index
    %swap3A_335 = arith.constant 112 : index
    %swap3A_336 = tpu.vector_load %arg11[%swap3A_334, %swap3A_335] {strides = array<i32>} : memref<16x128xf32, #tpu.memory_space<vmem>>, vector<1x16xf32>,
    %swap3A_337 = vector.shape_cast %swap3A_336 : vector<1x16xf32> to vector<16xf32>
    %swap3A_338 = vector.shape_cast %broadcast_in_dim3A_1 : vector<16xf32> to vector<1x16xf32>
    tpu.vector_store %arg11[%swap3A_334, %swap3A_335], %swap3A_338 {strides = array<i32>} : memref<16x128xf32, #tpu.memory_space<vmem>>, vector<1x16xf32>,
    %swap3A_339 = arith.constant 7 : i32
    %swap3A_340 = arith.index_cast %swap3A_339 : i32 to index
    %swap3A_341 = arith.constant 0 : index
    %swap3A_342 = tpu.vector_load %arg11[%swap3A_340, %swap3A_341] {strides = array<i32>} : memref<16x128xf32, #tpu.memory_space<vmem>>, vector<1x16xf32>,
    %swap3A_343 = vector.shape_cast %swap3A_342 : vector<1x16xf32> to vector<16xf32>
    %swap3A_344 = vector.shape_cast %broadcast_in_dim3A_1 : vector<16xf32> to vector<1x16xf32>
    tpu.vector_store %arg11[%swap3A_340, %swap3A_341], %swap3A_344 {strides = array<i32>} : memref<16x128xf32, #tpu.memory_space<vmem>>, vector<1x16xf32>,
    %swap3A_345 = arith.constant 7 : i32
    %swap3A_346 = arith.index_cast %swap3A_345 : i32 to index
    %swap3A_347 = arith.constant 16 : index
    %swap3A_348 = tpu.vector_load %arg11[%swap3A_346, %swap3A_347] {strides = array<i32>} : memref<16x128xf32, #tpu.memory_space<vmem>>, vector<1x16xf32>,
    %swap3A_349 = vector.shape_cast %swap3A_348 : vector<1x16xf32> to vector<16xf32>
    %swap3A_350 = vector.shape_cast %broadcast_in_dim3A_1 : vector<16xf32> to vector<1x16xf32>
    tpu.vector_store %arg11[%swap3A_346, %swap3A_347], %swap3A_350 {strides = array<i32>} : memref<16x128xf32, #tpu.memory_space<vmem>>, vector<1x16xf32>,
    %swap3A_351 = arith.constant 7 : i32
    %swap3A_352 = arith.index_cast %swap3A_351 : i32 to index
    %swap3A_353 = arith.constant 32 : index
    %swap3A_354 = tpu.vector_load %arg11[%swap3A_352, %swap3A_353] {strides = array<i32>} : memref<16x128xf32, #tpu.memory_space<vmem>>, vector<1x16xf32>,
    %swap3A_355 = vector.shape_cast %swap3A_354 : vector<1x16xf32> to vector<16xf32>
    %swap3A_356 = vector.shape_cast %broadcast_in_dim3A_1 : vector<16xf32> to vector<1x16xf32>
    tpu.vector_store %arg11[%swap3A_352, %swap3A_353], %swap3A_356 {strides = array<i32>} : memref<16x128xf32, #tpu.memory_space<vmem>>, vector<1x16xf32>,
    %swap3A_357 = arith.constant 7 : i32
    %swap3A_358 = arith.index_cast %swap3A_357 : i32 to index
    %swap3A_359 = arith.constant 48 : index
    %swap3A_360 = tpu.vector_load %arg11[%swap3A_358, %swap3A_359] {strides = array<i32>} : memref<16x128xf32, #tpu.memory_space<vmem>>, vector<1x16xf32>,
    %swap3A_361 = vector.shape_cast %swap3A_360 : vector<1x16xf32> to vector<16xf32>
    %swap3A_362 = vector.shape_cast %broadcast_in_dim3A_1 : vector<16xf32> to vector<1x16xf32>
    tpu.vector_store %arg11[%swap3A_358, %swap3A_359], %swap3A_362 {strides = array<i32>} : memref<16x128xf32, #tpu.memory_space<vmem>>, vector<1x16xf32>,
    %swap3A_363 = arith.constant 7 : i32
    %swap3A_364 = arith.index_cast %swap3A_363 : i32 to index
    %swap3A_365 = arith.constant 64 : index
    %swap3A_366 = tpu.vector_load %arg11[%swap3A_364, %swap3A_365] {strides = array<i32>} : memref<16x128xf32, #tpu.memory_space<vmem>>, vector<1x16xf32>,
    %swap3A_367 = vector.shape_cast %swap3A_366 : vector<1x16xf32> to vector<16xf32>
    %swap3A_368 = vector.shape_cast %broadcast_in_dim3A_1 : vector<16xf32> to vector<1x16xf32>
    tpu.vector_store %arg11[%swap3A_364, %swap3A_365], %swap3A_368 {strides = array<i32>} : memref<16x128xf32, #tpu.memory_space<vmem>>, vector<1x16xf32>,
    %swap3A_369 = arith.constant 7 : i32
    %swap3A_370 = arith.index_cast %swap3A_369 : i32 to index
    %swap3A_371 = arith.constant 80 : index
    %swap3A_372 = tpu.vector_load %arg11[%swap3A_370, %swap3A_371] {strides = array<i32>} : memref<16x128xf32, #tpu.memory_space<vmem>>, vector<1x16xf32>,
    %swap3A_373 = vector.shape_cast %swap3A_372 : vector<1x16xf32> to vector<16xf32>
    %swap3A_374 = vector.shape_cast %broadcast_in_dim3A_1 : vector<16xf32> to vector<1x16xf32>
    tpu.vector_store %arg11[%swap3A_370, %swap3A_371], %swap3A_374 {strides = array<i32>} : memref<16x128xf32, #tpu.memory_space<vmem>>, vector<1x16xf32>,
    %swap3A_375 = arith.constant 7 : i32
    %swap3A_376 = arith.index_cast %swap3A_375 : i32 to index
    %swap3A_377 = arith.constant 96 : index
    %swap3A_378 = tpu.vector_load %arg11[%swap3A_376, %swap3A_377] {strides = array<i32>} : memref<16x128xf32, #tpu.memory_space<vmem>>, vector<1x16xf32>,
    %swap3A_379 = vector.shape_cast %swap3A_378 : vector<1x16xf32> to vector<16xf32>
    %swap3A_380 = vector.shape_cast %broadcast_in_dim3A_1 : vector<16xf32> to vector<1x16xf32>
    tpu.vector_store %arg11[%swap3A_376, %swap3A_377], %swap3A_380 {strides = array<i32>} : memref<16x128xf32, #tpu.memory_space<vmem>>, vector<1x16xf32>,
    %swap3A_381 = arith.constant 7 : i32
    %swap3A_382 = arith.index_cast %swap3A_381 : i32 to index
    %swap3A_383 = arith.constant 112 : index
    %swap3A_384 = tpu.vector_load %arg11[%swap3A_382, %swap3A_383] {strides = array<i32>} : memref<16x128xf32, #tpu.memory_space<vmem>>, vector<1x16xf32>,
    %swap3A_385 = vector.shape_cast %swap3A_384 : vector<1x16xf32> to vector<16xf32>
    %swap3A_386 = vector.shape_cast %broadcast_in_dim3A_1 : vector<16xf32> to vector<1x16xf32>
    tpu.vector_store %arg11[%swap3A_382, %swap3A_383], %swap3A_386 {strides = array<i32>} : memref<16x128xf32, #tpu.memory_space<vmem>>, vector<1x16xf32>,
    %swap3A_387 = arith.constant 8 : i32
    %swap3A_388 = arith.index_cast %swap3A_387 : i32 to index
    %swap3A_389 = arith.constant 0 : index
    %swap3A_390 = tpu.vector_load %arg11[%swap3A_388, %swap3A_389] {strides = array<i32>} : memref<16x128xf32, #tpu.memory_space<vmem>>, vector<1x16xf32>,
    %swap3A_391 = vector.shape_cast %swap3A_390 : vector<1x16xf32> to vector<16xf32>
    %swap3A_392 = vector.shape_cast %broadcast_in_dim3A_1 : vector<16xf32> to vector<1x16xf32>
    tpu.vector_store %arg11[%swap3A_388, %swap3A_389], %swap3A_392 {strides = array<i32>} : memref<16x128xf32, #tpu.memory_space<vmem>>, vector<1x16xf32>,
    %swap3A_393 = arith.constant 8 : i32
    %swap3A_394 = arith.index_cast %swap3A_393 : i32 to index
    %swap3A_395 = arith.constant 16 : index
    %swap3A_396 = tpu.vector_load %arg11[%swap3A_394, %swap3A_395] {strides = array<i32>} : memref<16x128xf32, #tpu.memory_space<vmem>>, vector<1x16xf32>,
    %swap3A_397 = vector.shape_cast %swap3A_396 : vector<1x16xf32> to vector<16xf32>
    %swap3A_398 = vector.shape_cast %broadcast_in_dim3A_1 : vector<16xf32> to vector<1x16xf32>
    tpu.vector_store %arg11[%swap3A_394, %swap3A_395], %swap3A_398 {strides = array<i32>} : memref<16x128xf32, #tpu.memory_space<vmem>>, vector<1x16xf32>,
    %swap3A_399 = arith.constant 8 : i32
    %swap3A_400 = arith.index_cast %swap3A_399 : i32 to index
    %swap3A_401 = arith.constant 32 : index
    %swap3A_402 = tpu.vector_load %arg11[%swap3A_400, %swap3A_401] {strides = array<i32>} : memref<16x128xf32, #tpu.memory_space<vmem>>, vector<1x16xf32>,
    %swap3A_403 = vector.shape_cast %swap3A_402 : vector<1x16xf32> to vector<16xf32>
    %swap3A_404 = vector.shape_cast %broadcast_in_dim3A_1 : vector<16xf32> to vector<1x16xf32>
    tpu.vector_store %arg11[%swap3A_400, %swap3A_401], %swap3A_404 {strides = array<i32>} : memref<16x128xf32, #tpu.memory_space<vmem>>, vector<1x16xf32>,
    %swap3A_405 = arith.constant 8 : i32
    %swap3A_406 = arith.index_cast %swap3A_405 : i32 to index
    %swap3A_407 = arith.constant 48 : index
    %swap3A_408 = tpu.vector_load %arg11[%swap3A_406, %swap3A_407] {strides = array<i32>} : memref<16x128xf32, #tpu.memory_space<vmem>>, vector<1x16xf32>,
    %swap3A_409 = vector.shape_cast %swap3A_408 : vector<1x16xf32> to vector<16xf32>
    %swap3A_410 = vector.shape_cast %broadcast_in_dim3A_1 : vector<16xf32> to vector<1x16xf32>
    tpu.vector_store %arg11[%swap3A_406, %swap3A_407], %swap3A_410 {strides = array<i32>} : memref<16x128xf32, #tpu.memory_space<vmem>>, vector<1x16xf32>,
    %swap3A_411 = arith.constant 8 : i32
    %swap3A_412 = arith.index_cast %swap3A_411 : i32 to index
    %swap3A_413 = arith.constant 64 : index
    %swap3A_414 = tpu.vector_load %arg11[%swap3A_412, %swap3A_413] {strides = array<i32>} : memref<16x128xf32, #tpu.memory_space<vmem>>, vector<1x16xf32>,
    %swap3A_415 = vector.shape_cast %swap3A_414 : vector<1x16xf32> to vector<16xf32>
    %swap3A_416 = vector.shape_cast %broadcast_in_dim3A_1 : vector<16xf32> to vector<1x16xf32>
    tpu.vector_store %arg11[%swap3A_412, %swap3A_413], %swap3A_416 {strides = array<i32>} : memref<16x128xf32, #tpu.memory_space<vmem>>, vector<1x16xf32>,
    %swap3A_417 = arith.constant 8 : i32
    %swap3A_418 = arith.index_cast %swap3A_417 : i32 to index
    %swap3A_419 = arith.constant 80 : index
    %swap3A_420 = tpu.vector_load %arg11[%swap3A_418, %swap3A_419] {strides = array<i32>} : memref<16x128xf32, #tpu.memory_space<vmem>>, vector<1x16xf32>,
    %swap3A_421 = vector.shape_cast %swap3A_420 : vector<1x16xf32> to vector<16xf32>
    %swap3A_422 = vector.shape_cast %broadcast_in_dim3A_1 : vector<16xf32> to vector<1x16xf32>
    tpu.vector_store %arg11[%swap3A_418, %swap3A_419], %swap3A_422 {strides = array<i32>} : memref<16x128xf32, #tpu.memory_space<vmem>>, vector<1x16xf32>,
    %swap3A_423 = arith.constant 8 : i32
    %swap3A_424 = arith.index_cast %swap3A_423 : i32 to index
    %swap3A_425 = arith.constant 96 : index
    %swap3A_426 = tpu.vector_load %arg11[%swap3A_424, %swap3A_425] {strides = array<i32>} : memref<16x128xf32, #tpu.memory_space<vmem>>, vector<1x16xf32>,
    %swap3A_427 = vector.shape_cast %swap3A_426 : vector<1x16xf32> to vector<16xf32>
    %swap3A_428 = vector.shape_cast %broadcast_in_dim3A_1 : vector<16xf32> to vector<1x16xf32>
    tpu.vector_store %arg11[%swap3A_424, %swap3A_425], %swap3A_428 {strides = array<i32>} : memref<16x128xf32, #tpu.memory_space<vmem>>, vector<1x16xf32>,
    %swap3A_429 = arith.constant 8 : i32
    %swap3A_430 = arith.index_cast %swap3A_429 : i32 to index
    %swap3A_431 = arith.constant 112 : index
    %swap3A_432 = tpu.vector_load %arg11[%swap3A_430, %swap3A_431] {strides = array<i32>} : memref<16x128xf32, #tpu.memory_space<vmem>>, vector<1x16xf32>,
    %swap3A_433 = vector.shape_cast %swap3A_432 : vector<1x16xf32> to vector<16xf32>
    %swap3A_434 = vector.shape_cast %broadcast_in_dim3A_1 : vector<16xf32> to vector<1x16xf32>
    tpu.vector_store %arg11[%swap3A_430, %swap3A_431], %swap3A_434 {strides = array<i32>} : memref<16x128xf32, #tpu.memory_space<vmem>>, vector<1x16xf32>,
    %swap3A_435 = arith.constant 9 : i32
    %swap3A_436 = arith.index_cast %swap3A_435 : i32 to index
    %swap3A_437 = arith.constant 0 : index
    %swap3A_438 = tpu.vector_load %arg11[%swap3A_436, %swap3A_437] {strides = array<i32>} : memref<16x128xf32, #tpu.memory_space<vmem>>, vector<1x16xf32>,
    %swap3A_439 = vector.shape_cast %swap3A_438 : vector<1x16xf32> to vector<16xf32>
    %swap3A_440 = vector.shape_cast %broadcast_in_dim3A_1 : vector<16xf32> to vector<1x16xf32>
    tpu.vector_store %arg11[%swap3A_436, %swap3A_437], %swap3A_440 {strides = array<i32>} : memref<16x128xf32, #tpu.memory_space<vmem>>, vector<1x16xf32>,
    %swap3A_441 = arith.constant 9 : i32
    %swap3A_442 = arith.index_cast %swap3A_441 : i32 to index
    %swap3A_443 = arith.constant 16 : index
    %swap3A_444 = tpu.vector_load %arg11[%swap3A_442, %swap3A_443] {strides = array<i32>} : memref<16x128xf32, #tpu.memory_space<vmem>>, vector<1x16xf32>,
    %swap3A_445 = vector.shape_cast %swap3A_444 : vector<1x16xf32> to vector<16xf32>
    %swap3A_446 = vector.shape_cast %broadcast_in_dim3A_1 : vector<16xf32> to vector<1x16xf32>
    tpu.vector_store %arg11[%swap3A_442, %swap3A_443], %swap3A_446 {strides = array<i32>} : memref<16x128xf32, #tpu.memory_space<vmem>>, vector<1x16xf32>,
    %swap3A_447 = arith.constant 9 : i32
    %swap3A_448 = arith.index_cast %swap3A_447 : i32 to index
    %swap3A_449 = arith.constant 32 : index
    %swap3A_450 = tpu.vector_load %arg11[%swap3A_448, %swap3A_449] {strides = array<i32>} : memref<16x128xf32, #tpu.memory_space<vmem>>, vector<1x16xf32>,
    %swap3A_451 = vector.shape_cast %swap3A_450 : vector<1x16xf32> to vector<16xf32>
    %swap3A_452 = vector.shape_cast %broadcast_in_dim3A_1 : vector<16xf32> to vector<1x16xf32>
    tpu.vector_store %arg11[%swap3A_448, %swap3A_449], %swap3A_452 {strides = array<i32>} : memref<16x128xf32, #tpu.memory_space<vmem>>, vector<1x16xf32>,
    %swap3A_453 = arith.constant 9 : i32
    %swap3A_454 = arith.index_cast %swap3A_453 : i32 to index
    %swap3A_455 = arith.constant 48 : index
    %swap3A_456 = tpu.vector_load %arg11[%swap3A_454, %swap3A_455] {strides = array<i32>} : memref<16x128xf32, #tpu.memory_space<vmem>>, vector<1x16xf32>,
    %swap3A_457 = vector.shape_cast %swap3A_456 : vector<1x16xf32> to vector<16xf32>
    %swap3A_458 = vector.shape_cast %broadcast_in_dim3A_1 : vector<16xf32> to vector<1x16xf32>
    tpu.vector_store %arg11[%swap3A_454, %swap3A_455], %swap3A_458 {strides = array<i32>} : memref<16x128xf32, #tpu.memory_space<vmem>>, vector<1x16xf32>,
    %swap3A_459 = arith.constant 9 : i32
    %swap3A_460 = arith.index_cast %swap3A_459 : i32 to index
    %swap3A_461 = arith.constant 64 : index
    %swap3A_462 = tpu.vector_load %arg11[%swap3A_460, %swap3A_461] {strides = array<i32>} : memref<16x128xf32, #tpu.memory_space<vmem>>, vector<1x16xf32>,
    %swap3A_463 = vector.shape_cast %swap3A_462 : vector<1x16xf32> to vector<16xf32>
    %swap3A_464 = vector.shape_cast %broadcast_in_dim3A_1 : vector<16xf32> to vector<1x16xf32>
    tpu.vector_store %arg11[%swap3A_460, %swap3A_461], %swap3A_464 {strides = array<i32>} : memref<16x128xf32, #tpu.memory_space<vmem>>, vector<1x16xf32>,
    %swap3A_465 = arith.constant 9 : i32
    %swap3A_466 = arith.index_cast %swap3A_465 : i32 to index
    %swap3A_467 = arith.constant 80 : index
    %swap3A_468 = tpu.vector_load %arg11[%swap3A_466, %swap3A_467] {strides = array<i32>} : memref<16x128xf32, #tpu.memory_space<vmem>>, vector<1x16xf32>,
    %swap3A_469 = vector.shape_cast %swap3A_468 : vector<1x16xf32> to vector<16xf32>
    %swap3A_470 = vector.shape_cast %broadcast_in_dim3A_1 : vector<16xf32> to vector<1x16xf32>
    tpu.vector_store %arg11[%swap3A_466, %swap3A_467], %swap3A_470 {strides = array<i32>} : memref<16x128xf32, #tpu.memory_space<vmem>>, vector<1x16xf32>,
    %swap3A_471 = arith.constant 9 : i32
    %swap3A_472 = arith.index_cast %swap3A_471 : i32 to index
    %swap3A_473 = arith.constant 96 : index
    %swap3A_474 = tpu.vector_load %arg11[%swap3A_472, %swap3A_473] {strides = array<i32>} : memref<16x128xf32, #tpu.memory_space<vmem>>, vector<1x16xf32>,
    %swap3A_475 = vector.shape_cast %swap3A_474 : vector<1x16xf32> to vector<16xf32>
    %swap3A_476 = vector.shape_cast %broadcast_in_dim3A_1 : vector<16xf32> to vector<1x16xf32>
    tpu.vector_store %arg11[%swap3A_472, %swap3A_473], %swap3A_476 {strides = array<i32>} : memref<16x128xf32, #tpu.memory_space<vmem>>, vector<1x16xf32>,
    %swap3A_477 = arith.constant 9 : i32
    %swap3A_478 = arith.index_cast %swap3A_477 : i32 to index
    %swap3A_479 = arith.constant 112 : index
    %swap3A_480 = tpu.vector_load %arg11[%swap3A_478, %swap3A_479] {strides = array<i32>} : memref<16x128xf32, #tpu.memory_space<vmem>>, vector<1x16xf32>,
    %swap3A_481 = vector.shape_cast %swap3A_480 : vector<1x16xf32> to vector<16xf32>
    %swap3A_482 = vector.shape_cast %broadcast_in_dim3A_1 : vector<16xf32> to vector<1x16xf32>
    tpu.vector_store %arg11[%swap3A_478, %swap3A_479], %swap3A_482 {strides = array<i32>} : memref<16x128xf32, #tpu.memory_space<vmem>>, vector<1x16xf32>,
    %swap3A_483 = arith.constant 10 : i32
    %swap3A_484 = arith.index_cast %swap3A_483 : i32 to index
    %swap3A_485 = arith.constant 0 : index
    %swap3A_486 = tpu.vector_load %arg11[%swap3A_484, %swap3A_485] {strides = array<i32>} : memref<16x128xf32, #tpu.memory_space<vmem>>, vector<1x16xf32>,
    %swap3A_487 = vector.shape_cast %swap3A_486 : vector<1x16xf32> to vector<16xf32>
    %swap3A_488 = vector.shape_cast %broadcast_in_dim3A_1 : vector<16xf32> to vector<1x16xf32>
    tpu.vector_store %arg11[%swap3A_484, %swap3A_485], %swap3A_488 {strides = array<i32>} : memref<16x128xf32, #tpu.memory_space<vmem>>, vector<1x16xf32>,
    %swap3A_489 = arith.constant 10 : i32
    %swap3A_490 = arith.index_cast %swap3A_489 : i32 to index
    %swap3A_491 = arith.constant 16 : index
    %swap3A_492 = tpu.vector_load %arg11[%swap3A_490, %swap3A_491] {strides = array<i32>} : memref<16x128xf32, #tpu.memory_space<vmem>>, vector<1x16xf32>,
    %swap3A_493 = vector.shape_cast %swap3A_492 : vector<1x16xf32> to vector<16xf32>
    %swap3A_494 = vector.shape_cast %broadcast_in_dim3A_1 : vector<16xf32> to vector<1x16xf32>
    tpu.vector_store %arg11[%swap3A_490, %swap3A_491], %swap3A_494 {strides = array<i32>} : memref<16x128xf32, #tpu.memory_space<vmem>>, vector<1x16xf32>,
    %swap3A_495 = arith.constant 10 : i32
    %swap3A_496 = arith.index_cast %swap3A_495 : i32 to index
    %swap3A_497 = arith.constant 32 : index
    %swap3A_498 = tpu.vector_load %arg11[%swap3A_496, %swap3A_497] {strides = array<i32>} : memref<16x128xf32, #tpu.memory_space<vmem>>, vector<1x16xf32>,
    %swap3A_499 = vector.shape_cast %swap3A_498 : vector<1x16xf32> to vector<16xf32>
    %swap3A_500 = vector.shape_cast %broadcast_in_dim3A_1 : vector<16xf32> to vector<1x16xf32>
    tpu.vector_store %arg11[%swap3A_496, %swap3A_497], %swap3A_500 {strides = array<i32>} : memref<16x128xf32, #tpu.memory_space<vmem>>, vector<1x16xf32>,
    %swap3A_501 = arith.constant 10 : i32
    %swap3A_502 = arith.index_cast %swap3A_501 : i32 to index
    %swap3A_503 = arith.constant 48 : index
    %swap3A_504 = tpu.vector_load %arg11[%swap3A_502, %swap3A_503] {strides = array<i32>} : memref<16x128xf32, #tpu.memory_space<vmem>>, vector<1x16xf32>,
    %swap3A_505 = vector.shape_cast %swap3A_504 : vector<1x16xf32> to vector<16xf32>
    %swap3A_506 = vector.shape_cast %broadcast_in_dim3A_1 : vector<16xf32> to vector<1x16xf32>
    tpu.vector_store %arg11[%swap3A_502, %swap3A_503], %swap3A_506 {strides = array<i32>} : memref<16x128xf32, #tpu.memory_space<vmem>>, vector<1x16xf32>,
    %swap3A_507 = arith.constant 10 : i32
    %swap3A_508 = arith.index_cast %swap3A_507 : i32 to index
    %swap3A_509 = arith.constant 64 : index
    %swap3A_510 = tpu.vector_load %arg11[%swap3A_508, %swap3A_509] {strides = array<i32>} : memref<16x128xf32, #tpu.memory_space<vmem>>, vector<1x16xf32>,
    %swap3A_511 = vector.shape_cast %swap3A_510 : vector<1x16xf32> to vector<16xf32>
    %swap3A_512 = vector.shape_cast %broadcast_in_dim3A_1 : vector<16xf32> to vector<1x16xf32>
    tpu.vector_store %arg11[%swap3A_508, %swap3A_509], %swap3A_512 {strides = array<i32>} : memref<16x128xf32, #tpu.memory_space<vmem>>, vector<1x16xf32>,
    %swap3A_513 = arith.constant 10 : i32
    %swap3A_514 = arith.index_cast %swap3A_513 : i32 to index
    %swap3A_515 = arith.constant 80 : index
    %swap3A_516 = tpu.vector_load %arg11[%swap3A_514, %swap3A_515] {strides = array<i32>} : memref<16x128xf32, #tpu.memory_space<vmem>>, vector<1x16xf32>,
    %swap3A_517 = vector.shape_cast %swap3A_516 : vector<1x16xf32> to vector<16xf32>
    %swap3A_518 = vector.shape_cast %broadcast_in_dim3A_1 : vector<16xf32> to vector<1x16xf32>
    tpu.vector_store %arg11[%swap3A_514, %swap3A_515], %swap3A_518 {strides = array<i32>} : memref<16x128xf32, #tpu.memory_space<vmem>>, vector<1x16xf32>,
    %swap3A_519 = arith.constant 10 : i32
    %swap3A_520 = arith.index_cast %swap3A_519 : i32 to index
    %swap3A_521 = arith.constant 96 : index
    %swap3A_522 = tpu.vector_load %arg11[%swap3A_520, %swap3A_521] {strides = array<i32>} : memref<16x128xf32, #tpu.memory_space<vmem>>, vector<1x16xf32>,
    %swap3A_523 = vector.shape_cast %swap3A_522 : vector<1x16xf32> to vector<16xf32>
    %swap3A_524 = vector.shape_cast %broadcast_in_dim3A_1 : vector<16xf32> to vector<1x16xf32>
    tpu.vector_store %arg11[%swap3A_520, %swap3A_521], %swap3A_524 {strides = array<i32>} : memref<16x128xf32, #tpu.memory_space<vmem>>, vector<1x16xf32>,
    %swap3A_525 = arith.constant 10 : i32
    %swap3A_526 = arith.index_cast %swap3A_525 : i32 to index
    %swap3A_527 = arith.constant 112 : index
    %swap3A_528 = tpu.vector_load %arg11[%swap3A_526, %swap3A_527] {strides = array<i32>} : memref<16x128xf32, #tpu.memory_space<vmem>>, vector<1x16xf32>,
    %swap3A_529 = vector.shape_cast %swap3A_528 : vector<1x16xf32> to vector<16xf32>
    %swap3A_530 = vector.shape_cast %broadcast_in_dim3A_1 : vector<16xf32> to vector<1x16xf32>
    tpu.vector_store %arg11[%swap3A_526, %swap3A_527], %swap3A_530 {strides = array<i32>} : memref<16x128xf32, #tpu.memory_space<vmem>>, vector<1x16xf32>,
    %swap3A_531 = arith.constant 11 : i32
    %swap3A_532 = arith.index_cast %swap3A_531 : i32 to index
    %swap3A_533 = arith.constant 0 : index
    %swap3A_534 = tpu.vector_load %arg11[%swap3A_532, %swap3A_533] {strides = array<i32>} : memref<16x128xf32, #tpu.memory_space<vmem>>, vector<1x16xf32>,
    %swap3A_535 = vector.shape_cast %swap3A_534 : vector<1x16xf32> to vector<16xf32>
    %swap3A_536 = vector.shape_cast %broadcast_in_dim3A_1 : vector<16xf32> to vector<1x16xf32>
    tpu.vector_store %arg11[%swap3A_532, %swap3A_533], %swap3A_536 {strides = array<i32>} : memref<16x128xf32, #tpu.memory_space<vmem>>, vector<1x16xf32>,
    %swap3A_537 = arith.constant 11 : i32
    %swap3A_538 = arith.index_cast %swap3A_537 : i32 to index
    %swap3A_539 = arith.constant 16 : index
    %swap3A_540 = tpu.vector_load %arg11[%swap3A_538, %swap3A_539] {strides = array<i32>} : memref<16x128xf32, #tpu.memory_space<vmem>>, vector<1x16xf32>,
    %swap3A_541 = vector.shape_cast %swap3A_540 : vector<1x16xf32> to vector<16xf32>
    %swap3A_542 = vector.shape_cast %broadcast_in_dim3A_1 : vector<16xf32> to vector<1x16xf32>
    tpu.vector_store %arg11[%swap3A_538, %swap3A_539], %swap3A_542 {strides = array<i32>} : memref<16x128xf32, #tpu.memory_space<vmem>>, vector<1x16xf32>,
    %swap3A_543 = arith.constant 11 : i32
    %swap3A_544 = arith.index_cast %swap3A_543 : i32 to index
    %swap3A_545 = arith.constant 32 : index
    %swap3A_546 = tpu.vector_load %arg11[%swap3A_544, %swap3A_545] {strides = array<i32>} : memref<16x128xf32, #tpu.memory_space<vmem>>, vector<1x16xf32>,
    %swap3A_547 = vector.shape_cast %swap3A_546 : vector<1x16xf32> to vector<16xf32>
    %swap3A_548 = vector.shape_cast %broadcast_in_dim3A_1 : vector<16xf32> to vector<1x16xf32>
    tpu.vector_store %arg11[%swap3A_544, %swap3A_545], %swap3A_548 {strides = array<i32>} : memref<16x128xf32, #tpu.memory_space<vmem>>, vector<1x16xf32>,
    %swap3A_549 = arith.constant 11 : i32
    %swap3A_550 = arith.index_cast %swap3A_549 : i32 to index
    %swap3A_551 = arith.constant 48 : index
    %swap3A_552 = tpu.vector_load %arg11[%swap3A_550, %swap3A_551] {strides = array<i32>} : memref<16x128xf32, #tpu.memory_space<vmem>>, vector<1x16xf32>,
    %swap3A_553 = vector.shape_cast %swap3A_552 : vector<1x16xf32> to vector<16xf32>
    %swap3A_554 = vector.shape_cast %broadcast_in_dim3A_1 : vector<16xf32> to vector<1x16xf32>
    tpu.vector_store %arg11[%swap3A_550, %swap3A_551], %swap3A_554 {strides = array<i32>} : memref<16x128xf32, #tpu.memory_space<vmem>>, vector<1x16xf32>,
    %swap3A_555 = arith.constant 11 : i32
    %swap3A_556 = arith.index_cast %swap3A_555 : i32 to index
    %swap3A_557 = arith.constant 64 : index
    %swap3A_558 = tpu.vector_load %arg11[%swap3A_556, %swap3A_557] {strides = array<i32>} : memref<16x128xf32, #tpu.memory_space<vmem>>, vector<1x16xf32>,
    %swap3A_559 = vector.shape_cast %swap3A_558 : vector<1x16xf32> to vector<16xf32>
    %swap3A_560 = vector.shape_cast %broadcast_in_dim3A_1 : vector<16xf32> to vector<1x16xf32>
    tpu.vector_store %arg11[%swap3A_556, %swap3A_557], %swap3A_560 {strides = array<i32>} : memref<16x128xf32, #tpu.memory_space<vmem>>, vector<1x16xf32>,
    %swap3A_561 = arith.constant 11 : i32
    %swap3A_562 = arith.index_cast %swap3A_561 : i32 to index
    %swap3A_563 = arith.constant 80 : index
    %swap3A_564 = tpu.vector_load %arg11[%swap3A_562, %swap3A_563] {strides = array<i32>} : memref<16x128xf32, #tpu.memory_space<vmem>>, vector<1x16xf32>,
    %swap3A_565 = vector.shape_cast %swap3A_564 : vector<1x16xf32> to vector<16xf32>
    %swap3A_566 = vector.shape_cast %broadcast_in_dim3A_1 : vector<16xf32> to vector<1x16xf32>
    tpu.vector_store %arg11[%swap3A_562, %swap3A_563], %swap3A_566 {strides = array<i32>} : memref<16x128xf32, #tpu.memory_space<vmem>>, vector<1x16xf32>,
    %swap3A_567 = arith.constant 11 : i32
    %swap3A_568 = arith.index_cast %swap3A_567 : i32 to index
    %swap3A_569 = arith.constant 96 : index
    %swap3A_570 = tpu.vector_load %arg11[%swap3A_568, %swap3A_569] {strides = array<i32>} : memref<16x128xf32, #tpu.memory_space<vmem>>, vector<1x16xf32>,
    %swap3A_571 = vector.shape_cast %swap3A_570 : vector<1x16xf32> to vector<16xf32>
    %swap3A_572 = vector.shape_cast %broadcast_in_dim3A_1 : vector<16xf32> to vector<1x16xf32>
    tpu.vector_store %arg11[%swap3A_568, %swap3A_569], %swap3A_572 {strides = array<i32>} : memref<16x128xf32, #tpu.memory_space<vmem>>, vector<1x16xf32>,
    %swap3A_573 = arith.constant 11 : i32
    %swap3A_574 = arith.index_cast %swap3A_573 : i32 to index
    %swap3A_575 = arith.constant 112 : index
    %swap3A_576 = tpu.vector_load %arg11[%swap3A_574, %swap3A_575] {strides = array<i32>} : memref<16x128xf32, #tpu.memory_space<vmem>>, vector<1x16xf32>,
    %swap3A_577 = vector.shape_cast %swap3A_576 : vector<1x16xf32> to vector<16xf32>
    %swap3A_578 = vector.shape_cast %broadcast_in_dim3A_1 : vector<16xf32> to vector<1x16xf32>
    tpu.vector_store %arg11[%swap3A_574, %swap3A_575], %swap3A_578 {strides = array<i32>} : memref<16x128xf32, #tpu.memory_space<vmem>>, vector<1x16xf32>,
    %swap3A_579 = arith.constant 12 : i32
    %swap3A_580 = arith.index_cast %swap3A_579 : i32 to index
    %swap3A_581 = arith.constant 0 : index
    %swap3A_582 = tpu.vector_load %arg11[%swap3A_580, %swap3A_581] {strides = array<i32>} : memref<16x128xf32, #tpu.memory_space<vmem>>, vector<1x16xf32>,
    %swap3A_583 = vector.shape_cast %swap3A_582 : vector<1x16xf32> to vector<16xf32>
    %swap3A_584 = vector.shape_cast %broadcast_in_dim3A_1 : vector<16xf32> to vector<1x16xf32>
    tpu.vector_store %arg11[%swap3A_580, %swap3A_581], %swap3A_584 {strides = array<i32>} : memref<16x128xf32, #tpu.memory_space<vmem>>, vector<1x16xf32>,
    %swap3A_585 = arith.constant 12 : i32
    %swap3A_586 = arith.index_cast %swap3A_585 : i32 to index
    %swap3A_587 = arith.constant 16 : index
    %swap3A_588 = tpu.vector_load %arg11[%swap3A_586, %swap3A_587] {strides = array<i32>} : memref<16x128xf32, #tpu.memory_space<vmem>>, vector<1x16xf32>,
    %swap3A_589 = vector.shape_cast %swap3A_588 : vector<1x16xf32> to vector<16xf32>
    %swap3A_590 = vector.shape_cast %broadcast_in_dim3A_1 : vector<16xf32> to vector<1x16xf32>
    tpu.vector_store %arg11[%swap3A_586, %swap3A_587], %swap3A_590 {strides = array<i32>} : memref<16x128xf32, #tpu.memory_space<vmem>>, vector<1x16xf32>,
    %swap3A_591 = arith.constant 12 : i32
    %swap3A_592 = arith.index_cast %swap3A_591 : i32 to index
    %swap3A_593 = arith.constant 32 : index
    %swap3A_594 = tpu.vector_load %arg11[%swap3A_592, %swap3A_593] {strides = array<i32>} : memref<16x128xf32, #tpu.memory_space<vmem>>, vector<1x16xf32>,
    %swap3A_595 = vector.shape_cast %swap3A_594 : vector<1x16xf32> to vector<16xf32>
    %swap3A_596 = vector.shape_cast %broadcast_in_dim3A_1 : vector<16xf32> to vector<1x16xf32>
    tpu.vector_store %arg11[%swap3A_592, %swap3A_593], %swap3A_596 {strides = array<i32>} : memref<16x128xf32, #tpu.memory_space<vmem>>, vector<1x16xf32>,
    %swap3A_597 = arith.constant 12 : i32
    %swap3A_598 = arith.index_cast %swap3A_597 : i32 to index
    %swap3A_599 = arith.constant 48 : index
    %swap3A_600 = tpu.vector_load %arg11[%swap3A_598, %swap3A_599] {strides = array<i32>} : memref<16x128xf32, #tpu.memory_space<vmem>>, vector<1x16xf32>,
    %swap3A_601 = vector.shape_cast %swap3A_600 : vector<1x16xf32> to vector<16xf32>
    %swap3A_602 = vector.shape_cast %broadcast_in_dim3A_1 : vector<16xf32> to vector<1x16xf32>
    tpu.vector_store %arg11[%swap3A_598, %swap3A_599], %swap3A_602 {strides = array<i32>} : memref<16x128xf32, #tpu.memory_space<vmem>>, vector<1x16xf32>,
    %swap3A_603 = arith.constant 12 : i32
    %swap3A_604 = arith.index_cast %swap3A_603 : i32 to index
    %swap3A_605 = arith.constant 64 : index
    %swap3A_606 = tpu.vector_load %arg11[%swap3A_604, %swap3A_605] {strides = array<i32>} : memref<16x128xf32, #tpu.memory_space<vmem>>, vector<1x16xf32>,
    %swap3A_607 = vector.shape_cast %swap3A_606 : vector<1x16xf32> to vector<16xf32>
    %swap3A_608 = vector.shape_cast %broadcast_in_dim3A_1 : vector<16xf32> to vector<1x16xf32>
    tpu.vector_store %arg11[%swap3A_604, %swap3A_605], %swap3A_608 {strides = array<i32>} : memref<16x128xf32, #tpu.memory_space<vmem>>, vector<1x16xf32>,
    %swap3A_609 = arith.constant 12 : i32
    %swap3A_610 = arith.index_cast %swap3A_609 : i32 to index
    %swap3A_611 = arith.constant 80 : index
    %swap3A_612 = tpu.vector_load %arg11[%swap3A_610, %swap3A_611] {strides = array<i32>} : memref<16x128xf32, #tpu.memory_space<vmem>>, vector<1x16xf32>,
    %swap3A_613 = vector.shape_cast %swap3A_612 : vector<1x16xf32> to vector<16xf32>
    %swap3A_614 = vector.shape_cast %broadcast_in_dim3A_1 : vector<16xf32> to vector<1x16xf32>
    tpu.vector_store %arg11[%swap3A_610, %swap3A_611], %swap3A_614 {strides = array<i32>} : memref<16x128xf32, #tpu.memory_space<vmem>>, vector<1x16xf32>,
    %swap3A_615 = arith.constant 12 : i32
    %swap3A_616 = arith.index_cast %swap3A_615 : i32 to index
    %swap3A_617 = arith.constant 96 : index
    %swap3A_618 = tpu.vector_load %arg11[%swap3A_616, %swap3A_617] {strides = array<i32>} : memref<16x128xf32, #tpu.memory_space<vmem>>, vector<1x16xf32>,
    %swap3A_619 = vector.shape_cast %swap3A_618 : vector<1x16xf32> to vector<16xf32>
    %swap3A_620 = vector.shape_cast %broadcast_in_dim3A_1 : vector<16xf32> to vector<1x16xf32>
    tpu.vector_store %arg11[%swap3A_616, %swap3A_617], %swap3A_620 {strides = array<i32>} : memref<16x128xf32, #tpu.memory_space<vmem>>, vector<1x16xf32>,
    %swap3A_621 = arith.constant 12 : i32
    %swap3A_622 = arith.index_cast %swap3A_621 : i32 to index
    %swap3A_623 = arith.constant 112 : index
    %swap3A_624 = tpu.vector_load %arg11[%swap3A_622, %swap3A_623] {strides = array<i32>} : memref<16x128xf32, #tpu.memory_space<vmem>>, vector<1x16xf32>,
    %swap3A_625 = vector.shape_cast %swap3A_624 : vector<1x16xf32> to vector<16xf32>
    %swap3A_626 = vector.shape_cast %broadcast_in_dim3A_1 : vector<16xf32> to vector<1x16xf32>
    tpu.vector_store %arg11[%swap3A_622, %swap3A_623], %swap3A_626 {strides = array<i32>} : memref<16x128xf32, #tpu.memory_space<vmem>>, vector<1x16xf32>,
    %swap3A_627 = arith.constant 13 : i32
    %swap3A_628 = arith.index_cast %swap3A_627 : i32 to index
    %swap3A_629 = arith.constant 0 : index
    %swap3A_630 = tpu.vector_load %arg11[%swap3A_628, %swap3A_629] {strides = array<i32>} : memref<16x128xf32, #tpu.memory_space<vmem>>, vector<1x16xf32>,
    %swap3A_631 = vector.shape_cast %swap3A_630 : vector<1x16xf32> to vector<16xf32>
    %swap3A_632 = vector.shape_cast %broadcast_in_dim3A_1 : vector<16xf32> to vector<1x16xf32>
    tpu.vector_store %arg11[%swap3A_628, %swap3A_629], %swap3A_632 {strides = array<i32>} : memref<16x128xf32, #tpu.memory_space<vmem>>, vector<1x16xf32>,
    %swap3A_633 = arith.constant 13 : i32
    %swap3A_634 = arith.index_cast %swap3A_633 : i32 to index
    %swap3A_635 = arith.constant 16 : index
    %swap3A_636 = tpu.vector_load %arg11[%swap3A_634, %swap3A_635] {strides = array<i32>} : memref<16x128xf32, #tpu.memory_space<vmem>>, vector<1x16xf32>,
    %swap3A_637 = vector.shape_cast %swap3A_636 : vector<1x16xf32> to vector<16xf32>
    %swap3A_638 = vector.shape_cast %broadcast_in_dim3A_1 : vector<16xf32> to vector<1x16xf32>
    tpu.vector_store %arg11[%swap3A_634, %swap3A_635], %swap3A_638 {strides = array<i32>} : memref<16x128xf32, #tpu.memory_space<vmem>>, vector<1x16xf32>,
    %swap3A_639 = arith.constant 13 : i32
    %swap3A_640 = arith.index_cast %swap3A_639 : i32 to index
    %swap3A_641 = arith.constant 32 : index
    %swap3A_642 = tpu.vector_load %arg11[%swap3A_640, %swap3A_641] {strides = array<i32>} : memref<16x128xf32, #tpu.memory_space<vmem>>, vector<1x16xf32>,
    %swap3A_643 = vector.shape_cast %swap3A_642 : vector<1x16xf32> to vector<16xf32>
    %swap3A_644 = vector.shape_cast %broadcast_in_dim3A_1 : vector<16xf32> to vector<1x16xf32>
    tpu.vector_store %arg11[%swap3A_640, %swap3A_641], %swap3A_644 {strides = array<i32>} : memref<16x128xf32, #tpu.memory_space<vmem>>, vector<1x16xf32>,
    %swap3A_645 = arith.constant 13 : i32
    %swap3A_646 = arith.index_cast %swap3A_645 : i32 to index
    %swap3A_647 = arith.constant 48 : index
    %swap3A_648 = tpu.vector_load %arg11[%swap3A_646, %swap3A_647] {strides = array<i32>} : memref<16x128xf32, #tpu.memory_space<vmem>>, vector<1x16xf32>,
    %swap3A_649 = vector.shape_cast %swap3A_648 : vector<1x16xf32> to vector<16xf32>
    %swap3A_650 = vector.shape_cast %broadcast_in_dim3A_1 : vector<16xf32> to vector<1x16xf32>
    tpu.vector_store %arg11[%swap3A_646, %swap3A_647], %swap3A_650 {strides = array<i32>} : memref<16x128xf32, #tpu.memory_space<vmem>>, vector<1x16xf32>,
    %swap3A_651 = arith.constant 13 : i32
    %swap3A_652 = arith.index_cast %swap3A_651 : i32 to index
    %swap3A_653 = arith.constant 64 : index
    %swap3A_654 = tpu.vector_load %arg11[%swap3A_652, %swap3A_653] {strides = array<i32>} : memref<16x128xf32, #tpu.memory_space<vmem>>, vector<1x16xf32>,
    %swap3A_655 = vector.shape_cast %swap3A_654 : vector<1x16xf32> to vector<16xf32>
    %swap3A_656 = vector.shape_cast %broadcast_in_dim3A_1 : vector<16xf32> to vector<1x16xf32>
    tpu.vector_store %arg11[%swap3A_652, %swap3A_653], %swap3A_656 {strides = array<i32>} : memref<16x128xf32, #tpu.memory_space<vmem>>, vector<1x16xf32>,
    %swap3A_657 = arith.constant 13 : i32
    %swap3A_658 = arith.index_cast %swap3A_657 : i32 to index
    %swap3A_659 = arith.constant 80 : index
    %swap3A_660 = tpu.vector_load %arg11[%swap3A_658, %swap3A_659] {strides = array<i32>} : memref<16x128xf32, #tpu.memory_space<vmem>>, vector<1x16xf32>,
    %swap3A_661 = vector.shape_cast %swap3A_660 : vector<1x16xf32> to vector<16xf32>
    %swap3A_662 = vector.shape_cast %broadcast_in_dim3A_1 : vector<16xf32> to vector<1x16xf32>
    tpu.vector_store %arg11[%swap3A_658, %swap3A_659], %swap3A_662 {strides = array<i32>} : memref<16x128xf32, #tpu.memory_space<vmem>>, vector<1x16xf32>,
    %swap3A_663 = arith.constant 13 : i32
    %swap3A_664 = arith.index_cast %swap3A_663 : i32 to index
    %swap3A_665 = arith.constant 96 : index
    %swap3A_666 = tpu.vector_load %arg11[%swap3A_664, %swap3A_665] {strides = array<i32>} : memref<16x128xf32, #tpu.memory_space<vmem>>, vector<1x16xf32>,
    %swap3A_667 = vector.shape_cast %swap3A_666 : vector<1x16xf32> to vector<16xf32>
    %swap3A_668 = vector.shape_cast %broadcast_in_dim3A_1 : vector<16xf32> to vector<1x16xf32>
    tpu.vector_store %arg11[%swap3A_664, %swap3A_665], %swap3A_668 {strides = array<i32>} : memref<16x128xf32, #tpu.memory_space<vmem>>, vector<1x16xf32>,
    %swap3A_669 = arith.constant 13 : i32
    %swap3A_670 = arith.index_cast %swap3A_669 : i32 to index
    %swap3A_671 = arith.constant 112 : index
    %swap3A_672 = tpu.vector_load %arg11[%swap3A_670, %swap3A_671] {strides = array<i32>} : memref<16x128xf32, #tpu.memory_space<vmem>>, vector<1x16xf32>,
    %swap3A_673 = vector.shape_cast %swap3A_672 : vector<1x16xf32> to vector<16xf32>
    %swap3A_674 = vector.shape_cast %broadcast_in_dim3A_1 : vector<16xf32> to vector<1x16xf32>
    tpu.vector_store %arg11[%swap3A_670, %swap3A_671], %swap3A_674 {strides = array<i32>} : memref<16x128xf32, #tpu.memory_space<vmem>>, vector<1x16xf32>,
    %swap3A_675 = arith.constant 14 : i32
    %swap3A_676 = arith.index_cast %swap3A_675 : i32 to index
    %swap3A_677 = arith.constant 0 : index
    %swap3A_678 = tpu.vector_load %arg11[%swap3A_676, %swap3A_677] {strides = array<i32>} : memref<16x128xf32, #tpu.memory_space<vmem>>, vector<1x16xf32>,
    %swap3A_679 = vector.shape_cast %swap3A_678 : vector<1x16xf32> to vector<16xf32>
    %swap3A_680 = vector.shape_cast %broadcast_in_dim3A_1 : vector<16xf32> to vector<1x16xf32>
    tpu.vector_store %arg11[%swap3A_676, %swap3A_677], %swap3A_680 {strides = array<i32>} : memref<16x128xf32, #tpu.memory_space<vmem>>, vector<1x16xf32>,
    %swap3A_681 = arith.constant 14 : i32
    %swap3A_682 = arith.index_cast %swap3A_681 : i32 to index
    %swap3A_683 = arith.constant 16 : index
    %swap3A_684 = tpu.vector_load %arg11[%swap3A_682, %swap3A_683] {strides = array<i32>} : memref<16x128xf32, #tpu.memory_space<vmem>>, vector<1x16xf32>,
    %swap3A_685 = vector.shape_cast %swap3A_684 : vector<1x16xf32> to vector<16xf32>
    %swap3A_686 = vector.shape_cast %broadcast_in_dim3A_1 : vector<16xf32> to vector<1x16xf32>
    tpu.vector_store %arg11[%swap3A_682, %swap3A_683], %swap3A_686 {strides = array<i32>} : memref<16x128xf32, #tpu.memory_space<vmem>>, vector<1x16xf32>,
    %swap3A_687 = arith.constant 14 : i32
    %swap3A_688 = arith.index_cast %swap3A_687 : i32 to index
    %swap3A_689 = arith.constant 32 : index
    %swap3A_690 = tpu.vector_load %arg11[%swap3A_688, %swap3A_689] {strides = array<i32>} : memref<16x128xf32, #tpu.memory_space<vmem>>, vector<1x16xf32>,
    %swap3A_691 = vector.shape_cast %swap3A_690 : vector<1x16xf32> to vector<16xf32>
    %swap3A_692 = vector.shape_cast %broadcast_in_dim3A_1 : vector<16xf32> to vector<1x16xf32>
    tpu.vector_store %arg11[%swap3A_688, %swap3A_689], %swap3A_692 {strides = array<i32>} : memref<16x128xf32, #tpu.memory_space<vmem>>, vector<1x16xf32>,
    %swap3A_693 = arith.constant 14 : i32
    %swap3A_694 = arith.index_cast %swap3A_693 : i32 to index
    %swap3A_695 = arith.constant 48 : index
    %swap3A_696 = tpu.vector_load %arg11[%swap3A_694, %swap3A_695] {strides = array<i32>} : memref<16x128xf32, #tpu.memory_space<vmem>>, vector<1x16xf32>,
    %swap3A_697 = vector.shape_cast %swap3A_696 : vector<1x16xf32> to vector<16xf32>
    %swap3A_698 = vector.shape_cast %broadcast_in_dim3A_1 : vector<16xf32> to vector<1x16xf32>
    tpu.vector_store %arg11[%swap3A_694, %swap3A_695], %swap3A_698 {strides = array<i32>} : memref<16x128xf32, #tpu.memory_space<vmem>>, vector<1x16xf32>,
    %swap3A_699 = arith.constant 14 : i32
    %swap3A_700 = arith.index_cast %swap3A_699 : i32 to index
    %swap3A_701 = arith.constant 64 : index
    %swap3A_702 = tpu.vector_load %arg11[%swap3A_700, %swap3A_701] {strides = array<i32>} : memref<16x128xf32, #tpu.memory_space<vmem>>, vector<1x16xf32>,
    %swap3A_703 = vector.shape_cast %swap3A_702 : vector<1x16xf32> to vector<16xf32>
    %swap3A_704 = vector.shape_cast %broadcast_in_dim3A_1 : vector<16xf32> to vector<1x16xf32>
    tpu.vector_store %arg11[%swap3A_700, %swap3A_701], %swap3A_704 {strides = array<i32>} : memref<16x128xf32, #tpu.memory_space<vmem>>, vector<1x16xf32>,
    %swap3A_705 = arith.constant 14 : i32
    %swap3A_706 = arith.index_cast %swap3A_705 : i32 to index
    %swap3A_707 = arith.constant 80 : index
    %swap3A_708 = tpu.vector_load %arg11[%swap3A_706, %swap3A_707] {strides = array<i32>} : memref<16x128xf32, #tpu.memory_space<vmem>>, vector<1x16xf32>,
    %swap3A_709 = vector.shape_cast %swap3A_708 : vector<1x16xf32> to vector<16xf32>
    %swap3A_710 = vector.shape_cast %broadcast_in_dim3A_1 : vector<16xf32> to vector<1x16xf32>
    tpu.vector_store %arg11[%swap3A_706, %swap3A_707], %swap3A_710 {strides = array<i32>} : memref<16x128xf32, #tpu.memory_space<vmem>>, vector<1x16xf32>,
    %swap3A_711 = arith.constant 14 : i32
    %swap3A_712 = arith.index_cast %swap3A_711 : i32 to index
    %swap3A_713 = arith.constant 96 : index
    %swap3A_714 = tpu.vector_load %arg11[%swap3A_712, %swap3A_713] {strides = array<i32>} : memref<16x128xf32, #tpu.memory_space<vmem>>, vector<1x16xf32>,
    %swap3A_715 = vector.shape_cast %swap3A_714 : vector<1x16xf32> to vector<16xf32>
    %swap3A_716 = vector.shape_cast %broadcast_in_dim3A_1 : vector<16xf32> to vector<1x16xf32>
    tpu.vector_store %arg11[%swap3A_712, %swap3A_713], %swap3A_716 {strides = array<i32>} : memref<16x128xf32, #tpu.memory_space<vmem>>, vector<1x16xf32>,
    %swap3A_717 = arith.constant 14 : i32
    %swap3A_718 = arith.index_cast %swap3A_717 : i32 to index
    %swap3A_719 = arith.constant 112 : index
    %swap3A_720 = tpu.vector_load %arg11[%swap3A_718, %swap3A_719] {strides = array<i32>} : memref<16x128xf32, #tpu.memory_space<vmem>>, vector<1x16xf32>,
    %swap3A_721 = vector.shape_cast %swap3A_720 : vector<1x16xf32> to vector<16xf32>
    %swap3A_722 = vector.shape_cast %broadcast_in_dim3A_1 : vector<16xf32> to vector<1x16xf32>
    tpu.vector_store %arg11[%swap3A_718, %swap3A_719], %swap3A_722 {strides = array<i32>} : memref<16x128xf32, #tpu.memory_space<vmem>>, vector<1x16xf32>,
    %swap3A_723 = arith.constant 15 : i32
    %swap3A_724 = arith.index_cast %swap3A_723 : i32 to index
    %swap3A_725 = arith.constant 0 : index
    %swap3A_726 = tpu.vector_load %arg11[%swap3A_724, %swap3A_725] {strides = array<i32>} : memref<16x128xf32, #tpu.memory_space<vmem>>, vector<1x16xf32>,
    %swap3A_727 = vector.shape_cast %swap3A_726 : vector<1x16xf32> to vector<16xf32>
    %swap3A_728 = vector.shape_cast %broadcast_in_dim3A_1 : vector<16xf32> to vector<1x16xf32>
    tpu.vector_store %arg11[%swap3A_724, %swap3A_725], %swap3A_728 {strides = array<i32>} : memref<16x128xf32, #tpu.memory_space<vmem>>, vector<1x16xf32>,
    %swap3A_729 = arith.constant 15 : i32
    %swap3A_730 = arith.index_cast %swap3A_729 : i32 to index
    %swap3A_731 = arith.constant 16 : index
    %swap3A_732 = tpu.vector_load %arg11[%swap3A_730, %swap3A_731] {strides = array<i32>} : memref<16x128xf32, #tpu.memory_space<vmem>>, vector<1x16xf32>,
    %swap3A_733 = vector.shape_cast %swap3A_732 : vector<1x16xf32> to vector<16xf32>
    %swap3A_734 = vector.shape_cast %broadcast_in_dim3A_1 : vector<16xf32> to vector<1x16xf32>
    tpu.vector_store %arg11[%swap3A_730, %swap3A_731], %swap3A_734 {strides = array<i32>} : memref<16x128xf32, #tpu.memory_space<vmem>>, vector<1x16xf32>,
    %swap3A_735 = arith.constant 15 : i32
    %swap3A_736 = arith.index_cast %swap3A_735 : i32 to index
    %swap3A_737 = arith.constant 32 : index
    %swap3A_738 = tpu.vector_load %arg11[%swap3A_736, %swap3A_737] {strides = array<i32>} : memref<16x128xf32, #tpu.memory_space<vmem>>, vector<1x16xf32>,
    %swap3A_739 = vector.shape_cast %swap3A_738 : vector<1x16xf32> to vector<16xf32>
    %swap3A_740 = vector.shape_cast %broadcast_in_dim3A_1 : vector<16xf32> to vector<1x16xf32>
    tpu.vector_store %arg11[%swap3A_736, %swap3A_737], %swap3A_740 {strides = array<i32>} : memref<16x128xf32, #tpu.memory_space<vmem>>, vector<1x16xf32>,
    %swap3A_741 = arith.constant 15 : i32
    %swap3A_742 = arith.index_cast %swap3A_741 : i32 to index
    %swap3A_743 = arith.constant 48 : index
    %swap3A_744 = tpu.vector_load %arg11[%swap3A_742, %swap3A_743] {strides = array<i32>} : memref<16x128xf32, #tpu.memory_space<vmem>>, vector<1x16xf32>,
    %swap3A_745 = vector.shape_cast %swap3A_744 : vector<1x16xf32> to vector<16xf32>
    %swap3A_746 = vector.shape_cast %broadcast_in_dim3A_1 : vector<16xf32> to vector<1x16xf32>
    tpu.vector_store %arg11[%swap3A_742, %swap3A_743], %swap3A_746 {strides = array<i32>} : memref<16x128xf32, #tpu.memory_space<vmem>>, vector<1x16xf32>,
    %swap3A_747 = arith.constant 15 : i32
    %swap3A_748 = arith.index_cast %swap3A_747 : i32 to index
    %swap3A_749 = arith.constant 64 : index
    %swap3A_750 = tpu.vector_load %arg11[%swap3A_748, %swap3A_749] {strides = array<i32>} : memref<16x128xf32, #tpu.memory_space<vmem>>, vector<1x16xf32>,
    %swap3A_751 = vector.shape_cast %swap3A_750 : vector<1x16xf32> to vector<16xf32>
    %swap3A_752 = vector.shape_cast %broadcast_in_dim3A_1 : vector<16xf32> to vector<1x16xf32>
    tpu.vector_store %arg11[%swap3A_748, %swap3A_749], %swap3A_752 {strides = array<i32>} : memref<16x128xf32, #tpu.memory_space<vmem>>, vector<1x16xf32>,
    %swap3A_753 = arith.constant 15 : i32
    %swap3A_754 = arith.index_cast %swap3A_753 : i32 to index
    %swap3A_755 = arith.constant 80 : index
    %swap3A_756 = tpu.vector_load %arg11[%swap3A_754, %swap3A_755] {strides = array<i32>} : memref<16x128xf32, #tpu.memory_space<vmem>>, vector<1x16xf32>,
    %swap3A_757 = vector.shape_cast %swap3A_756 : vector<1x16xf32> to vector<16xf32>
    %swap3A_758 = vector.shape_cast %broadcast_in_dim3A_1 : vector<16xf32> to vector<1x16xf32>
    tpu.vector_store %arg11[%swap3A_754, %swap3A_755], %swap3A_758 {strides = array<i32>} : memref<16x128xf32, #tpu.memory_space<vmem>>, vector<1x16xf32>,
    %swap3A_759 = arith.constant 15 : i32
    %swap3A_760 = arith.index_cast %swap3A_759 : i32 to index
    %swap3A_761 = arith.constant 96 : index
    %swap3A_762 = tpu.vector_load %arg11[%swap3A_760, %swap3A_761] {strides = array<i32>} : memref<16x128xf32, #tpu.memory_space<vmem>>, vector<1x16xf32>,
    %swap3A_763 = vector.shape_cast %swap3A_762 : vector<1x16xf32> to vector<16xf32>
    %swap3A_764 = vector.shape_cast %broadcast_in_dim3A_1 : vector<16xf32> to vector<1x16xf32>
    tpu.vector_store %arg11[%swap3A_760, %swap3A_761], %swap3A_764 {strides = array<i32>} : memref<16x128xf32, #tpu.memory_space<vmem>>, vector<1x16xf32>,
    %swap3A_765 = arith.constant 15 : i32
    %swap3A_766 = arith.index_cast %swap3A_765 : i32 to index
    %swap3A_767 = arith.constant 112 : index
    %swap3A_768 = tpu.vector_load %arg11[%swap3A_766, %swap3A_767] {strides = array<i32>} : memref<16x128xf32, #tpu.memory_space<vmem>>, vector<1x16xf32>,
    %swap3A_769 = vector.shape_cast %swap3A_768 : vector<1x16xf32> to vector<16xf32>
    %swap3A_770 = vector.shape_cast %broadcast_in_dim3A_1 : vector<16xf32> to vector<1x16xf32>
    tpu.vector_store %arg11[%swap3A_766, %swap3A_767], %swap3A_770 {strides = array<i32>} : memref<16x128xf32, #tpu.memory_space<vmem>>, vector<1x16xf32>,
    %swap3A_771 = arith.constant 0 : index
    %swap3A_772 = tpu.vector_load %arg13[%swap3A_771] {strides = array<i32>} : memref<64xf32, #tpu.memory_space<vmem>>, vector<16xf32>,
    %swap3A_773 = vector.shape_cast %swap3A_772 : vector<16xf32> to vector<16xf32>
    %swap3A_774 = vector.shape_cast %broadcast_in_dim3A_3 : vector<16xf32> to vector<16xf32>
    tpu.vector_store %arg13[%swap3A_771], %swap3A_774 {strides = array<i32>} : memref<64xf32, #tpu.memory_space<vmem>>, vector<16xf32>,
    %swap3A_775 = arith.constant 16 : index
    %swap3A_776 = tpu.vector_load %arg13[%swap3A_775] {strides = array<i32>} : memref<64xf32, #tpu.memory_space<vmem>>, vector<16xf32>,
    %swap3A_777 = vector.shape_cast %swap3A_776 : vector<16xf32> to vector<16xf32>
    %swap3A_778 = vector.shape_cast %broadcast_in_dim3A_3 : vector<16xf32> to vector<16xf32>
    tpu.vector_store %arg13[%swap3A_775], %swap3A_778 {strides = array<i32>} : memref<64xf32, #tpu.memory_space<vmem>>, vector<16xf32>,
    %swap3A_779 = arith.constant 32 : index
    %swap3A_780 = tpu.vector_load %arg13[%swap3A_779] {strides = array<i32>} : memref<64xf32, #tpu.memory_space<vmem>>, vector<16xf32>,
    %swap3A_781 = vector.shape_cast %swap3A_780 : vector<16xf32> to vector<16xf32>
    %swap3A_782 = vector.shape_cast %broadcast_in_dim3A_3 : vector<16xf32> to vector<16xf32>
    tpu.vector_store %arg13[%swap3A_779], %swap3A_782 {strides = array<i32>} : memref<64xf32, #tpu.memory_space<vmem>>, vector<16xf32>,
    %swap3A_783 = arith.constant 48 : index
    %swap3A_784 = tpu.vector_load %arg13[%swap3A_783] {strides = array<i32>} : memref<64xf32, #tpu.memory_space<vmem>>, vector<16xf32>,
    %swap3A_785 = vector.shape_cast %swap3A_784 : vector<16xf32> to vector<16xf32>
    %swap3A_786 = vector.shape_cast %broadcast_in_dim3A_3 : vector<16xf32> to vector<16xf32>
    tpu.vector_store %arg13[%swap3A_783], %swap3A_786 {strides = array<i32>} : memref<64xf32, #tpu.memory_space<vmem>>, vector<16xf32>,
    %swap3A_787 = arith.constant 0 : index
    %swap3A_788 = tpu.vector_load %arg12[%swap3A_787] {strides = array<i32>} : memref<640xf32, #tpu.memory_space<vmem>>, vector<16xf32>,
    %swap3A_789 = vector.shape_cast %swap3A_788 : vector<16xf32> to vector<16xf32>
    %swap3A_790 = vector.shape_cast %broadcast_in_dim3A_1 : vector<16xf32> to vector<16xf32>
    tpu.vector_store %arg12[%swap3A_787], %swap3A_790 {strides = array<i32>} : memref<640xf32, #tpu.memory_space<vmem>>, vector<16xf32>,
    %swap3A_791 = arith.constant 16 : index
    %swap3A_792 = tpu.vector_load %arg12[%swap3A_791] {strides = array<i32>} : memref<640xf32, #tpu.memory_space<vmem>>, vector<16xf32>,
    %swap3A_793 = vector.shape_cast %swap3A_792 : vector<16xf32> to vector<16xf32>
    %swap3A_794 = vector.shape_cast %broadcast_in_dim3A_1 : vector<16xf32> to vector<16xf32>
    tpu.vector_store %arg12[%swap3A_791], %swap3A_794 {strides = array<i32>} : memref<640xf32, #tpu.memory_space<vmem>>, vector<16xf32>,
    %swap3A_795 = arith.constant 32 : index
    %swap3A_796 = tpu.vector_load %arg12[%swap3A_795] {strides = array<i32>} : memref<640xf32, #tpu.memory_space<vmem>>, vector<16xf32>,
    %swap3A_797 = vector.shape_cast %swap3A_796 : vector<16xf32> to vector<16xf32>
    %swap3A_798 = vector.shape_cast %broadcast_in_dim3A_1 : vector<16xf32> to vector<16xf32>
    tpu.vector_store %arg12[%swap3A_795], %swap3A_798 {strides = array<i32>} : memref<640xf32, #tpu.memory_space<vmem>>, vector<16xf32>,
    %swap3A_799 = arith.constant 48 : index
    %swap3A_800 = tpu.vector_load %arg12[%swap3A_799] {strides = array<i32>} : memref<640xf32, #tpu.memory_space<vmem>>, vector<16xf32>,
    %swap3A_801 = vector.shape_cast %swap3A_800 : vector<16xf32> to vector<16xf32>
    %swap3A_802 = vector.shape_cast %broadcast_in_dim3A_1 : vector<16xf32> to vector<16xf32>
    tpu.vector_store %arg12[%swap3A_799], %swap3A_802 {strides = array<i32>} : memref<640xf32, #tpu.memory_space<vmem>>, vector<16xf32>,
    %swap3A_803 = arith.constant 64 : index
    %swap3A_804 = tpu.vector_load %arg12[%swap3A_803] {strides = array<i32>} : memref<640xf32, #tpu.memory_space<vmem>>, vector<16xf32>,
    %swap3A_805 = vector.shape_cast %swap3A_804 : vector<16xf32> to vector<16xf32>
    %swap3A_806 = vector.shape_cast %broadcast_in_dim3A_1 : vector<16xf32> to vector<16xf32>
    tpu.vector_store %arg12[%swap3A_803], %swap3A_806 {strides = array<i32>} : memref<640xf32, #tpu.memory_space<vmem>>, vector<16xf32>,
    %swap3A_807 = arith.constant 80 : index
    %swap3A_808 = tpu.vector_load %arg12[%swap3A_807] {strides = array<i32>} : memref<640xf32, #tpu.memory_space<vmem>>, vector<16xf32>,
    %swap3A_809 = vector.shape_cast %swap3A_808 : vector<16xf32> to vector<16xf32>
    %swap3A_810 = vector.shape_cast %broadcast_in_dim3A_1 : vector<16xf32> to vector<16xf32>
    tpu.vector_store %arg12[%swap3A_807], %swap3A_810 {strides = array<i32>} : memref<640xf32, #tpu.memory_space<vmem>>, vector<16xf32>,
    %swap3A_811 = arith.constant 96 : index
    %swap3A_812 = tpu.vector_load %arg12[%swap3A_811] {strides = array<i32>} : memref<640xf32, #tpu.memory_space<vmem>>, vector<16xf32>,
    %swap3A_813 = vector.shape_cast %swap3A_812 : vector<16xf32> to vector<16xf32>
    %swap3A_814 = vector.shape_cast %broadcast_in_dim3A_1 : vector<16xf32> to vector<16xf32>
    tpu.vector_store %arg12[%swap3A_811], %swap3A_814 {strides = array<i32>} : memref<640xf32, #tpu.memory_space<vmem>>, vector<16xf32>,
    %swap3A_815 = arith.constant 112 : index
    %swap3A_816 = tpu.vector_load %arg12[%swap3A_815] {strides = array<i32>} : memref<640xf32, #tpu.memory_space<vmem>>, vector<16xf32>,
    %swap3A_817 = vector.shape_cast %swap3A_816 : vector<16xf32> to vector<16xf32>
    %swap3A_818 = vector.shape_cast %broadcast_in_dim3A_1 : vector<16xf32> to vector<16xf32>
    tpu.vector_store %arg12[%swap3A_815], %swap3A_818 {strides = array<i32>} : memref<640xf32, #tpu.memory_space<vmem>>, vector<16xf32>,
    %swap3A_819 = arith.constant 128 : index
    %swap3A_820 = tpu.vector_load %arg12[%swap3A_819] {strides = array<i32>} : memref<640xf32, #tpu.memory_space<vmem>>, vector<16xf32>,
    %swap3A_821 = vector.shape_cast %swap3A_820 : vector<16xf32> to vector<16xf32>
    %swap3A_822 = vector.shape_cast %broadcast_in_dim3A_1 : vector<16xf32> to vector<16xf32>
    tpu.vector_store %arg12[%swap3A_819], %swap3A_822 {strides = array<i32>} : memref<640xf32, #tpu.memory_space<vmem>>, vector<16xf32>,
    %swap3A_823 = arith.constant 144 : index
    %swap3A_824 = tpu.vector_load %arg12[%swap3A_823] {strides = array<i32>} : memref<640xf32, #tpu.memory_space<vmem>>, vector<16xf32>,
    %swap3A_825 = vector.shape_cast %swap3A_824 : vector<16xf32> to vector<16xf32>
    %swap3A_826 = vector.shape_cast %broadcast_in_dim3A_1 : vector<16xf32> to vector<16xf32>
    tpu.vector_store %arg12[%swap3A_823], %swap3A_826 {strides = array<i32>} : memref<640xf32, #tpu.memory_space<vmem>>, vector<16xf32>,
    %swap3A_827 = arith.constant 160 : index
    %swap3A_828 = tpu.vector_load %arg12[%swap3A_827] {strides = array<i32>} : memref<640xf32, #tpu.memory_space<vmem>>, vector<16xf32>,
    %swap3A_829 = vector.shape_cast %swap3A_828 : vector<16xf32> to vector<16xf32>
    %swap3A_830 = vector.shape_cast %broadcast_in_dim3A_1 : vector<16xf32> to vector<16xf32>
    tpu.vector_store %arg12[%swap3A_827], %swap3A_830 {strides = array<i32>} : memref<640xf32, #tpu.memory_space<vmem>>, vector<16xf32>,
    %swap3A_831 = arith.constant 176 : index
    %swap3A_832 = tpu.vector_load %arg12[%swap3A_831] {strides = array<i32>} : memref<640xf32, #tpu.memory_space<vmem>>, vector<16xf32>,
    %swap3A_833 = vector.shape_cast %swap3A_832 : vector<16xf32> to vector<16xf32>
    %swap3A_834 = vector.shape_cast %broadcast_in_dim3A_1 : vector<16xf32> to vector<16xf32>
    tpu.vector_store %arg12[%swap3A_831], %swap3A_834 {strides = array<i32>} : memref<640xf32, #tpu.memory_space<vmem>>, vector<16xf32>,
    %swap3A_835 = arith.constant 192 : index
    %swap3A_836 = tpu.vector_load %arg12[%swap3A_835] {strides = array<i32>} : memref<640xf32, #tpu.memory_space<vmem>>, vector<16xf32>,
    %swap3A_837 = vector.shape_cast %swap3A_836 : vector<16xf32> to vector<16xf32>
    %swap3A_838 = vector.shape_cast %broadcast_in_dim3A_1 : vector<16xf32> to vector<16xf32>
    tpu.vector_store %arg12[%swap3A_835], %swap3A_838 {strides = array<i32>} : memref<640xf32, #tpu.memory_space<vmem>>, vector<16xf32>,
    %swap3A_839 = arith.constant 208 : index
    %swap3A_840 = tpu.vector_load %arg12[%swap3A_839] {strides = array<i32>} : memref<640xf32, #tpu.memory_space<vmem>>, vector<16xf32>,
    %swap3A_841 = vector.shape_cast %swap3A_840 : vector<16xf32> to vector<16xf32>
    %swap3A_842 = vector.shape_cast %broadcast_in_dim3A_1 : vector<16xf32> to vector<16xf32>
    tpu.vector_store %arg12[%swap3A_839], %swap3A_842 {strides = array<i32>} : memref<640xf32, #tpu.memory_space<vmem>>, vector<16xf32>,
    %swap3A_843 = arith.constant 224 : index
    %swap3A_844 = tpu.vector_load %arg12[%swap3A_843] {strides = array<i32>} : memref<640xf32, #tpu.memory_space<vmem>>, vector<16xf32>,
    %swap3A_845 = vector.shape_cast %swap3A_844 : vector<16xf32> to vector<16xf32>
    %swap3A_846 = vector.shape_cast %broadcast_in_dim3A_1 : vector<16xf32> to vector<16xf32>
    tpu.vector_store %arg12[%swap3A_843], %swap3A_846 {strides = array<i32>} : memref<640xf32, #tpu.memory_space<vmem>>, vector<16xf32>,
    %swap3A_847 = arith.constant 240 : index
    %swap3A_848 = tpu.vector_load %arg12[%swap3A_847] {strides = array<i32>} : memref<640xf32, #tpu.memory_space<vmem>>, vector<16xf32>,
    %swap3A_849 = vector.shape_cast %swap3A_848 : vector<16xf32> to vector<16xf32>
    %swap3A_850 = vector.shape_cast %broadcast_in_dim3A_1 : vector<16xf32> to vector<16xf32>
    tpu.vector_store %arg12[%swap3A_847], %swap3A_850 {strides = array<i32>} : memref<640xf32, #tpu.memory_space<vmem>>, vector<16xf32>,
    %swap3A_851 = arith.constant 256 : index
    %swap3A_852 = tpu.vector_load %arg12[%swap3A_851] {strides = array<i32>} : memref<640xf32, #tpu.memory_space<vmem>>, vector<16xf32>,
    %swap3A_853 = vector.shape_cast %swap3A_852 : vector<16xf32> to vector<16xf32>
    %swap3A_854 = vector.shape_cast %broadcast_in_dim3A_1 : vector<16xf32> to vector<16xf32>
    tpu.vector_store %arg12[%swap3A_851], %swap3A_854 {strides = array<i32>} : memref<640xf32, #tpu.memory_space<vmem>>, vector<16xf32>,
    %swap3A_855 = arith.constant 272 : index
    %swap3A_856 = tpu.vector_load %arg12[%swap3A_855] {strides = array<i32>} : memref<640xf32, #tpu.memory_space<vmem>>, vector<16xf32>,
    %swap3A_857 = vector.shape_cast %swap3A_856 : vector<16xf32> to vector<16xf32>
    %swap3A_858 = vector.shape_cast %broadcast_in_dim3A_1 : vector<16xf32> to vector<16xf32>
    tpu.vector_store %arg12[%swap3A_855], %swap3A_858 {strides = array<i32>} : memref<640xf32, #tpu.memory_space<vmem>>, vector<16xf32>,
    %swap3A_859 = arith.constant 288 : index
    %swap3A_860 = tpu.vector_load %arg12[%swap3A_859] {strides = array<i32>} : memref<640xf32, #tpu.memory_space<vmem>>, vector<16xf32>,
    %swap3A_861 = vector.shape_cast %swap3A_860 : vector<16xf32> to vector<16xf32>
    %swap3A_862 = vector.shape_cast %broadcast_in_dim3A_1 : vector<16xf32> to vector<16xf32>
    tpu.vector_store %arg12[%swap3A_859], %swap3A_862 {strides = array<i32>} : memref<640xf32, #tpu.memory_space<vmem>>, vector<16xf32>,
    %swap3A_863 = arith.constant 304 : index
    %swap3A_864 = tpu.vector_load %arg12[%swap3A_863] {strides = array<i32>} : memref<640xf32, #tpu.memory_space<vmem>>, vector<16xf32>,
    %swap3A_865 = vector.shape_cast %swap3A_864 : vector<16xf32> to vector<16xf32>
    %swap3A_866 = vector.shape_cast %broadcast_in_dim3A_1 : vector<16xf32> to vector<16xf32>
    tpu.vector_store %arg12[%swap3A_863], %swap3A_866 {strides = array<i32>} : memref<640xf32, #tpu.memory_space<vmem>>, vector<16xf32>,
    %swap3A_867 = arith.constant 320 : index
    %swap3A_868 = tpu.vector_load %arg12[%swap3A_867] {strides = array<i32>} : memref<640xf32, #tpu.memory_space<vmem>>, vector<16xf32>,
    %swap3A_869 = vector.shape_cast %swap3A_868 : vector<16xf32> to vector<16xf32>
    %swap3A_870 = vector.shape_cast %broadcast_in_dim3A_1 : vector<16xf32> to vector<16xf32>
    tpu.vector_store %arg12[%swap3A_867], %swap3A_870 {strides = array<i32>} : memref<640xf32, #tpu.memory_space<vmem>>, vector<16xf32>,
    %swap3A_871 = arith.constant 336 : index
    %swap3A_872 = tpu.vector_load %arg12[%swap3A_871] {strides = array<i32>} : memref<640xf32, #tpu.memory_space<vmem>>, vector<16xf32>,
    %swap3A_873 = vector.shape_cast %swap3A_872 : vector<16xf32> to vector<16xf32>
    %swap3A_874 = vector.shape_cast %broadcast_in_dim3A_1 : vector<16xf32> to vector<16xf32>
    tpu.vector_store %arg12[%swap3A_871], %swap3A_874 {strides = array<i32>} : memref<640xf32, #tpu.memory_space<vmem>>, vector<16xf32>,
    %swap3A_875 = arith.constant 352 : index
    %swap3A_876 = tpu.vector_load %arg12[%swap3A_875] {strides = array<i32>} : memref<640xf32, #tpu.memory_space<vmem>>, vector<16xf32>,
    %swap3A_877 = vector.shape_cast %swap3A_876 : vector<16xf32> to vector<16xf32>
    %swap3A_878 = vector.shape_cast %broadcast_in_dim3A_1 : vector<16xf32> to vector<16xf32>
    tpu.vector_store %arg12[%swap3A_875], %swap3A_878 {strides = array<i32>} : memref<640xf32, #tpu.memory_space<vmem>>, vector<16xf32>,
    %swap3A_879 = arith.constant 368 : index
    %swap3A_880 = tpu.vector_load %arg12[%swap3A_879] {strides = array<i32>} : memref<640xf32, #tpu.memory_space<vmem>>, vector<16xf32>,
    %swap3A_881 = vector.shape_cast %swap3A_880 : vector<16xf32> to vector<16xf32>
    %swap3A_882 = vector.shape_cast %broadcast_in_dim3A_1 : vector<16xf32> to vector<16xf32>
    tpu.vector_store %arg12[%swap3A_879], %swap3A_882 {strides = array<i32>} : memref<640xf32, #tpu.memory_space<vmem>>, vector<16xf32>,
    %swap3A_883 = arith.constant 384 : index
    %swap3A_884 = tpu.vector_load %arg12[%swap3A_883] {strides = array<i32>} : memref<640xf32, #tpu.memory_space<vmem>>, vector<16xf32>,
    %swap3A_885 = vector.shape_cast %swap3A_884 : vector<16xf32> to vector<16xf32>
    %swap3A_886 = vector.shape_cast %broadcast_in_dim3A_1 : vector<16xf32> to vector<16xf32>
    tpu.vector_store %arg12[%swap3A_883], %swap3A_886 {strides = array<i32>} : memref<640xf32, #tpu.memory_space<vmem>>, vector<16xf32>,
    %swap3A_887 = arith.constant 400 : index
    %swap3A_888 = tpu.vector_load %arg12[%swap3A_887] {strides = array<i32>} : memref<640xf32, #tpu.memory_space<vmem>>, vector<16xf32>,
    %swap3A_889 = vector.shape_cast %swap3A_888 : vector<16xf32> to vector<16xf32>
    %swap3A_890 = vector.shape_cast %broadcast_in_dim3A_1 : vector<16xf32> to vector<16xf32>
    tpu.vector_store %arg12[%swap3A_887], %swap3A_890 {strides = array<i32>} : memref<640xf32, #tpu.memory_space<vmem>>, vector<16xf32>,
    %swap3A_891 = arith.constant 416 : index
    %swap3A_892 = tpu.vector_load %arg12[%swap3A_891] {strides = array<i32>} : memref<640xf32, #tpu.memory_space<vmem>>, vector<16xf32>,
    %swap3A_893 = vector.shape_cast %swap3A_892 : vector<16xf32> to vector<16xf32>
    %swap3A_894 = vector.shape_cast %broadcast_in_dim3A_1 : vector<16xf32> to vector<16xf32>
    tpu.vector_store %arg12[%swap3A_891], %swap3A_894 {strides = array<i32>} : memref<640xf32, #tpu.memory_space<vmem>>, vector<16xf32>,
    %swap3A_895 = arith.constant 432 : index
    %swap3A_896 = tpu.vector_load %arg12[%swap3A_895] {strides = array<i32>} : memref<640xf32, #tpu.memory_space<vmem>>, vector<16xf32>,
    %swap3A_897 = vector.shape_cast %swap3A_896 : vector<16xf32> to vector<16xf32>
    %swap3A_898 = vector.shape_cast %broadcast_in_dim3A_1 : vector<16xf32> to vector<16xf32>
    tpu.vector_store %arg12[%swap3A_895], %swap3A_898 {strides = array<i32>} : memref<640xf32, #tpu.memory_space<vmem>>, vector<16xf32>,
    %swap3A_899 = arith.constant 448 : index
    %swap3A_900 = tpu.vector_load %arg12[%swap3A_899] {strides = array<i32>} : memref<640xf32, #tpu.memory_space<vmem>>, vector<16xf32>,
    %swap3A_901 = vector.shape_cast %swap3A_900 : vector<16xf32> to vector<16xf32>
    %swap3A_902 = vector.shape_cast %broadcast_in_dim3A_1 : vector<16xf32> to vector<16xf32>
    tpu.vector_store %arg12[%swap3A_899], %swap3A_902 {strides = array<i32>} : memref<640xf32, #tpu.memory_space<vmem>>, vector<16xf32>,
    %swap3A_903 = arith.constant 464 : index
    %swap3A_904 = tpu.vector_load %arg12[%swap3A_903] {strides = array<i32>} : memref<640xf32, #tpu.memory_space<vmem>>, vector<16xf32>,
    %swap3A_905 = vector.shape_cast %swap3A_904 : vector<16xf32> to vector<16xf32>
    %swap3A_906 = vector.shape_cast %broadcast_in_dim3A_1 : vector<16xf32> to vector<16xf32>
    tpu.vector_store %arg12[%swap3A_903], %swap3A_906 {strides = array<i32>} : memref<640xf32, #tpu.memory_space<vmem>>, vector<16xf32>,
    %swap3A_907 = arith.constant 480 : index
    %swap3A_908 = tpu.vector_load %arg12[%swap3A_907] {strides = array<i32>} : memref<640xf32, #tpu.memory_space<vmem>>, vector<16xf32>,
    %swap3A_909 = vector.shape_cast %swap3A_908 : vector<16xf32> to vector<16xf32>
    %swap3A_910 = vector.shape_cast %broadcast_in_dim3A_1 : vector<16xf32> to vector<16xf32>
    tpu.vector_store %arg12[%swap3A_907], %swap3A_910 {strides = array<i32>} : memref<640xf32, #tpu.memory_space<vmem>>, vector<16xf32>,
    %swap3A_911 = arith.constant 496 : index
    %swap3A_912 = tpu.vector_load %arg12[%swap3A_911] {strides = array<i32>} : memref<640xf32, #tpu.memory_space<vmem>>, vector<16xf32>,
    %swap3A_913 = vector.shape_cast %swap3A_912 : vector<16xf32> to vector<16xf32>
    %swap3A_914 = vector.shape_cast %broadcast_in_dim3A_1 : vector<16xf32> to vector<16xf32>
    tpu.vector_store %arg12[%swap3A_911], %swap3A_914 {strides = array<i32>} : memref<640xf32, #tpu.memory_space<vmem>>, vector<16xf32>,
    %swap3A_915 = arith.constant 512 : index
    %swap3A_916 = tpu.vector_load %arg12[%swap3A_915] {strides = array<i32>} : memref<640xf32, #tpu.memory_space<vmem>>, vector<16xf32>,
    %swap3A_917 = vector.shape_cast %swap3A_916 : vector<16xf32> to vector<16xf32>
    %swap3A_918 = vector.shape_cast %broadcast_in_dim3A_1 : vector<16xf32> to vector<16xf32>
    tpu.vector_store %arg12[%swap3A_915], %swap3A_918 {strides = array<i32>} : memref<640xf32, #tpu.memory_space<vmem>>, vector<16xf32>,
    %swap3A_919 = arith.constant 528 : index
    %swap3A_920 = tpu.vector_load %arg12[%swap3A_919] {strides = array<i32>} : memref<640xf32, #tpu.memory_space<vmem>>, vector<16xf32>,
    %swap3A_921 = vector.shape_cast %swap3A_920 : vector<16xf32> to vector<16xf32>
    %swap3A_922 = vector.shape_cast %broadcast_in_dim3A_1 : vector<16xf32> to vector<16xf32>
    tpu.vector_store %arg12[%swap3A_919], %swap3A_922 {strides = array<i32>} : memref<640xf32, #tpu.memory_space<vmem>>, vector<16xf32>,
    %swap3A_923 = arith.constant 544 : index
    %swap3A_924 = tpu.vector_load %arg12[%swap3A_923] {strides = array<i32>} : memref<640xf32, #tpu.memory_space<vmem>>, vector<16xf32>,
    %swap3A_925 = vector.shape_cast %swap3A_924 : vector<16xf32> to vector<16xf32>
    %swap3A_926 = vector.shape_cast %broadcast_in_dim3A_1 : vector<16xf32> to vector<16xf32>
    tpu.vector_store %arg12[%swap3A_923], %swap3A_926 {strides = array<i32>} : memref<640xf32, #tpu.memory_space<vmem>>, vector<16xf32>,
    %swap3A_927 = arith.constant 560 : index
    %swap3A_928 = tpu.vector_load %arg12[%swap3A_927] {strides = array<i32>} : memref<640xf32, #tpu.memory_space<vmem>>, vector<16xf32>,
    %swap3A_929 = vector.shape_cast %swap3A_928 : vector<16xf32> to vector<16xf32>
    %swap3A_930 = vector.shape_cast %broadcast_in_dim3A_1 : vector<16xf32> to vector<16xf32>
    tpu.vector_store %arg12[%swap3A_927], %swap3A_930 {strides = array<i32>} : memref<640xf32, #tpu.memory_space<vmem>>, vector<16xf32>,
    %swap3A_931 = arith.constant 576 : index
    %swap3A_932 = tpu.vector_load %arg12[%swap3A_931] {strides = array<i32>} : memref<640xf32, #tpu.memory_space<vmem>>, vector<16xf32>,
    %swap3A_933 = vector.shape_cast %swap3A_932 : vector<16xf32> to vector<16xf32>
    %swap3A_934 = vector.shape_cast %broadcast_in_dim3A_1 : vector<16xf32> to vector<16xf32>
    tpu.vector_store %arg12[%swap3A_931], %swap3A_934 {strides = array<i32>} : memref<640xf32, #tpu.memory_space<vmem>>, vector<16xf32>,
    %swap3A_935 = arith.constant 592 : index
    %swap3A_936 = tpu.vector_load %arg12[%swap3A_935] {strides = array<i32>} : memref<640xf32, #tpu.memory_space<vmem>>, vector<16xf32>,
    %swap3A_937 = vector.shape_cast %swap3A_936 : vector<16xf32> to vector<16xf32>
    %swap3A_938 = vector.shape_cast %broadcast_in_dim3A_1 : vector<16xf32> to vector<16xf32>
    tpu.vector_store %arg12[%swap3A_935], %swap3A_938 {strides = array<i32>} : memref<640xf32, #tpu.memory_space<vmem>>, vector<16xf32>,
    %swap3A_939 = arith.constant 608 : index
    %swap3A_940 = tpu.vector_load %arg12[%swap3A_939] {strides = array<i32>} : memref<640xf32, #tpu.memory_space<vmem>>, vector<16xf32>,
    %swap3A_941 = vector.shape_cast %swap3A_940 : vector<16xf32> to vector<16xf32>
    %swap3A_942 = vector.shape_cast %broadcast_in_dim3A_1 : vector<16xf32> to vector<16xf32>
    tpu.vector_store %arg12[%swap3A_939], %swap3A_942 {strides = array<i32>} : memref<640xf32, #tpu.memory_space<vmem>>, vector<16xf32>,
    %swap3A_943 = arith.constant 624 : index
    %swap3A_944 = tpu.vector_load %arg12[%swap3A_943] {strides = array<i32>} : memref<640xf32, #tpu.memory_space<vmem>>, vector<16xf32>,
    %swap3A_945 = vector.shape_cast %swap3A_944 : vector<16xf32> to vector<16xf32>
    %swap3A_946 = vector.shape_cast %broadcast_in_dim3A_1 : vector<16xf32> to vector<16xf32>
    tpu.vector_store %arg12[%swap3A_943], %swap3A_946 {strides = array<i32>} : memref<640xf32, #tpu.memory_space<vmem>>, vector<16xf32>,
    %scan3A = arith.constant 0 : i32
    %scan3A_947 = arith.constant 0 : i32
    %scan3A_948 = arith.constant 40 : i32
    %scan3A_949 = arith.addi %scan3A_947, %scan3A_948 : i32
    %scan3A_950 = arith.constant 1 : i32
    %scan3A_951 = scf.for %scan3A_1085 = %scan3A_947 to %scan3A_949 step %scan3A_950 iter_args(%scan3A_1086 = %scan3A) -> (i32)  : i32 {
      %mul3A_1087 = arith.constant 640 : i32
      %mul3A_1088 = arith.muli %arg1, %mul3A_1087 : i32
      %mul3A_1089 = arith.constant 16 : i32
      %mul3A_1090 = arith.muli %scan3A_1085, %mul3A_1089 : i32
      %add3A_1091 = arith.addi %mul3A_1088, %mul3A_1090 : i32
      "tpu.region"() ({
        %run_scoped3A = tpu.sem_alloc : memref<!tpu.dma_semaphore, #tpu.memory_space<semaphore_mem>>
        %dma_start3A_1093 = arith.constant 0 : i32
        %dma_start3A_1094 = tpu.memref_slice %arg14[%add3A_1091, %dma_start3A_1093] : memref<10240x128xf32, #tpu.memory_space<vmem_shared>> -> memref<16x128xf32, #tpu.memory_space<vmem_shared>>
        %dma_start3A_1095 = arith.constant 0 : i32
        %dma_start3A_1096 = tpu.memref_slice %arg14[%add3A_1091, %dma_start3A_1095] : memref<10240x128xf32, #tpu.memory_space<vmem_shared>> -> memref<16x128xf32, #tpu.memory_space<vmem_shared>>
        tpu.enqueue_dma source(%arg11 : memref<16x128xf32, #tpu.memory_space<vmem>>) target(%dma_start3A_1096 : memref<16x128xf32, #tpu.memory_space<vmem_shared>>) target_semaphore(%run_scoped3A : memref<!tpu.dma_semaphore, #tpu.memory_space<semaphore_mem>>)
        %dma_wait3A = arith.constant 0 : i32
        %dma_wait3A_1097 = tpu.memref_slice %arg14[%add3A_1091, %dma_wait3A] : memref<10240x128xf32, #tpu.memory_space<vmem_shared>> -> memref<16x128xf32, #tpu.memory_space<vmem_shared>>
        %dma_wait3A_1098 = arith.constant 0 : i32
        %dma_wait3A_1099 = tpu.memref_slice %arg14[%add3A_1091, %dma_wait3A_1098] : memref<10240x128xf32, #tpu.memory_space<vmem_shared>> -> memref<16x128xf32, #tpu.memory_space<vmem_shared>>
        tpu.wait_dma2 semaphore(%run_scoped3A : memref<!tpu.dma_semaphore, #tpu.memory_space<semaphore_mem>>) src(%arg11 : memref<16x128xf32, #tpu.memory_space<vmem>>) dst(%dma_wait3A_1099 : memref<16x128xf32, #tpu.memory_space<vmem_shared>>)
        tpu.yield
      }) : () -> ()
      %scan3A_1092 = arith.constant 0 : i32
      scf.yield %scan3A_1092 : i32
    }
    %scan3A_952 = arith.constant 40 : i32
    %mul3A_953 = arith.constant 640 : i32
    %mul3A_954 = arith.muli %arg1, %mul3A_953 : i32
    "tpu.region"() ({
      %run_scoped3A = tpu.sem_alloc : memref<!tpu.dma_semaphore, #tpu.memory_space<semaphore_mem>>
      %dma_start3A_1085 = tpu.memref_slice %arg15[%mul3A_954] : memref<10240xf32, #tpu.memory_space<vmem_shared>> -> memref<640xf32, #tpu.memory_space<vmem_shared>>
      %dma_start3A_1086 = tpu.memref_slice %arg15[%mul3A_954] : memref<10240xf32, #tpu.memory_space<vmem_shared>> -> memref<640xf32, #tpu.memory_space<vmem_shared>>
      tpu.enqueue_dma source(%arg12 : memref<640xf32, #tpu.memory_space<vmem>>) target(%dma_start3A_1086 : memref<640xf32, #tpu.memory_space<vmem_shared>>) target_semaphore(%run_scoped3A : memref<!tpu.dma_semaphore, #tpu.memory_space<semaphore_mem>>)
      %dma_wait3A = tpu.memref_slice %arg15[%mul3A_954] : memref<10240xf32, #tpu.memory_space<vmem_shared>> -> memref<640xf32, #tpu.memory_space<vmem_shared>>
      %dma_wait3A_1087 = tpu.memref_slice %arg15[%mul3A_954] : memref<10240xf32, #tpu.memory_space<vmem_shared>> -> memref<640xf32, #tpu.memory_space<vmem_shared>>
      tpu.wait_dma2 semaphore(%run_scoped3A : memref<!tpu.dma_semaphore, #tpu.memory_space<semaphore_mem>>) src(%arg12 : memref<640xf32, #tpu.memory_space<vmem>>) dst(%dma_wait3A_1087 : memref<640xf32, #tpu.memory_space<vmem_shared>>)
      tpu.yield
    }) : () -> ()
    %barrier3A = arith.constant 0 : index
    tpu.barrier barrier_id(%barrier3A)
    %mul3A_955 = arith.constant 4 : i32
    %mul3A_956 = arith.muli %add3A, %mul3A_955 : i32
    %add3A_957 = arith.constant 0 : i32
    %add3A_958 = arith.addi %mul3A_956, %add3A_957 : i32
    "tpu.region"() ({
      %run_scoped3A = tpu.sem_alloc : memref<!tpu.dma_semaphore, #tpu.memory_space<semaphore_mem>>
      %dma_start3A_1085 = arith.constant 0 : i32
      %dma_start3A_1086 = arith.constant 0 : i32
      %dma_start3A_1087 = tpu.memref_slice %arg3[%add3A_958, %dma_start3A_1085, %dma_start3A_1086] : memref<128x40x64xi32, #tpu.memory_space<hbm>> -> memref<1x40x64xi32, #tpu.memory_space<hbm>>
      %dma_start3A_1088 = tpu.memref_squeeze %dma_start3A_1087 : memref<1x40x64xi32, #tpu.memory_space<hbm>> -> memref<40x64xi32, #tpu.memory_space<hbm>>
      %dma_start3A_1089 = arith.constant 0 : i32
      %dma_start3A_1090 = arith.constant 0 : i32
      %dma_start3A_1091 = tpu.memref_slice %arg3[%add3A_958, %dma_start3A_1089, %dma_start3A_1090] : memref<128x40x64xi32, #tpu.memory_space<hbm>> -> memref<1x40x64xi32, #tpu.memory_space<hbm>>
      %dma_start3A_1092 = tpu.memref_squeeze %dma_start3A_1091 : memref<1x40x64xi32, #tpu.memory_space<hbm>> -> memref<40x64xi32, #tpu.memory_space<hbm>>
      tpu.enqueue_dma source(%dma_start3A_1092 : memref<40x64xi32, #tpu.memory_space<hbm>>) target(%arg7 : memref<40x64xi32, #tpu.memory_space<vmem>>) target_semaphore(%run_scoped3A : memref<!tpu.dma_semaphore, #tpu.memory_space<semaphore_mem>>)
      %dma_wait3A = arith.constant 0 : i32
      %dma_wait3A_1093 = arith.constant 0 : i32
      %dma_wait3A_1094 = tpu.memref_slice %arg3[%add3A_958, %dma_wait3A, %dma_wait3A_1093] : memref<128x40x64xi32, #tpu.memory_space<hbm>> -> memref<1x40x64xi32, #tpu.memory_space<hbm>>
      %dma_wait3A_1095 = tpu.memref_squeeze %dma_wait3A_1094 : memref<1x40x64xi32, #tpu.memory_space<hbm>> -> memref<40x64xi32, #tpu.memory_space<hbm>>
      %dma_wait3A_1096 = arith.constant 0 : i32
      %dma_wait3A_1097 = arith.constant 0 : i32
      %dma_wait3A_1098 = tpu.memref_slice %arg3[%add3A_958, %dma_wait3A_1096, %dma_wait3A_1097] : memref<128x40x64xi32, #tpu.memory_space<hbm>> -> memref<1x40x64xi32, #tpu.memory_space<hbm>>
      %dma_wait3A_1099 = tpu.memref_squeeze %dma_wait3A_1098 : memref<1x40x64xi32, #tpu.memory_space<hbm>> -> memref<40x64xi32, #tpu.memory_space<hbm>>
      tpu.wait_dma2 semaphore(%run_scoped3A : memref<!tpu.dma_semaphore, #tpu.memory_space<semaphore_mem>>) src(%dma_wait3A_1099 : memref<40x64xi32, #tpu.memory_space<hbm>>) dst(%arg7 : memref<40x64xi32, #tpu.memory_space<vmem>>)
      tpu.yield
    }) : () -> ()
    %mul3A_959 = arith.constant 4 : i32
    %mul3A_960 = arith.muli %arg1, %mul3A_959 : i32
    %add3A_961 = arith.constant 0 : i32
    %add3A_962 = arith.addi %mul3A_960, %add3A_961 : i32
    "tpu.region"() ({
      %run_scoped3A = tpu.sem_alloc : memref<!tpu.dma_semaphore, #tpu.memory_space<semaphore_mem>>
      %dma_start3A_1085 = arith.constant 0 : i32
      %dma_start3A_1086 = arith.constant 0 : i32
      %dma_start3A_1087 = tpu.memref_slice %arg4[%add3A_962, %dma_start3A_1085, %dma_start3A_1086] : memref<64x40x64xi32, #tpu.memory_space<hbm>> -> memref<1x40x64xi32, #tpu.memory_space<hbm>>
      %dma_start3A_1088 = tpu.memref_squeeze %dma_start3A_1087 : memref<1x40x64xi32, #tpu.memory_space<hbm>> -> memref<40x64xi32, #tpu.memory_space<hbm>>
      %dma_start3A_1089 = arith.constant 0 : i32
      %dma_start3A_1090 = arith.constant 0 : i32
      %dma_start3A_1091 = tpu.memref_slice %arg4[%add3A_962, %dma_start3A_1089, %dma_start3A_1090] : memref<64x40x64xi32, #tpu.memory_space<hbm>> -> memref<1x40x64xi32, #tpu.memory_space<hbm>>
      %dma_start3A_1092 = tpu.memref_squeeze %dma_start3A_1091 : memref<1x40x64xi32, #tpu.memory_space<hbm>> -> memref<40x64xi32, #tpu.memory_space<hbm>>
      tpu.enqueue_dma source(%dma_start3A_1092 : memref<40x64xi32, #tpu.memory_space<hbm>>) target(%arg8 : memref<40x64xi32, #tpu.memory_space<vmem>>) target_semaphore(%run_scoped3A : memref<!tpu.dma_semaphore, #tpu.memory_space<semaphore_mem>>)
      %dma_wait3A = arith.constant 0 : i32
      %dma_wait3A_1093 = arith.constant 0 : i32
      %dma_wait3A_1094 = tpu.memref_slice %arg4[%add3A_962, %dma_wait3A, %dma_wait3A_1093] : memref<64x40x64xi32, #tpu.memory_space<hbm>> -> memref<1x40x64xi32, #tpu.memory_space<hbm>>
      %dma_wait3A_1095 = tpu.memref_squeeze %dma_wait3A_1094 : memref<1x40x64xi32, #tpu.memory_space<hbm>> -> memref<40x64xi32, #tpu.memory_space<hbm>>
      %dma_wait3A_1096 = arith.constant 0 : i32
      %dma_wait3A_1097 = arith.constant 0 : i32
      %dma_wait3A_1098 = tpu.memref_slice %arg4[%add3A_962, %dma_wait3A_1096, %dma_wait3A_1097] : memref<64x40x64xi32, #tpu.memory_space<hbm>> -> memref<1x40x64xi32, #tpu.memory_space<hbm>>
      %dma_wait3A_1099 = tpu.memref_squeeze %dma_wait3A_1098 : memref<1x40x64xi32, #tpu.memory_space<hbm>> -> memref<40x64xi32, #tpu.memory_space<hbm>>
      tpu.wait_dma2 semaphore(%run_scoped3A : memref<!tpu.dma_semaphore, #tpu.memory_space<semaphore_mem>>) src(%dma_wait3A_1099 : memref<40x64xi32, #tpu.memory_space<hbm>>) dst(%arg8 : memref<40x64xi32, #tpu.memory_space<vmem>>)
      tpu.yield
    }) : () -> ()
    %dma_start3A = arith.constant 0 : i32
    %dma_start3A_963 = arith.constant 0 : i32
    %dma_start3A_964 = tpu.memref_slice %arg7[%dma_start3A, %dma_start3A_963] : memref<40x64xi32, #tpu.memory_space<vmem>> -> memref<1x64xi32, #tpu.memory_space<vmem>>
    %dma_start3A_965 = tpu.memref_squeeze %dma_start3A_964 : memref<1x64xi32, #tpu.memory_space<vmem>> -> memref<64xi32, #tpu.memory_space<vmem>>
    %dma_start3A_966 = arith.constant 0 : i32
    %dma_start3A_967 = arith.constant 0 : i32
    %dma_start3A_968 = tpu.memref_slice %arg2[%dma_start3A_966, %dma_start3A_967] : memref<20000x128xf32, #tpu.memory_space<hbm>> -> memref<20000x128xf32, #tpu.memory_space<hbm>>
    tpu.enqueue_indirect_dma source(%dma_start3A_968 : memref<20000x128xf32, #tpu.memory_space<hbm>>) target(%arg9 : memref<64x128xf32, #tpu.memory_space<vmem>>) offsets(%dma_start3A_965 : memref<64xi32, #tpu.memory_space<vmem>>) semaphore(%arg16 : memref<!tpu.dma_semaphore, #tpu.memory_space<semaphore_mem>>)
    %dma_start3A_969 = arith.constant 1 : i32
    %dma_start3A_970 = arith.constant 0 : i32
    %dma_start3A_971 = tpu.memref_slice %arg7[%dma_start3A_969, %dma_start3A_970] : memref<40x64xi32, #tpu.memory_space<vmem>> -> memref<1x64xi32, #tpu.memory_space<vmem>>
    %dma_start3A_972 = tpu.memref_squeeze %dma_start3A_971 : memref<1x64xi32, #tpu.memory_space<vmem>> -> memref<64xi32, #tpu.memory_space<vmem>>
    %dma_start3A_973 = arith.constant 0 : i32
    %dma_start3A_974 = arith.constant 0 : i32
    %dma_start3A_975 = tpu.memref_slice %arg2[%dma_start3A_973, %dma_start3A_974] : memref<20000x128xf32, #tpu.memory_space<hbm>> -> memref<20000x128xf32, #tpu.memory_space<hbm>>
    tpu.enqueue_indirect_dma source(%dma_start3A_975 : memref<20000x128xf32, #tpu.memory_space<hbm>>) target(%arg10 : memref<64x128xf32, #tpu.memory_space<vmem>>) offsets(%dma_start3A_972 : memref<64xi32, #tpu.memory_space<vmem>>) semaphore(%arg17 : memref<!tpu.dma_semaphore, #tpu.memory_space<semaphore_mem>>)
    %scan3A_976 = arith.constant 0 : i32
    %scan3A_977 = arith.constant 0 : i32
    %scan3A_978 = arith.constant 20 : i32
    %scan3A_979 = arith.addi %scan3A_977, %scan3A_978 : i32
    %scan3A_980 = arith.constant 1 : i32
    %scan3A_981 = scf.for %scan3A_1085 = %scan3A_977 to %scan3A_979 step %scan3A_980 iter_args(%scan3A_1086 = %scan3A_976) -> (i32)  : i32 {
      %mul3A_1087 = arith.constant 2 : i32
      %mul3A_1088 = arith.muli %scan3A_1085, %mul3A_1087 : i32
      %dma_wait3A = arith.constant 0 : i32
      %dma_wait3A_1089 = arith.constant 0 : i32
      %dma_wait3A_1090 = tpu.memref_slice %arg7[%dma_wait3A, %dma_wait3A_1089] : memref<40x64xi32, #tpu.memory_space<vmem>> -> memref<1x64xi32, #tpu.memory_space<vmem>>
      %dma_wait3A_1091 = tpu.memref_squeeze %dma_wait3A_1090 : memref<1x64xi32, #tpu.memory_space<vmem>> -> memref<64xi32, #tpu.memory_space<vmem>>
      %dma_wait3A_1092 = arith.constant 0 : i32
      %dma_wait3A_1093 = arith.constant 0 : i32
      %dma_wait3A_1094 = tpu.memref_slice %arg2[%dma_wait3A_1092, %dma_wait3A_1093] : memref<20000x128xf32, #tpu.memory_space<hbm>> -> memref<20000x128xf32, #tpu.memory_space<hbm>>
      tpu.wait_indirect_dma semaphore(%arg16 : memref<!tpu.dma_semaphore, #tpu.memory_space<semaphore_mem>>) src(%dma_wait3A_1094 : memref<20000x128xf32, #tpu.memory_space<hbm>>) dst(%arg9 : memref<64x128xf32, #tpu.memory_space<vmem>>)
      "tpu.region"() ({
        %run_scoped3A = tpu.sem_alloc : memref<!tpu.dma_semaphore, #tpu.memory_space<semaphore_mem>>
        %dma_start3A_1135 = arith.constant 0 : i32
        %dma_start3A_1136 = tpu.memref_slice %arg8[%mul3A_1088, %dma_start3A_1135] : memref<40x64xi32, #tpu.memory_space<vmem>> -> memref<1x64xi32, #tpu.memory_space<vmem>>
        %dma_start3A_1137 = tpu.memref_squeeze %dma_start3A_1136 : memref<1x64xi32, #tpu.memory_space<vmem>> -> memref<64xi32, #tpu.memory_space<vmem>>
        %dma_start3A_1138 = arith.constant 0 : i32
        %dma_start3A_1139 = arith.constant 0 : i32
        %dma_start3A_1140 = tpu.memref_slice %arg14[%dma_start3A_1138, %dma_start3A_1139] : memref<10240x128xf32, #tpu.memory_space<vmem_shared>> -> memref<10240x128xf32, #tpu.memory_space<vmem_shared>>
        tpu.enqueue_indirect_dma source(%arg9 : memref<64x128xf32, #tpu.memory_space<vmem>>) target(%dma_start3A_1140 : memref<10240x128xf32, #tpu.memory_space<vmem_shared>>) offsets(%dma_start3A_1137 : memref<64xi32, #tpu.memory_space<vmem>>) semaphore(%run_scoped3A : memref<!tpu.dma_semaphore, #tpu.memory_space<semaphore_mem>>) {add = true}
        %dma_wait3A_1141 = arith.constant 0 : i32
        %dma_wait3A_1142 = tpu.memref_slice %arg8[%mul3A_1088, %dma_wait3A_1141] : memref<40x64xi32, #tpu.memory_space<vmem>> -> memref<1x64xi32, #tpu.memory_space<vmem>>
        %dma_wait3A_1143 = tpu.memref_squeeze %dma_wait3A_1142 : memref<1x64xi32, #tpu.memory_space<vmem>> -> memref<64xi32, #tpu.memory_space<vmem>>
        %dma_wait3A_1144 = arith.constant 0 : i32
        %dma_wait3A_1145 = arith.constant 0 : i32
        %dma_wait3A_1146 = tpu.memref_slice %arg14[%dma_wait3A_1144, %dma_wait3A_1145] : memref<10240x128xf32, #tpu.memory_space<vmem_shared>> -> memref<10240x128xf32, #tpu.memory_space<vmem_shared>>
        tpu.wait_indirect_dma semaphore(%run_scoped3A : memref<!tpu.dma_semaphore, #tpu.memory_space<semaphore_mem>>) src(%arg9 : memref<64x128xf32, #tpu.memory_space<vmem>>) dst(%dma_wait3A_1146 : memref<10240x128xf32, #tpu.memory_space<vmem_shared>>)
        tpu.yield
      }) : () -> ()
      %eq3A = arith.constant 0 : i32
      %eq3A_1095 = arith.cmpi eq, %arg0, %eq3A : i32
      %convert_element_type3A = arith.extui %eq3A_1095 : i1 to i32
      %cond3A = arith.constant 0 : i32
      %cond3A_1096 = arith.cmpi ne, %convert_element_type3A, %cond3A : i32
      scf.if %cond3A_1096 {
        "tpu.region"() ({
          %run_scoped3A = tpu.sem_alloc : memref<!tpu.dma_semaphore, #tpu.memory_space<semaphore_mem>>
          %dma_start3A_1135 = arith.constant 0 : i32
          %dma_start3A_1136 = tpu.memref_slice %arg13[%dma_start3A_1135] : memref<64xf32, #tpu.memory_space<vmem>> -> memref<32xf32, #tpu.memory_space<vmem>>
          %dma_start3A_1137 = arith.constant 0 : i32
          %dma_start3A_1138 = tpu.memref_slice %arg8[%mul3A_1088, %dma_start3A_1137] : memref<40x64xi32, #tpu.memory_space<vmem>> -> memref<1x32xi32, #tpu.memory_space<vmem>>
          %dma_start3A_1139 = tpu.memref_squeeze %dma_start3A_1138 : memref<1x32xi32, #tpu.memory_space<vmem>> -> memref<32xi32, #tpu.memory_space<vmem>>
          %dma_start3A_1140 = arith.constant 0 : i32
          %dma_start3A_1141 = tpu.memref_slice %arg15[%dma_start3A_1140] : memref<10240xf32, #tpu.memory_space<vmem_shared>> -> memref<10240xf32, #tpu.memory_space<vmem_shared>>
          tpu.enqueue_indirect_dma source(%dma_start3A_1136 : memref<32xf32, #tpu.memory_space<vmem>>) target(%dma_start3A_1141 : memref<10240xf32, #tpu.memory_space<vmem_shared>>) offsets(%dma_start3A_1139 : memref<32xi32, #tpu.memory_space<vmem>>) semaphore(%run_scoped3A : memref<!tpu.dma_semaphore, #tpu.memory_space<semaphore_mem>>) {add = true}
          %dma_wait3A_1142 = arith.constant 0 : i32
          %dma_wait3A_1143 = tpu.memref_slice %arg13[%dma_wait3A_1142] : memref<64xf32, #tpu.memory_space<vmem>> -> memref<32xf32, #tpu.memory_space<vmem>>
          %dma_wait3A_1144 = arith.constant 0 : i32
          %dma_wait3A_1145 = tpu.memref_slice %arg8[%mul3A_1088, %dma_wait3A_1144] : memref<40x64xi32, #tpu.memory_space<vmem>> -> memref<1x32xi32, #tpu.memory_space<vmem>>
          %dma_wait3A_1146 = tpu.memref_squeeze %dma_wait3A_1145 : memref<1x32xi32, #tpu.memory_space<vmem>> -> memref<32xi32, #tpu.memory_space<vmem>>
          %dma_wait3A_1147 = arith.constant 0 : i32
          %dma_wait3A_1148 = tpu.memref_slice %arg15[%dma_wait3A_1147] : memref<10240xf32, #tpu.memory_space<vmem_shared>> -> memref<10240xf32, #tpu.memory_space<vmem_shared>>
          tpu.wait_indirect_dma semaphore(%run_scoped3A : memref<!tpu.dma_semaphore, #tpu.memory_space<semaphore_mem>>) src(%dma_wait3A_1143 : memref<32xf32, #tpu.memory_space<vmem>>) dst(%dma_wait3A_1148 : memref<10240xf32, #tpu.memory_space<vmem_shared>>)
          tpu.yield
        }) : () -> ()
      } else {
      }
      %eq3A_1097 = arith.constant 1 : i32
      %eq3A_1098 = arith.cmpi eq, %arg0, %eq3A_1097 : i32
      %convert_element_type3A_1099 = arith.extui %eq3A_1098 : i1 to i32
      %cond3A_1100 = arith.constant 0 : i32
      %cond3A_1101 = arith.cmpi ne, %convert_element_type3A_1099, %cond3A_1100 : i32
      scf.if %cond3A_1101 {
        "tpu.region"() ({
          %run_scoped3A = tpu.sem_alloc : memref<!tpu.dma_semaphore, #tpu.memory_space<semaphore_mem>>
          %dma_start3A_1135 = arith.constant 0 : i32
          %dma_start3A_1136 = tpu.memref_slice %arg13[%dma_start3A_1135] : memref<64xf32, #tpu.memory_space<vmem>> -> memref<32xf32, #tpu.memory_space<vmem>>
          %dma_start3A_1137 = arith.constant 32 : i32
          %dma_start3A_1138 = tpu.memref_slice %arg8[%mul3A_1088, %dma_start3A_1137] : memref<40x64xi32, #tpu.memory_space<vmem>> -> memref<1x32xi32, #tpu.memory_space<vmem>>
          %dma_start3A_1139 = tpu.memref_squeeze %dma_start3A_1138 : memref<1x32xi32, #tpu.memory_space<vmem>> -> memref<32xi32, #tpu.memory_space<vmem>>
          %dma_start3A_1140 = arith.constant 0 : i32
          %dma_start3A_1141 = tpu.memref_slice %arg15[%dma_start3A_1140] : memref<10240xf32, #tpu.memory_space<vmem_shared>> -> memref<10240xf32, #tpu.memory_space<vmem_shared>>
          tpu.enqueue_indirect_dma source(%dma_start3A_1136 : memref<32xf32, #tpu.memory_space<vmem>>) target(%dma_start3A_1141 : memref<10240xf32, #tpu.memory_space<vmem_shared>>) offsets(%dma_start3A_1139 : memref<32xi32, #tpu.memory_space<vmem>>) semaphore(%run_scoped3A : memref<!tpu.dma_semaphore, #tpu.memory_space<semaphore_mem>>) {add = true}
          %dma_wait3A_1142 = arith.constant 0 : i32
          %dma_wait3A_1143 = tpu.memref_slice %arg13[%dma_wait3A_1142] : memref<64xf32, #tpu.memory_space<vmem>> -> memref<32xf32, #tpu.memory_space<vmem>>
          %dma_wait3A_1144 = arith.constant 32 : i32
          %dma_wait3A_1145 = tpu.memref_slice %arg8[%mul3A_1088, %dma_wait3A_1144] : memref<40x64xi32, #tpu.memory_space<vmem>> -> memref<1x32xi32, #tpu.memory_space<vmem>>
          %dma_wait3A_1146 = tpu.memref_squeeze %dma_wait3A_1145 : memref<1x32xi32, #tpu.memory_space<vmem>> -> memref<32xi32, #tpu.memory_space<vmem>>
          %dma_wait3A_1147 = arith.constant 0 : i32
          %dma_wait3A_1148 = tpu.memref_slice %arg15[%dma_wait3A_1147] : memref<10240xf32, #tpu.memory_space<vmem_shared>> -> memref<10240xf32, #tpu.memory_space<vmem_shared>>
          tpu.wait_indirect_dma semaphore(%run_scoped3A : memref<!tpu.dma_semaphore, #tpu.memory_space<semaphore_mem>>) src(%dma_wait3A_1143 : memref<32xf32, #tpu.memory_space<vmem>>) dst(%dma_wait3A_1148 : memref<10240xf32, #tpu.memory_space<vmem_shared>>)
          tpu.yield
        }) : () -> ()
      } else {
      }
      %add3A_1102 = arith.constant 2 : i32
      %add3A_1103 = arith.addi %mul3A_1088, %add3A_1102 : i32
      %lt3A = arith.constant 40 : i32
      %lt3A_1104 = arith.cmpi slt, %add3A_1103, %lt3A : i32
      %convert_element_type3A_1105 = arith.extui %lt3A_1104 : i1 to i32
      %cond3A_1106 = arith.constant 0 : i32
      %cond3A_1107 = arith.cmpi ne, %convert_element_type3A_1105, %cond3A_1106 : i32
      scf.if %cond3A_1107 {
        %add3A_1135 = arith.constant 2 : i32
        %add3A_1136 = arith.addi %mul3A_1088, %add3A_1135 : i32
        %dma_start3A_1137 = arith.constant 0 : i32
        %dma_start3A_1138 = tpu.memref_slice %arg7[%add3A_1136, %dma_start3A_1137] : memref<40x64xi32, #tpu.memory_space<vmem>> -> memref<1x64xi32, #tpu.memory_space<vmem>>
        %dma_start3A_1139 = tpu.memref_squeeze %dma_start3A_1138 : memref<1x64xi32, #tpu.memory_space<vmem>> -> memref<64xi32, #tpu.memory_space<vmem>>
        %dma_start3A_1140 = arith.constant 0 : i32
        %dma_start3A_1141 = arith.constant 0 : i32
        %dma_start3A_1142 = tpu.memref_slice %arg2[%dma_start3A_1140, %dma_start3A_1141] : memref<20000x128xf32, #tpu.memory_space<hbm>> -> memref<20000x128xf32, #tpu.memory_space<hbm>>
        tpu.enqueue_indirect_dma source(%dma_start3A_1142 : memref<20000x128xf32, #tpu.memory_space<hbm>>) target(%arg9 : memref<64x128xf32, #tpu.memory_space<vmem>>) offsets(%dma_start3A_1139 : memref<64xi32, #tpu.memory_space<vmem>>) semaphore(%arg16 : memref<!tpu.dma_semaphore, #tpu.memory_space<semaphore_mem>>)
      } else {
      }
      %dma_wait3A_1108 = arith.constant 0 : i32
      %dma_wait3A_1109 = arith.constant 0 : i32
      %dma_wait3A_1110 = tpu.memref_slice %arg7[%dma_wait3A_1108, %dma_wait3A_1109] : memref<40x64xi32, #tpu.memory_space<vmem>> -> memref<1x64xi32, #tpu.memory_space<vmem>>
      %dma_wait3A_1111 = tpu.memref_squeeze %dma_wait3A_1110 : memref<1x64xi32, #tpu.memory_space<vmem>> -> memref<64xi32, #tpu.memory_space<vmem>>
      %dma_wait3A_1112 = arith.constant 0 : i32
      %dma_wait3A_1113 = arith.constant 0 : i32
      %dma_wait3A_1114 = tpu.memref_slice %arg2[%dma_wait3A_1112, %dma_wait3A_1113] : memref<20000x128xf32, #tpu.memory_space<hbm>> -> memref<20000x128xf32, #tpu.memory_space<hbm>>
      tpu.wait_indirect_dma semaphore(%arg17 : memref<!tpu.dma_semaphore, #tpu.memory_space<semaphore_mem>>) src(%dma_wait3A_1114 : memref<20000x128xf32, #tpu.memory_space<hbm>>) dst(%arg10 : memref<64x128xf32, #tpu.memory_space<vmem>>)
      %add3A_1115 = arith.constant 1 : i32
      %add3A_1116 = arith.addi %mul3A_1088, %add3A_1115 : i32
      "tpu.region"() ({
        %run_scoped3A = tpu.sem_alloc : memref<!tpu.dma_semaphore, #tpu.memory_space<semaphore_mem>>
        %dma_start3A_1135 = arith.constant 0 : i32
        %dma_start3A_1136 = tpu.memref_slice %arg8[%add3A_1116, %dma_start3A_1135] : memref<40x64xi32, #tpu.memory_space<vmem>> -> memref<1x64xi32, #tpu.memory_space<vmem>>
        %dma_start3A_1137 = tpu.memref_squeeze %dma_start3A_1136 : memref<1x64xi32, #tpu.memory_space<vmem>> -> memref<64xi32, #tpu.memory_space<vmem>>
        %dma_start3A_1138 = arith.constant 0 : i32
        %dma_start3A_1139 = arith.constant 0 : i32
        %dma_start3A_1140 = tpu.memref_slice %arg14[%dma_start3A_1138, %dma_start3A_1139] : memref<10240x128xf32, #tpu.memory_space<vmem_shared>> -> memref<10240x128xf32, #tpu.memory_space<vmem_shared>>
        tpu.enqueue_indirect_dma source(%arg10 : memref<64x128xf32, #tpu.memory_space<vmem>>) target(%dma_start3A_1140 : memref<10240x128xf32, #tpu.memory_space<vmem_shared>>) offsets(%dma_start3A_1137 : memref<64xi32, #tpu.memory_space<vmem>>) semaphore(%run_scoped3A : memref<!tpu.dma_semaphore, #tpu.memory_space<semaphore_mem>>) {add = true}
        %dma_wait3A_1141 = arith.constant 0 : i32
        %dma_wait3A_1142 = tpu.memref_slice %arg8[%add3A_1116, %dma_wait3A_1141] : memref<40x64xi32, #tpu.memory_space<vmem>> -> memref<1x64xi32, #tpu.memory_space<vmem>>
        %dma_wait3A_1143 = tpu.memref_squeeze %dma_wait3A_1142 : memref<1x64xi32, #tpu.memory_space<vmem>> -> memref<64xi32, #tpu.memory_space<vmem>>
        %dma_wait3A_1144 = arith.constant 0 : i32
        %dma_wait3A_1145 = arith.constant 0 : i32
        %dma_wait3A_1146 = tpu.memref_slice %arg14[%dma_wait3A_1144, %dma_wait3A_1145] : memref<10240x128xf32, #tpu.memory_space<vmem_shared>> -> memref<10240x128xf32, #tpu.memory_space<vmem_shared>>
        tpu.wait_indirect_dma semaphore(%run_scoped3A : memref<!tpu.dma_semaphore, #tpu.memory_space<semaphore_mem>>) src(%arg10 : memref<64x128xf32, #tpu.memory_space<vmem>>) dst(%dma_wait3A_1146 : memref<10240x128xf32, #tpu.memory_space<vmem_shared>>)
        tpu.yield
      }) : () -> ()
      %eq3A_1117 = arith.constant 0 : i32
      %eq3A_1118 = arith.cmpi eq, %arg0, %eq3A_1117 : i32
      %convert_element_type3A_1119 = arith.extui %eq3A_1118 : i1 to i32
      %cond3A_1120 = arith.constant 0 : i32
      %cond3A_1121 = arith.cmpi ne, %convert_element_type3A_1119, %cond3A_1120 : i32
      scf.if %cond3A_1121 {
        "tpu.region"() ({
          %run_scoped3A = tpu.sem_alloc : memref<!tpu.dma_semaphore, #tpu.memory_space<semaphore_mem>>
          %dma_start3A_1135 = arith.constant 0 : i32
          %dma_start3A_1136 = tpu.memref_slice %arg13[%dma_start3A_1135] : memref<64xf32, #tpu.memory_space<vmem>> -> memref<32xf32, #tpu.memory_space<vmem>>
          %dma_start3A_1137 = arith.constant 0 : i32
          %dma_start3A_1138 = tpu.memref_slice %arg8[%add3A_1116, %dma_start3A_1137] : memref<40x64xi32, #tpu.memory_space<vmem>> -> memref<1x32xi32, #tpu.memory_space<vmem>>
          %dma_start3A_1139 = tpu.memref_squeeze %dma_start3A_1138 : memref<1x32xi32, #tpu.memory_space<vmem>> -> memref<32xi32, #tpu.memory_space<vmem>>
          %dma_start3A_1140 = arith.constant 0 : i32
          %dma_start3A_1141 = tpu.memref_slice %arg15[%dma_start3A_1140] : memref<10240xf32, #tpu.memory_space<vmem_shared>> -> memref<10240xf32, #tpu.memory_space<vmem_shared>>
          tpu.enqueue_indirect_dma source(%dma_start3A_1136 : memref<32xf32, #tpu.memory_space<vmem>>) target(%dma_start3A_1141 : memref<10240xf32, #tpu.memory_space<vmem_shared>>) offsets(%dma_start3A_1139 : memref<32xi32, #tpu.memory_space<vmem>>) semaphore(%run_scoped3A : memref<!tpu.dma_semaphore, #tpu.memory_space<semaphore_mem>>) {add = true}
          %dma_wait3A_1142 = arith.constant 0 : i32
          %dma_wait3A_1143 = tpu.memref_slice %arg13[%dma_wait3A_1142] : memref<64xf32, #tpu.memory_space<vmem>> -> memref<32xf32, #tpu.memory_space<vmem>>
          %dma_wait3A_1144 = arith.constant 0 : i32
          %dma_wait3A_1145 = tpu.memref_slice %arg8[%add3A_1116, %dma_wait3A_1144] : memref<40x64xi32, #tpu.memory_space<vmem>> -> memref<1x32xi32, #tpu.memory_space<vmem>>
          %dma_wait3A_1146 = tpu.memref_squeeze %dma_wait3A_1145 : memref<1x32xi32, #tpu.memory_space<vmem>> -> memref<32xi32, #tpu.memory_space<vmem>>
          %dma_wait3A_1147 = arith.constant 0 : i32
          %dma_wait3A_1148 = tpu.memref_slice %arg15[%dma_wait3A_1147] : memref<10240xf32, #tpu.memory_space<vmem_shared>> -> memref<10240xf32, #tpu.memory_space<vmem_shared>>
          tpu.wait_indirect_dma semaphore(%run_scoped3A : memref<!tpu.dma_semaphore, #tpu.memory_space<semaphore_mem>>) src(%dma_wait3A_1143 : memref<32xf32, #tpu.memory_space<vmem>>) dst(%dma_wait3A_1148 : memref<10240xf32, #tpu.memory_space<vmem_shared>>)
          tpu.yield
        }) : () -> ()
      } else {
      }
      %eq3A_1122 = arith.constant 1 : i32
      %eq3A_1123 = arith.cmpi eq, %arg0, %eq3A_1122 : i32
      %convert_element_type3A_1124 = arith.extui %eq3A_1123 : i1 to i32
      %cond3A_1125 = arith.constant 0 : i32
      %cond3A_1126 = arith.cmpi ne, %convert_element_type3A_1124, %cond3A_1125 : i32
      scf.if %cond3A_1126 {
        "tpu.region"() ({
          %run_scoped3A = tpu.sem_alloc : memref<!tpu.dma_semaphore, #tpu.memory_space<semaphore_mem>>
          %dma_start3A_1135 = arith.constant 0 : i32
          %dma_start3A_1136 = tpu.memref_slice %arg13[%dma_start3A_1135] : memref<64xf32, #tpu.memory_space<vmem>> -> memref<32xf32, #tpu.memory_space<vmem>>
          %dma_start3A_1137 = arith.constant 32 : i32
          %dma_start3A_1138 = tpu.memref_slice %arg8[%add3A_1116, %dma_start3A_1137] : memref<40x64xi32, #tpu.memory_space<vmem>> -> memref<1x32xi32, #tpu.memory_space<vmem>>
          %dma_start3A_1139 = tpu.memref_squeeze %dma_start3A_1138 : memref<1x32xi32, #tpu.memory_space<vmem>> -> memref<32xi32, #tpu.memory_space<vmem>>
          %dma_start3A_1140 = arith.constant 0 : i32
          %dma_start3A_1141 = tpu.memref_slice %arg15[%dma_start3A_1140] : memref<10240xf32, #tpu.memory_space<vmem_shared>> -> memref<10240xf32, #tpu.memory_space<vmem_shared>>
          tpu.enqueue_indirect_dma source(%dma_start3A_1136 : memref<32xf32, #tpu.memory_space<vmem>>) target(%dma_start3A_1141 : memref<10240xf32, #tpu.memory_space<vmem_shared>>) offsets(%dma_start3A_1139 : memref<32xi32, #tpu.memory_space<vmem>>) semaphore(%run_scoped3A : memref<!tpu.dma_semaphore, #tpu.memory_space<semaphore_mem>>) {add = true}
          %dma_wait3A_1142 = arith.constant 0 : i32
          %dma_wait3A_1143 = tpu.memref_slice %arg13[%dma_wait3A_1142] : memref<64xf32, #tpu.memory_space<vmem>> -> memref<32xf32, #tpu.memory_space<vmem>>
          %dma_wait3A_1144 = arith.constant 32 : i32
          %dma_wait3A_1145 = tpu.memref_slice %arg8[%add3A_1116, %dma_wait3A_1144] : memref<40x64xi32, #tpu.memory_space<vmem>> -> memref<1x32xi32, #tpu.memory_space<vmem>>
          %dma_wait3A_1146 = tpu.memref_squeeze %dma_wait3A_1145 : memref<1x32xi32, #tpu.memory_space<vmem>> -> memref<32xi32, #tpu.memory_space<vmem>>
          %dma_wait3A_1147 = arith.constant 0 : i32
          %dma_wait3A_1148 = tpu.memref_slice %arg15[%dma_wait3A_1147] : memref<10240xf32, #tpu.memory_space<vmem_shared>> -> memref<10240xf32, #tpu.memory_space<vmem_shared>>
          tpu.wait_indirect_dma semaphore(%run_scoped3A : memref<!tpu.dma_semaphore, #tpu.memory_space<semaphore_mem>>) src(%dma_wait3A_1143 : memref<32xf32, #tpu.memory_space<vmem>>) dst(%dma_wait3A_1148 : memref<10240xf32, #tpu.memory_space<vmem_shared>>)
          tpu.yield
        }) : () -> ()
      } else {
      }
      %add3A_1127 = arith.constant 3 : i32
      %add3A_1128 = arith.addi %mul3A_1088, %add3A_1127 : i32
      %lt3A_1129 = arith.constant 40 : i32
      %lt3A_1130 = arith.cmpi slt, %add3A_1128, %lt3A_1129 : i32
      %convert_element_type3A_1131 = arith.extui %lt3A_1130 : i1 to i32
      %cond3A_1132 = arith.constant 0 : i32
      %cond3A_1133 = arith.cmpi ne, %convert_element_type3A_1131, %cond3A_1132 : i32
      scf.if %cond3A_1133 {
        %add3A_1135 = arith.constant 3 : i32
        %add3A_1136 = arith.addi %mul3A_1088, %add3A_1135 : i32
        %dma_start3A_1137 = arith.constant 0 : i32
        %dma_start3A_1138 = tpu.memref_slice %arg7[%add3A_1136, %dma_start3A_1137] : memref<40x64xi32, #tpu.memory_space<vmem>> -> memref<1x64xi32, #tpu.memory_space<vmem>>
        %dma_start3A_1139 = tpu.memref_squeeze %dma_start3A_1138 : memref<1x64xi32, #tpu.memory_space<vmem>> -> memref<64xi32, #tpu.memory_space<vmem>>
        %dma_start3A_1140 = arith.constant 0 : i32
        %dma_start3A_1141 = arith.constant 0 : i32
        %dma_start3A_1142 = tpu.memref_slice %arg2[%dma_start3A_1140, %dma_start3A_1141] : memref<20000x128xf32, #tpu.memory_space<hbm>> -> memref<20000x128xf32, #tpu.memory_space<hbm>>
        tpu.enqueue_indirect_dma source(%dma_start3A_1142 : memref<20000x128xf32, #tpu.memory_space<hbm>>) target(%arg10 : memref<64x128xf32, #tpu.memory_space<vmem>>) offsets(%dma_start3A_1139 : memref<64xi32, #tpu.memory_space<vmem>>) semaphore(%arg17 : memref<!tpu.dma_semaphore, #tpu.memory_space<semaphore_mem>>)
      } else {
      }
      %scan3A_1134 = arith.constant 0 : i32
      scf.yield %scan3A_1134 : i32
    }
    %scan3A_982 = arith.constant 20 : i32
    %mul3A_983 = arith.constant 4 : i32
    %mul3A_984 = arith.muli %add3A, %mul3A_983 : i32
    %add3A_985 = arith.constant 1 : i32
    %add3A_986 = arith.addi %mul3A_984, %add3A_985 : i32
    "tpu.region"() ({
      %run_scoped3A = tpu.sem_alloc : memref<!tpu.dma_semaphore, #tpu.memory_space<semaphore_mem>>
      %dma_start3A_1085 = arith.constant 0 : i32
      %dma_start3A_1086 = arith.constant 0 : i32
      %dma_start3A_1087 = tpu.memref_slice %arg3[%add3A_986, %dma_start3A_1085, %dma_start3A_1086] : memref<128x40x64xi32, #tpu.memory_space<hbm>> -> memref<1x40x64xi32, #tpu.memory_space<hbm>>
      %dma_start3A_1088 = tpu.memref_squeeze %dma_start3A_1087 : memref<1x40x64xi32, #tpu.memory_space<hbm>> -> memref<40x64xi32, #tpu.memory_space<hbm>>
      %dma_start3A_1089 = arith.constant 0 : i32
      %dma_start3A_1090 = arith.constant 0 : i32
      %dma_start3A_1091 = tpu.memref_slice %arg3[%add3A_986, %dma_start3A_1089, %dma_start3A_1090] : memref<128x40x64xi32, #tpu.memory_space<hbm>> -> memref<1x40x64xi32, #tpu.memory_space<hbm>>
      %dma_start3A_1092 = tpu.memref_squeeze %dma_start3A_1091 : memref<1x40x64xi32, #tpu.memory_space<hbm>> -> memref<40x64xi32, #tpu.memory_space<hbm>>
      tpu.enqueue_dma source(%dma_start3A_1092 : memref<40x64xi32, #tpu.memory_space<hbm>>) target(%arg7 : memref<40x64xi32, #tpu.memory_space<vmem>>) target_semaphore(%run_scoped3A : memref<!tpu.dma_semaphore, #tpu.memory_space<semaphore_mem>>)
      %dma_wait3A = arith.constant 0 : i32
      %dma_wait3A_1093 = arith.constant 0 : i32
      %dma_wait3A_1094 = tpu.memref_slice %arg3[%add3A_986, %dma_wait3A, %dma_wait3A_1093] : memref<128x40x64xi32, #tpu.memory_space<hbm>> -> memref<1x40x64xi32, #tpu.memory_space<hbm>>
      %dma_wait3A_1095 = tpu.memref_squeeze %dma_wait3A_1094 : memref<1x40x64xi32, #tpu.memory_space<hbm>> -> memref<40x64xi32, #tpu.memory_space<hbm>>
      %dma_wait3A_1096 = arith.constant 0 : i32
      %dma_wait3A_1097 = arith.constant 0 : i32
      %dma_wait3A_1098 = tpu.memref_slice %arg3[%add3A_986, %dma_wait3A_1096, %dma_wait3A_1097] : memref<128x40x64xi32, #tpu.memory_space<hbm>> -> memref<1x40x64xi32, #tpu.memory_space<hbm>>
      %dma_wait3A_1099 = tpu.memref_squeeze %dma_wait3A_1098 : memref<1x40x64xi32, #tpu.memory_space<hbm>> -> memref<40x64xi32, #tpu.memory_space<hbm>>
      tpu.wait_dma2 semaphore(%run_scoped3A : memref<!tpu.dma_semaphore, #tpu.memory_space<semaphore_mem>>) src(%dma_wait3A_1099 : memref<40x64xi32, #tpu.memory_space<hbm>>) dst(%arg7 : memref<40x64xi32, #tpu.memory_space<vmem>>)
      tpu.yield
    }) : () -> ()
    %mul3A_987 = arith.constant 4 : i32
    %mul3A_988 = arith.muli %arg1, %mul3A_987 : i32
    %add3A_989 = arith.constant 1 : i32
    %add3A_990 = arith.addi %mul3A_988, %add3A_989 : i32
    "tpu.region"() ({
      %run_scoped3A = tpu.sem_alloc : memref<!tpu.dma_semaphore, #tpu.memory_space<semaphore_mem>>
      %dma_start3A_1085 = arith.constant 0 : i32
      %dma_start3A_1086 = arith.constant 0 : i32
      %dma_start3A_1087 = tpu.memref_slice %arg4[%add3A_990, %dma_start3A_1085, %dma_start3A_1086] : memref<64x40x64xi32, #tpu.memory_space<hbm>> -> memref<1x40x64xi32, #tpu.memory_space<hbm>>
      %dma_start3A_1088 = tpu.memref_squeeze %dma_start3A_1087 : memref<1x40x64xi32, #tpu.memory_space<hbm>> -> memref<40x64xi32, #tpu.memory_space<hbm>>
      %dma_start3A_1089 = arith.constant 0 : i32
      %dma_start3A_1090 = arith.constant 0 : i32
      %dma_start3A_1091 = tpu.memref_slice %arg4[%add3A_990, %dma_start3A_1089, %dma_start3A_1090] : memref<64x40x64xi32, #tpu.memory_space<hbm>> -> memref<1x40x64xi32, #tpu.memory_space<hbm>>
      %dma_start3A_1092 = tpu.memref_squeeze %dma_start3A_1091 : memref<1x40x64xi32, #tpu.memory_space<hbm>> -> memref<40x64xi32, #tpu.memory_space<hbm>>
      tpu.enqueue_dma source(%dma_start3A_1092 : memref<40x64xi32, #tpu.memory_space<hbm>>) target(%arg8 : memref<40x64xi32, #tpu.memory_space<vmem>>) target_semaphore(%run_scoped3A : memref<!tpu.dma_semaphore, #tpu.memory_space<semaphore_mem>>)
      %dma_wait3A = arith.constant 0 : i32
      %dma_wait3A_1093 = arith.constant 0 : i32
      %dma_wait3A_1094 = tpu.memref_slice %arg4[%add3A_990, %dma_wait3A, %dma_wait3A_1093] : memref<64x40x64xi32, #tpu.memory_space<hbm>> -> memref<1x40x64xi32, #tpu.memory_space<hbm>>
      %dma_wait3A_1095 = tpu.memref_squeeze %dma_wait3A_1094 : memref<1x40x64xi32, #tpu.memory_space<hbm>> -> memref<40x64xi32, #tpu.memory_space<hbm>>
      %dma_wait3A_1096 = arith.constant 0 : i32
      %dma_wait3A_1097 = arith.constant 0 : i32
      %dma_wait3A_1098 = tpu.memref_slice %arg4[%add3A_990, %dma_wait3A_1096, %dma_wait3A_1097] : memref<64x40x64xi32, #tpu.memory_space<hbm>> -> memref<1x40x64xi32, #tpu.memory_space<hbm>>
      %dma_wait3A_1099 = tpu.memref_squeeze %dma_wait3A_1098 : memref<1x40x64xi32, #tpu.memory_space<hbm>> -> memref<40x64xi32, #tpu.memory_space<hbm>>
      tpu.wait_dma2 semaphore(%run_scoped3A : memref<!tpu.dma_semaphore, #tpu.memory_space<semaphore_mem>>) src(%dma_wait3A_1099 : memref<40x64xi32, #tpu.memory_space<hbm>>) dst(%arg8 : memref<40x64xi32, #tpu.memory_space<vmem>>)
      tpu.yield
    }) : () -> ()
    %dma_start3A_991 = arith.constant 0 : i32
    %dma_start3A_992 = arith.constant 0 : i32
    %dma_start3A_993 = tpu.memref_slice %arg7[%dma_start3A_991, %dma_start3A_992] : memref<40x64xi32, #tpu.memory_space<vmem>> -> memref<1x64xi32, #tpu.memory_space<vmem>>
    %dma_start3A_994 = tpu.memref_squeeze %dma_start3A_993 : memref<1x64xi32, #tpu.memory_space<vmem>> -> memref<64xi32, #tpu.memory_space<vmem>>
    %dma_start3A_995 = arith.constant 0 : i32
    %dma_start3A_996 = arith.constant 0 : i32
    %dma_start3A_997 = tpu.memref_slice %arg2[%dma_start3A_995, %dma_start3A_996] : memref<20000x128xf32, #tpu.memory_space<hbm>> -> memref<20000x128xf32, #tpu.memory_space<hbm>>
    tpu.enqueue_indirect_dma source(%dma_start3A_997 : memref<20000x128xf32, #tpu.memory_space<hbm>>) target(%arg9 : memref<64x128xf32, #tpu.memory_space<vmem>>) offsets(%dma_start3A_994 : memref<64xi32, #tpu.memory_space<vmem>>) semaphore(%arg16 : memref<!tpu.dma_semaphore, #tpu.memory_space<semaphore_mem>>)
    %dma_start3A_998 = arith.constant 1 : i32
    %dma_start3A_999 = arith.constant 0 : i32
    %dma_start3A_1000 = tpu.memref_slice %arg7[%dma_start3A_998, %dma_start3A_999] : memref<40x64xi32, #tpu.memory_space<vmem>> -> memref<1x64xi32, #tpu.memory_space<vmem>>
    %dma_start3A_1001 = tpu.memref_squeeze %dma_start3A_1000 : memref<1x64xi32, #tpu.memory_space<vmem>> -> memref<64xi32, #tpu.memory_space<vmem>>
    %dma_start3A_1002 = arith.constant 0 : i32
    %dma_start3A_1003 = arith.constant 0 : i32
    %dma_start3A_1004 = tpu.memref_slice %arg2[%dma_start3A_1002, %dma_start3A_1003] : memref<20000x128xf32, #tpu.memory_space<hbm>> -> memref<20000x128xf32, #tpu.memory_space<hbm>>
    tpu.enqueue_indirect_dma source(%dma_start3A_1004 : memref<20000x128xf32, #tpu.memory_space<hbm>>) target(%arg10 : memref<64x128xf32, #tpu.memory_space<vmem>>) offsets(%dma_start3A_1001 : memref<64xi32, #tpu.memory_space<vmem>>) semaphore(%arg17 : memref<!tpu.dma_semaphore, #tpu.memory_space<semaphore_mem>>)
    %scan3A_1005 = arith.constant 0 : i32
    %scan3A_1006 = arith.constant 0 : i32
    %scan3A_1007 = arith.constant 20 : i32
    %scan3A_1008 = arith.addi %scan3A_1006, %scan3A_1007 : i32
    %scan3A_1009 = arith.constant 1 : i32
    %scan3A_1010 = scf.for %scan3A_1085 = %scan3A_1006 to %scan3A_1008 step %scan3A_1009 iter_args(%scan3A_1086 = %scan3A_1005) -> (i32)  : i32 {
      %mul3A_1087 = arith.constant 2 : i32
      %mul3A_1088 = arith.muli %scan3A_1085, %mul3A_1087 : i32
      %dma_wait3A = arith.constant 0 : i32
      %dma_wait3A_1089 = arith.constant 0 : i32
      %dma_wait3A_1090 = tpu.memref_slice %arg7[%dma_wait3A, %dma_wait3A_1089] : memref<40x64xi32, #tpu.memory_space<vmem>> -> memref<1x64xi32, #tpu.memory_space<vmem>>
      %dma_wait3A_1091 = tpu.memref_squeeze %dma_wait3A_1090 : memref<1x64xi32, #tpu.memory_space<vmem>> -> memref<64xi32, #tpu.memory_space<vmem>>
      %dma_wait3A_1092 = arith.constant 0 : i32
      %dma_wait3A_1093 = arith.constant 0 : i32
      %dma_wait3A_1094 = tpu.memref_slice %arg2[%dma_wait3A_1092, %dma_wait3A_1093] : memref<20000x128xf32, #tpu.memory_space<hbm>> -> memref<20000x128xf32, #tpu.memory_space<hbm>>
      tpu.wait_indirect_dma semaphore(%arg16 : memref<!tpu.dma_semaphore, #tpu.memory_space<semaphore_mem>>) src(%dma_wait3A_1094 : memref<20000x128xf32, #tpu.memory_space<hbm>>) dst(%arg9 : memref<64x128xf32, #tpu.memory_space<vmem>>)
      "tpu.region"() ({
        %run_scoped3A = tpu.sem_alloc : memref<!tpu.dma_semaphore, #tpu.memory_space<semaphore_mem>>
        %dma_start3A_1135 = arith.constant 0 : i32
        %dma_start3A_1136 = tpu.memref_slice %arg8[%mul3A_1088, %dma_start3A_1135] : memref<40x64xi32, #tpu.memory_space<vmem>> -> memref<1x64xi32, #tpu.memory_space<vmem>>
        %dma_start3A_1137 = tpu.memref_squeeze %dma_start3A_1136 : memref<1x64xi32, #tpu.memory_space<vmem>> -> memref<64xi32, #tpu.memory_space<vmem>>
        %dma_start3A_1138 = arith.constant 0 : i32
        %dma_start3A_1139 = arith.constant 0 : i32
        %dma_start3A_1140 = tpu.memref_slice %arg14[%dma_start3A_1138, %dma_start3A_1139] : memref<10240x128xf32, #tpu.memory_space<vmem_shared>> -> memref<10240x128xf32, #tpu.memory_space<vmem_shared>>
        tpu.enqueue_indirect_dma source(%arg9 : memref<64x128xf32, #tpu.memory_space<vmem>>) target(%dma_start3A_1140 : memref<10240x128xf32, #tpu.memory_space<vmem_shared>>) offsets(%dma_start3A_1137 : memref<64xi32, #tpu.memory_space<vmem>>) semaphore(%run_scoped3A : memref<!tpu.dma_semaphore, #tpu.memory_space<semaphore_mem>>) {add = true}
        %dma_wait3A_1141 = arith.constant 0 : i32
        %dma_wait3A_1142 = tpu.memref_slice %arg8[%mul3A_1088, %dma_wait3A_1141] : memref<40x64xi32, #tpu.memory_space<vmem>> -> memref<1x64xi32, #tpu.memory_space<vmem>>
        %dma_wait3A_1143 = tpu.memref_squeeze %dma_wait3A_1142 : memref<1x64xi32, #tpu.memory_space<vmem>> -> memref<64xi32, #tpu.memory_space<vmem>>
        %dma_wait3A_1144 = arith.constant 0 : i32
        %dma_wait3A_1145 = arith.constant 0 : i32
        %dma_wait3A_1146 = tpu.memref_slice %arg14[%dma_wait3A_1144, %dma_wait3A_1145] : memref<10240x128xf32, #tpu.memory_space<vmem_shared>> -> memref<10240x128xf32, #tpu.memory_space<vmem_shared>>
        tpu.wait_indirect_dma semaphore(%run_scoped3A : memref<!tpu.dma_semaphore, #tpu.memory_space<semaphore_mem>>) src(%arg9 : memref<64x128xf32, #tpu.memory_space<vmem>>) dst(%dma_wait3A_1146 : memref<10240x128xf32, #tpu.memory_space<vmem_shared>>)
        tpu.yield
      }) : () -> ()
      %eq3A = arith.constant 0 : i32
      %eq3A_1095 = arith.cmpi eq, %arg0, %eq3A : i32
      %convert_element_type3A = arith.extui %eq3A_1095 : i1 to i32
      %cond3A = arith.constant 0 : i32
      %cond3A_1096 = arith.cmpi ne, %convert_element_type3A, %cond3A : i32
      scf.if %cond3A_1096 {
        "tpu.region"() ({
          %run_scoped3A = tpu.sem_alloc : memref<!tpu.dma_semaphore, #tpu.memory_space<semaphore_mem>>
          %dma_start3A_1135 = arith.constant 0 : i32
          %dma_start3A_1136 = tpu.memref_slice %arg13[%dma_start3A_1135] : memref<64xf32, #tpu.memory_space<vmem>> -> memref<32xf32, #tpu.memory_space<vmem>>
          %dma_start3A_1137 = arith.constant 0 : i32
          %dma_start3A_1138 = tpu.memref_slice %arg8[%mul3A_1088, %dma_start3A_1137] : memref<40x64xi32, #tpu.memory_space<vmem>> -> memref<1x32xi32, #tpu.memory_space<vmem>>
          %dma_start3A_1139 = tpu.memref_squeeze %dma_start3A_1138 : memref<1x32xi32, #tpu.memory_space<vmem>> -> memref<32xi32, #tpu.memory_space<vmem>>
          %dma_start3A_1140 = arith.constant 0 : i32
          %dma_start3A_1141 = tpu.memref_slice %arg15[%dma_start3A_1140] : memref<10240xf32, #tpu.memory_space<vmem_shared>> -> memref<10240xf32, #tpu.memory_space<vmem_shared>>
          tpu.enqueue_indirect_dma source(%dma_start3A_1136 : memref<32xf32, #tpu.memory_space<vmem>>) target(%dma_start3A_1141 : memref<10240xf32, #tpu.memory_space<vmem_shared>>) offsets(%dma_start3A_1139 : memref<32xi32, #tpu.memory_space<vmem>>) semaphore(%run_scoped3A : memref<!tpu.dma_semaphore, #tpu.memory_space<semaphore_mem>>) {add = true}
          %dma_wait3A_1142 = arith.constant 0 : i32
          %dma_wait3A_1143 = tpu.memref_slice %arg13[%dma_wait3A_1142] : memref<64xf32, #tpu.memory_space<vmem>> -> memref<32xf32, #tpu.memory_space<vmem>>
          %dma_wait3A_1144 = arith.constant 0 : i32
          %dma_wait3A_1145 = tpu.memref_slice %arg8[%mul3A_1088, %dma_wait3A_1144] : memref<40x64xi32, #tpu.memory_space<vmem>> -> memref<1x32xi32, #tpu.memory_space<vmem>>
          %dma_wait3A_1146 = tpu.memref_squeeze %dma_wait3A_1145 : memref<1x32xi32, #tpu.memory_space<vmem>> -> memref<32xi32, #tpu.memory_space<vmem>>
          %dma_wait3A_1147 = arith.constant 0 : i32
          %dma_wait3A_1148 = tpu.memref_slice %arg15[%dma_wait3A_1147] : memref<10240xf32, #tpu.memory_space<vmem_shared>> -> memref<10240xf32, #tpu.memory_space<vmem_shared>>
          tpu.wait_indirect_dma semaphore(%run_scoped3A : memref<!tpu.dma_semaphore, #tpu.memory_space<semaphore_mem>>) src(%dma_wait3A_1143 : memref<32xf32, #tpu.memory_space<vmem>>) dst(%dma_wait3A_1148 : memref<10240xf32, #tpu.memory_space<vmem_shared>>)
          tpu.yield
        }) : () -> ()
      } else {
      }
      %eq3A_1097 = arith.constant 1 : i32
      %eq3A_1098 = arith.cmpi eq, %arg0, %eq3A_1097 : i32
      %convert_element_type3A_1099 = arith.extui %eq3A_1098 : i1 to i32
      %cond3A_1100 = arith.constant 0 : i32
      %cond3A_1101 = arith.cmpi ne, %convert_element_type3A_1099, %cond3A_1100 : i32
      scf.if %cond3A_1101 {
        "tpu.region"() ({
          %run_scoped3A = tpu.sem_alloc : memref<!tpu.dma_semaphore, #tpu.memory_space<semaphore_mem>>
          %dma_start3A_1135 = arith.constant 0 : i32
          %dma_start3A_1136 = tpu.memref_slice %arg13[%dma_start3A_1135] : memref<64xf32, #tpu.memory_space<vmem>> -> memref<32xf32, #tpu.memory_space<vmem>>
          %dma_start3A_1137 = arith.constant 32 : i32
          %dma_start3A_1138 = tpu.memref_slice %arg8[%mul3A_1088, %dma_start3A_1137] : memref<40x64xi32, #tpu.memory_space<vmem>> -> memref<1x32xi32, #tpu.memory_space<vmem>>
          %dma_start3A_1139 = tpu.memref_squeeze %dma_start3A_1138 : memref<1x32xi32, #tpu.memory_space<vmem>> -> memref<32xi32, #tpu.memory_space<vmem>>
          %dma_start3A_1140 = arith.constant 0 : i32
          %dma_start3A_1141 = tpu.memref_slice %arg15[%dma_start3A_1140] : memref<10240xf32, #tpu.memory_space<vmem_shared>> -> memref<10240xf32, #tpu.memory_space<vmem_shared>>
          tpu.enqueue_indirect_dma source(%dma_start3A_1136 : memref<32xf32, #tpu.memory_space<vmem>>) target(%dma_start3A_1141 : memref<10240xf32, #tpu.memory_space<vmem_shared>>) offsets(%dma_start3A_1139 : memref<32xi32, #tpu.memory_space<vmem>>) semaphore(%run_scoped3A : memref<!tpu.dma_semaphore, #tpu.memory_space<semaphore_mem>>) {add = true}
          %dma_wait3A_1142 = arith.constant 0 : i32
          %dma_wait3A_1143 = tpu.memref_slice %arg13[%dma_wait3A_1142] : memref<64xf32, #tpu.memory_space<vmem>> -> memref<32xf32, #tpu.memory_space<vmem>>
          %dma_wait3A_1144 = arith.constant 32 : i32
          %dma_wait3A_1145 = tpu.memref_slice %arg8[%mul3A_1088, %dma_wait3A_1144] : memref<40x64xi32, #tpu.memory_space<vmem>> -> memref<1x32xi32, #tpu.memory_space<vmem>>
          %dma_wait3A_1146 = tpu.memref_squeeze %dma_wait3A_1145 : memref<1x32xi32, #tpu.memory_space<vmem>> -> memref<32xi32, #tpu.memory_space<vmem>>
          %dma_wait3A_1147 = arith.constant 0 : i32
          %dma_wait3A_1148 = tpu.memref_slice %arg15[%dma_wait3A_1147] : memref<10240xf32, #tpu.memory_space<vmem_shared>> -> memref<10240xf32, #tpu.memory_space<vmem_shared>>
          tpu.wait_indirect_dma semaphore(%run_scoped3A : memref<!tpu.dma_semaphore, #tpu.memory_space<semaphore_mem>>) src(%dma_wait3A_1143 : memref<32xf32, #tpu.memory_space<vmem>>) dst(%dma_wait3A_1148 : memref<10240xf32, #tpu.memory_space<vmem_shared>>)
          tpu.yield
        }) : () -> ()
      } else {
      }
      %add3A_1102 = arith.constant 2 : i32
      %add3A_1103 = arith.addi %mul3A_1088, %add3A_1102 : i32
      %lt3A = arith.constant 40 : i32
      %lt3A_1104 = arith.cmpi slt, %add3A_1103, %lt3A : i32
      %convert_element_type3A_1105 = arith.extui %lt3A_1104 : i1 to i32
      %cond3A_1106 = arith.constant 0 : i32
      %cond3A_1107 = arith.cmpi ne, %convert_element_type3A_1105, %cond3A_1106 : i32
      scf.if %cond3A_1107 {
        %add3A_1135 = arith.constant 2 : i32
        %add3A_1136 = arith.addi %mul3A_1088, %add3A_1135 : i32
        %dma_start3A_1137 = arith.constant 0 : i32
        %dma_start3A_1138 = tpu.memref_slice %arg7[%add3A_1136, %dma_start3A_1137] : memref<40x64xi32, #tpu.memory_space<vmem>> -> memref<1x64xi32, #tpu.memory_space<vmem>>
        %dma_start3A_1139 = tpu.memref_squeeze %dma_start3A_1138 : memref<1x64xi32, #tpu.memory_space<vmem>> -> memref<64xi32, #tpu.memory_space<vmem>>
        %dma_start3A_1140 = arith.constant 0 : i32
        %dma_start3A_1141 = arith.constant 0 : i32
        %dma_start3A_1142 = tpu.memref_slice %arg2[%dma_start3A_1140, %dma_start3A_1141] : memref<20000x128xf32, #tpu.memory_space<hbm>> -> memref<20000x128xf32, #tpu.memory_space<hbm>>
        tpu.enqueue_indirect_dma source(%dma_start3A_1142 : memref<20000x128xf32, #tpu.memory_space<hbm>>) target(%arg9 : memref<64x128xf32, #tpu.memory_space<vmem>>) offsets(%dma_start3A_1139 : memref<64xi32, #tpu.memory_space<vmem>>) semaphore(%arg16 : memref<!tpu.dma_semaphore, #tpu.memory_space<semaphore_mem>>)
      } else {
      }
      %dma_wait3A_1108 = arith.constant 0 : i32
      %dma_wait3A_1109 = arith.constant 0 : i32
      %dma_wait3A_1110 = tpu.memref_slice %arg7[%dma_wait3A_1108, %dma_wait3A_1109] : memref<40x64xi32, #tpu.memory_space<vmem>> -> memref<1x64xi32, #tpu.memory_space<vmem>>
      %dma_wait3A_1111 = tpu.memref_squeeze %dma_wait3A_1110 : memref<1x64xi32, #tpu.memory_space<vmem>> -> memref<64xi32, #tpu.memory_space<vmem>>
      %dma_wait3A_1112 = arith.constant 0 : i32
      %dma_wait3A_1113 = arith.constant 0 : i32
      %dma_wait3A_1114 = tpu.memref_slice %arg2[%dma_wait3A_1112, %dma_wait3A_1113] : memref<20000x128xf32, #tpu.memory_space<hbm>> -> memref<20000x128xf32, #tpu.memory_space<hbm>>
      tpu.wait_indirect_dma semaphore(%arg17 : memref<!tpu.dma_semaphore, #tpu.memory_space<semaphore_mem>>) src(%dma_wait3A_1114 : memref<20000x128xf32, #tpu.memory_space<hbm>>) dst(%arg10 : memref<64x128xf32, #tpu.memory_space<vmem>>)
      %add3A_1115 = arith.constant 1 : i32
      %add3A_1116 = arith.addi %mul3A_1088, %add3A_1115 : i32
      "tpu.region"() ({
        %run_scoped3A = tpu.sem_alloc : memref<!tpu.dma_semaphore, #tpu.memory_space<semaphore_mem>>
        %dma_start3A_1135 = arith.constant 0 : i32
        %dma_start3A_1136 = tpu.memref_slice %arg8[%add3A_1116, %dma_start3A_1135] : memref<40x64xi32, #tpu.memory_space<vmem>> -> memref<1x64xi32, #tpu.memory_space<vmem>>
        %dma_start3A_1137 = tpu.memref_squeeze %dma_start3A_1136 : memref<1x64xi32, #tpu.memory_space<vmem>> -> memref<64xi32, #tpu.memory_space<vmem>>
        %dma_start3A_1138 = arith.constant 0 : i32
        %dma_start3A_1139 = arith.constant 0 : i32
        %dma_start3A_1140 = tpu.memref_slice %arg14[%dma_start3A_1138, %dma_start3A_1139] : memref<10240x128xf32, #tpu.memory_space<vmem_shared>> -> memref<10240x128xf32, #tpu.memory_space<vmem_shared>>
        tpu.enqueue_indirect_dma source(%arg10 : memref<64x128xf32, #tpu.memory_space<vmem>>) target(%dma_start3A_1140 : memref<10240x128xf32, #tpu.memory_space<vmem_shared>>) offsets(%dma_start3A_1137 : memref<64xi32, #tpu.memory_space<vmem>>) semaphore(%run_scoped3A : memref<!tpu.dma_semaphore, #tpu.memory_space<semaphore_mem>>) {add = true}
        %dma_wait3A_1141 = arith.constant 0 : i32
        %dma_wait3A_1142 = tpu.memref_slice %arg8[%add3A_1116, %dma_wait3A_1141] : memref<40x64xi32, #tpu.memory_space<vmem>> -> memref<1x64xi32, #tpu.memory_space<vmem>>
        %dma_wait3A_1143 = tpu.memref_squeeze %dma_wait3A_1142 : memref<1x64xi32, #tpu.memory_space<vmem>> -> memref<64xi32, #tpu.memory_space<vmem>>
        %dma_wait3A_1144 = arith.constant 0 : i32
        %dma_wait3A_1145 = arith.constant 0 : i32
        %dma_wait3A_1146 = tpu.memref_slice %arg14[%dma_wait3A_1144, %dma_wait3A_1145] : memref<10240x128xf32, #tpu.memory_space<vmem_shared>> -> memref<10240x128xf32, #tpu.memory_space<vmem_shared>>
        tpu.wait_indirect_dma semaphore(%run_scoped3A : memref<!tpu.dma_semaphore, #tpu.memory_space<semaphore_mem>>) src(%arg10 : memref<64x128xf32, #tpu.memory_space<vmem>>) dst(%dma_wait3A_1146 : memref<10240x128xf32, #tpu.memory_space<vmem_shared>>)
        tpu.yield
      }) : () -> ()
      %eq3A_1117 = arith.constant 0 : i32
      %eq3A_1118 = arith.cmpi eq, %arg0, %eq3A_1117 : i32
      %convert_element_type3A_1119 = arith.extui %eq3A_1118 : i1 to i32
      %cond3A_1120 = arith.constant 0 : i32
      %cond3A_1121 = arith.cmpi ne, %convert_element_type3A_1119, %cond3A_1120 : i32
      scf.if %cond3A_1121 {
        "tpu.region"() ({
          %run_scoped3A = tpu.sem_alloc : memref<!tpu.dma_semaphore, #tpu.memory_space<semaphore_mem>>
          %dma_start3A_1135 = arith.constant 0 : i32
          %dma_start3A_1136 = tpu.memref_slice %arg13[%dma_start3A_1135] : memref<64xf32, #tpu.memory_space<vmem>> -> memref<32xf32, #tpu.memory_space<vmem>>
          %dma_start3A_1137 = arith.constant 0 : i32
          %dma_start3A_1138 = tpu.memref_slice %arg8[%add3A_1116, %dma_start3A_1137] : memref<40x64xi32, #tpu.memory_space<vmem>> -> memref<1x32xi32, #tpu.memory_space<vmem>>
          %dma_start3A_1139 = tpu.memref_squeeze %dma_start3A_1138 : memref<1x32xi32, #tpu.memory_space<vmem>> -> memref<32xi32, #tpu.memory_space<vmem>>
          %dma_start3A_1140 = arith.constant 0 : i32
          %dma_start3A_1141 = tpu.memref_slice %arg15[%dma_start3A_1140] : memref<10240xf32, #tpu.memory_space<vmem_shared>> -> memref<10240xf32, #tpu.memory_space<vmem_shared>>
          tpu.enqueue_indirect_dma source(%dma_start3A_1136 : memref<32xf32, #tpu.memory_space<vmem>>) target(%dma_start3A_1141 : memref<10240xf32, #tpu.memory_space<vmem_shared>>) offsets(%dma_start3A_1139 : memref<32xi32, #tpu.memory_space<vmem>>) semaphore(%run_scoped3A : memref<!tpu.dma_semaphore, #tpu.memory_space<semaphore_mem>>) {add = true}
          %dma_wait3A_1142 = arith.constant 0 : i32
          %dma_wait3A_1143 = tpu.memref_slice %arg13[%dma_wait3A_1142] : memref<64xf32, #tpu.memory_space<vmem>> -> memref<32xf32, #tpu.memory_space<vmem>>
          %dma_wait3A_1144 = arith.constant 0 : i32
          %dma_wait3A_1145 = tpu.memref_slice %arg8[%add3A_1116, %dma_wait3A_1144] : memref<40x64xi32, #tpu.memory_space<vmem>> -> memref<1x32xi32, #tpu.memory_space<vmem>>
          %dma_wait3A_1146 = tpu.memref_squeeze %dma_wait3A_1145 : memref<1x32xi32, #tpu.memory_space<vmem>> -> memref<32xi32, #tpu.memory_space<vmem>>
          %dma_wait3A_1147 = arith.constant 0 : i32
          %dma_wait3A_1148 = tpu.memref_slice %arg15[%dma_wait3A_1147] : memref<10240xf32, #tpu.memory_space<vmem_shared>> -> memref<10240xf32, #tpu.memory_space<vmem_shared>>
          tpu.wait_indirect_dma semaphore(%run_scoped3A : memref<!tpu.dma_semaphore, #tpu.memory_space<semaphore_mem>>) src(%dma_wait3A_1143 : memref<32xf32, #tpu.memory_space<vmem>>) dst(%dma_wait3A_1148 : memref<10240xf32, #tpu.memory_space<vmem_shared>>)
          tpu.yield
        }) : () -> ()
      } else {
      }
      %eq3A_1122 = arith.constant 1 : i32
      %eq3A_1123 = arith.cmpi eq, %arg0, %eq3A_1122 : i32
      %convert_element_type3A_1124 = arith.extui %eq3A_1123 : i1 to i32
      %cond3A_1125 = arith.constant 0 : i32
      %cond3A_1126 = arith.cmpi ne, %convert_element_type3A_1124, %cond3A_1125 : i32
      scf.if %cond3A_1126 {
        "tpu.region"() ({
          %run_scoped3A = tpu.sem_alloc : memref<!tpu.dma_semaphore, #tpu.memory_space<semaphore_mem>>
          %dma_start3A_1135 = arith.constant 0 : i32
          %dma_start3A_1136 = tpu.memref_slice %arg13[%dma_start3A_1135] : memref<64xf32, #tpu.memory_space<vmem>> -> memref<32xf32, #tpu.memory_space<vmem>>
          %dma_start3A_1137 = arith.constant 32 : i32
          %dma_start3A_1138 = tpu.memref_slice %arg8[%add3A_1116, %dma_start3A_1137] : memref<40x64xi32, #tpu.memory_space<vmem>> -> memref<1x32xi32, #tpu.memory_space<vmem>>
          %dma_start3A_1139 = tpu.memref_squeeze %dma_start3A_1138 : memref<1x32xi32, #tpu.memory_space<vmem>> -> memref<32xi32, #tpu.memory_space<vmem>>
          %dma_start3A_1140 = arith.constant 0 : i32
          %dma_start3A_1141 = tpu.memref_slice %arg15[%dma_start3A_1140] : memref<10240xf32, #tpu.memory_space<vmem_shared>> -> memref<10240xf32, #tpu.memory_space<vmem_shared>>
          tpu.enqueue_indirect_dma source(%dma_start3A_1136 : memref<32xf32, #tpu.memory_space<vmem>>) target(%dma_start3A_1141 : memref<10240xf32, #tpu.memory_space<vmem_shared>>) offsets(%dma_start3A_1139 : memref<32xi32, #tpu.memory_space<vmem>>) semaphore(%run_scoped3A : memref<!tpu.dma_semaphore, #tpu.memory_space<semaphore_mem>>) {add = true}
          %dma_wait3A_1142 = arith.constant 0 : i32
          %dma_wait3A_1143 = tpu.memref_slice %arg13[%dma_wait3A_1142] : memref<64xf32, #tpu.memory_space<vmem>> -> memref<32xf32, #tpu.memory_space<vmem>>
          %dma_wait3A_1144 = arith.constant 32 : i32
          %dma_wait3A_1145 = tpu.memref_slice %arg8[%add3A_1116, %dma_wait3A_1144] : memref<40x64xi32, #tpu.memory_space<vmem>> -> memref<1x32xi32, #tpu.memory_space<vmem>>
          %dma_wait3A_1146 = tpu.memref_squeeze %dma_wait3A_1145 : memref<1x32xi32, #tpu.memory_space<vmem>> -> memref<32xi32, #tpu.memory_space<vmem>>
          %dma_wait3A_1147 = arith.constant 0 : i32
          %dma_wait3A_1148 = tpu.memref_slice %arg15[%dma_wait3A_1147] : memref<10240xf32, #tpu.memory_space<vmem_shared>> -> memref<10240xf32, #tpu.memory_space<vmem_shared>>
          tpu.wait_indirect_dma semaphore(%run_scoped3A : memref<!tpu.dma_semaphore, #tpu.memory_space<semaphore_mem>>) src(%dma_wait3A_1143 : memref<32xf32, #tpu.memory_space<vmem>>) dst(%dma_wait3A_1148 : memref<10240xf32, #tpu.memory_space<vmem_shared>>)
          tpu.yield
        }) : () -> ()
      } else {
      }
      %add3A_1127 = arith.constant 3 : i32
      %add3A_1128 = arith.addi %mul3A_1088, %add3A_1127 : i32
      %lt3A_1129 = arith.constant 40 : i32
      %lt3A_1130 = arith.cmpi slt, %add3A_1128, %lt3A_1129 : i32
      %convert_element_type3A_1131 = arith.extui %lt3A_1130 : i1 to i32
      %cond3A_1132 = arith.constant 0 : i32
      %cond3A_1133 = arith.cmpi ne, %convert_element_type3A_1131, %cond3A_1132 : i32
      scf.if %cond3A_1133 {
        %add3A_1135 = arith.constant 3 : i32
        %add3A_1136 = arith.addi %mul3A_1088, %add3A_1135 : i32
        %dma_start3A_1137 = arith.constant 0 : i32
        %dma_start3A_1138 = tpu.memref_slice %arg7[%add3A_1136, %dma_start3A_1137] : memref<40x64xi32, #tpu.memory_space<vmem>> -> memref<1x64xi32, #tpu.memory_space<vmem>>
        %dma_start3A_1139 = tpu.memref_squeeze %dma_start3A_1138 : memref<1x64xi32, #tpu.memory_space<vmem>> -> memref<64xi32, #tpu.memory_space<vmem>>
        %dma_start3A_1140 = arith.constant 0 : i32
        %dma_start3A_1141 = arith.constant 0 : i32
        %dma_start3A_1142 = tpu.memref_slice %arg2[%dma_start3A_1140, %dma_start3A_1141] : memref<20000x128xf32, #tpu.memory_space<hbm>> -> memref<20000x128xf32, #tpu.memory_space<hbm>>
        tpu.enqueue_indirect_dma source(%dma_start3A_1142 : memref<20000x128xf32, #tpu.memory_space<hbm>>) target(%arg10 : memref<64x128xf32, #tpu.memory_space<vmem>>) offsets(%dma_start3A_1139 : memref<64xi32, #tpu.memory_space<vmem>>) semaphore(%arg17 : memref<!tpu.dma_semaphore, #tpu.memory_space<semaphore_mem>>)
      } else {
      }
      %scan3A_1134 = arith.constant 0 : i32
      scf.yield %scan3A_1134 : i32
    }
    %scan3A_1011 = arith.constant 20 : i32
    %mul3A_1012 = arith.constant 4 : i32
    %mul3A_1013 = arith.muli %add3A, %mul3A_1012 : i32
    %add3A_1014 = arith.constant 2 : i32
    %add3A_1015 = arith.addi %mul3A_1013, %add3A_1014 : i32
    "tpu.region"() ({
      %run_scoped3A = tpu.sem_alloc : memref<!tpu.dma_semaphore, #tpu.memory_space<semaphore_mem>>
      %dma_start3A_1085 = arith.constant 0 : i32
      %dma_start3A_1086 = arith.constant 0 : i32
      %dma_start3A_1087 = tpu.memref_slice %arg3[%add3A_1015, %dma_start3A_1085, %dma_start3A_1086] : memref<128x40x64xi32, #tpu.memory_space<hbm>> -> memref<1x40x64xi32, #tpu.memory_space<hbm>>
      %dma_start3A_1088 = tpu.memref_squeeze %dma_start3A_1087 : memref<1x40x64xi32, #tpu.memory_space<hbm>> -> memref<40x64xi32, #tpu.memory_space<hbm>>
      %dma_start3A_1089 = arith.constant 0 : i32
      %dma_start3A_1090 = arith.constant 0 : i32
      %dma_start3A_1091 = tpu.memref_slice %arg3[%add3A_1015, %dma_start3A_1089, %dma_start3A_1090] : memref<128x40x64xi32, #tpu.memory_space<hbm>> -> memref<1x40x64xi32, #tpu.memory_space<hbm>>
      %dma_start3A_1092 = tpu.memref_squeeze %dma_start3A_1091 : memref<1x40x64xi32, #tpu.memory_space<hbm>> -> memref<40x64xi32, #tpu.memory_space<hbm>>
      tpu.enqueue_dma source(%dma_start3A_1092 : memref<40x64xi32, #tpu.memory_space<hbm>>) target(%arg7 : memref<40x64xi32, #tpu.memory_space<vmem>>) target_semaphore(%run_scoped3A : memref<!tpu.dma_semaphore, #tpu.memory_space<semaphore_mem>>)
      %dma_wait3A = arith.constant 0 : i32
      %dma_wait3A_1093 = arith.constant 0 : i32
      %dma_wait3A_1094 = tpu.memref_slice %arg3[%add3A_1015, %dma_wait3A, %dma_wait3A_1093] : memref<128x40x64xi32, #tpu.memory_space<hbm>> -> memref<1x40x64xi32, #tpu.memory_space<hbm>>
      %dma_wait3A_1095 = tpu.memref_squeeze %dma_wait3A_1094 : memref<1x40x64xi32, #tpu.memory_space<hbm>> -> memref<40x64xi32, #tpu.memory_space<hbm>>
      %dma_wait3A_1096 = arith.constant 0 : i32
      %dma_wait3A_1097 = arith.constant 0 : i32
      %dma_wait3A_1098 = tpu.memref_slice %arg3[%add3A_1015, %dma_wait3A_1096, %dma_wait3A_1097] : memref<128x40x64xi32, #tpu.memory_space<hbm>> -> memref<1x40x64xi32, #tpu.memory_space<hbm>>
      %dma_wait3A_1099 = tpu.memref_squeeze %dma_wait3A_1098 : memref<1x40x64xi32, #tpu.memory_space<hbm>> -> memref<40x64xi32, #tpu.memory_space<hbm>>
      tpu.wait_dma2 semaphore(%run_scoped3A : memref<!tpu.dma_semaphore, #tpu.memory_space<semaphore_mem>>) src(%dma_wait3A_1099 : memref<40x64xi32, #tpu.memory_space<hbm>>) dst(%arg7 : memref<40x64xi32, #tpu.memory_space<vmem>>)
      tpu.yield
    }) : () -> ()
    %mul3A_1016 = arith.constant 4 : i32
    %mul3A_1017 = arith.muli %arg1, %mul3A_1016 : i32
    %add3A_1018 = arith.constant 2 : i32
    %add3A_1019 = arith.addi %mul3A_1017, %add3A_1018 : i32
    "tpu.region"() ({
      %run_scoped3A = tpu.sem_alloc : memref<!tpu.dma_semaphore, #tpu.memory_space<semaphore_mem>>
      %dma_start3A_1085 = arith.constant 0 : i32
      %dma_start3A_1086 = arith.constant 0 : i32
      %dma_start3A_1087 = tpu.memref_slice %arg4[%add3A_1019, %dma_start3A_1085, %dma_start3A_1086] : memref<64x40x64xi32, #tpu.memory_space<hbm>> -> memref<1x40x64xi32, #tpu.memory_space<hbm>>
      %dma_start3A_1088 = tpu.memref_squeeze %dma_start3A_1087 : memref<1x40x64xi32, #tpu.memory_space<hbm>> -> memref<40x64xi32, #tpu.memory_space<hbm>>
      %dma_start3A_1089 = arith.constant 0 : i32
      %dma_start3A_1090 = arith.constant 0 : i32
      %dma_start3A_1091 = tpu.memref_slice %arg4[%add3A_1019, %dma_start3A_1089, %dma_start3A_1090] : memref<64x40x64xi32, #tpu.memory_space<hbm>> -> memref<1x40x64xi32, #tpu.memory_space<hbm>>
      %dma_start3A_1092 = tpu.memref_squeeze %dma_start3A_1091 : memref<1x40x64xi32, #tpu.memory_space<hbm>> -> memref<40x64xi32, #tpu.memory_space<hbm>>
      tpu.enqueue_dma source(%dma_start3A_1092 : memref<40x64xi32, #tpu.memory_space<hbm>>) target(%arg8 : memref<40x64xi32, #tpu.memory_space<vmem>>) target_semaphore(%run_scoped3A : memref<!tpu.dma_semaphore, #tpu.memory_space<semaphore_mem>>)
      %dma_wait3A = arith.constant 0 : i32
      %dma_wait3A_1093 = arith.constant 0 : i32
      %dma_wait3A_1094 = tpu.memref_slice %arg4[%add3A_1019, %dma_wait3A, %dma_wait3A_1093] : memref<64x40x64xi32, #tpu.memory_space<hbm>> -> memref<1x40x64xi32, #tpu.memory_space<hbm>>
      %dma_wait3A_1095 = tpu.memref_squeeze %dma_wait3A_1094 : memref<1x40x64xi32, #tpu.memory_space<hbm>> -> memref<40x64xi32, #tpu.memory_space<hbm>>
      %dma_wait3A_1096 = arith.constant 0 : i32
      %dma_wait3A_1097 = arith.constant 0 : i32
      %dma_wait3A_1098 = tpu.memref_slice %arg4[%add3A_1019, %dma_wait3A_1096, %dma_wait3A_1097] : memref<64x40x64xi32, #tpu.memory_space<hbm>> -> memref<1x40x64xi32, #tpu.memory_space<hbm>>
      %dma_wait3A_1099 = tpu.memref_squeeze %dma_wait3A_1098 : memref<1x40x64xi32, #tpu.memory_space<hbm>> -> memref<40x64xi32, #tpu.memory_space<hbm>>
      tpu.wait_dma2 semaphore(%run_scoped3A : memref<!tpu.dma_semaphore, #tpu.memory_space<semaphore_mem>>) src(%dma_wait3A_1099 : memref<40x64xi32, #tpu.memory_space<hbm>>) dst(%arg8 : memref<40x64xi32, #tpu.memory_space<vmem>>)
      tpu.yield
    }) : () -> ()
    %dma_start3A_1020 = arith.constant 0 : i32
    %dma_start3A_1021 = arith.constant 0 : i32
    %dma_start3A_1022 = tpu.memref_slice %arg7[%dma_start3A_1020, %dma_start3A_1021] : memref<40x64xi32, #tpu.memory_space<vmem>> -> memref<1x64xi32, #tpu.memory_space<vmem>>
    %dma_start3A_1023 = tpu.memref_squeeze %dma_start3A_1022 : memref<1x64xi32, #tpu.memory_space<vmem>> -> memref<64xi32, #tpu.memory_space<vmem>>
    %dma_start3A_1024 = arith.constant 0 : i32
    %dma_start3A_1025 = arith.constant 0 : i32
    %dma_start3A_1026 = tpu.memref_slice %arg2[%dma_start3A_1024, %dma_start3A_1025] : memref<20000x128xf32, #tpu.memory_space<hbm>> -> memref<20000x128xf32, #tpu.memory_space<hbm>>
    tpu.enqueue_indirect_dma source(%dma_start3A_1026 : memref<20000x128xf32, #tpu.memory_space<hbm>>) target(%arg9 : memref<64x128xf32, #tpu.memory_space<vmem>>) offsets(%dma_start3A_1023 : memref<64xi32, #tpu.memory_space<vmem>>) semaphore(%arg16 : memref<!tpu.dma_semaphore, #tpu.memory_space<semaphore_mem>>)
    %dma_start3A_1027 = arith.constant 1 : i32
    %dma_start3A_1028 = arith.constant 0 : i32
    %dma_start3A_1029 = tpu.memref_slice %arg7[%dma_start3A_1027, %dma_start3A_1028] : memref<40x64xi32, #tpu.memory_space<vmem>> -> memref<1x64xi32, #tpu.memory_space<vmem>>
    %dma_start3A_1030 = tpu.memref_squeeze %dma_start3A_1029 : memref<1x64xi32, #tpu.memory_space<vmem>> -> memref<64xi32, #tpu.memory_space<vmem>>
    %dma_start3A_1031 = arith.constant 0 : i32
    %dma_start3A_1032 = arith.constant 0 : i32
    %dma_start3A_1033 = tpu.memref_slice %arg2[%dma_start3A_1031, %dma_start3A_1032] : memref<20000x128xf32, #tpu.memory_space<hbm>> -> memref<20000x128xf32, #tpu.memory_space<hbm>>
    tpu.enqueue_indirect_dma source(%dma_start3A_1033 : memref<20000x128xf32, #tpu.memory_space<hbm>>) target(%arg10 : memref<64x128xf32, #tpu.memory_space<vmem>>) offsets(%dma_start3A_1030 : memref<64xi32, #tpu.memory_space<vmem>>) semaphore(%arg17 : memref<!tpu.dma_semaphore, #tpu.memory_space<semaphore_mem>>)
    %scan3A_1034 = arith.constant 0 : i32
    %scan3A_1035 = arith.constant 0 : i32
    %scan3A_1036 = arith.constant 20 : i32
    %scan3A_1037 = arith.addi %scan3A_1035, %scan3A_1036 : i32
    %scan3A_1038 = arith.constant 1 : i32
    %scan3A_1039 = scf.for %scan3A_1085 = %scan3A_1035 to %scan3A_1037 step %scan3A_1038 iter_args(%scan3A_1086 = %scan3A_1034) -> (i32)  : i32 {
      %mul3A_1087 = arith.constant 2 : i32
      %mul3A_1088 = arith.muli %scan3A_1085, %mul3A_1087 : i32
      %dma_wait3A = arith.constant 0 : i32
      %dma_wait3A_1089 = arith.constant 0 : i32
      %dma_wait3A_1090 = tpu.memref_slice %arg7[%dma_wait3A, %dma_wait3A_1089] : memref<40x64xi32, #tpu.memory_space<vmem>> -> memref<1x64xi32, #tpu.memory_space<vmem>>
      %dma_wait3A_1091 = tpu.memref_squeeze %dma_wait3A_1090 : memref<1x64xi32, #tpu.memory_space<vmem>> -> memref<64xi32, #tpu.memory_space<vmem>>
      %dma_wait3A_1092 = arith.constant 0 : i32
      %dma_wait3A_1093 = arith.constant 0 : i32
      %dma_wait3A_1094 = tpu.memref_slice %arg2[%dma_wait3A_1092, %dma_wait3A_1093] : memref<20000x128xf32, #tpu.memory_space<hbm>> -> memref<20000x128xf32, #tpu.memory_space<hbm>>
      tpu.wait_indirect_dma semaphore(%arg16 : memref<!tpu.dma_semaphore, #tpu.memory_space<semaphore_mem>>) src(%dma_wait3A_1094 : memref<20000x128xf32, #tpu.memory_space<hbm>>) dst(%arg9 : memref<64x128xf32, #tpu.memory_space<vmem>>)
      "tpu.region"() ({
        %run_scoped3A = tpu.sem_alloc : memref<!tpu.dma_semaphore, #tpu.memory_space<semaphore_mem>>
        %dma_start3A_1135 = arith.constant 0 : i32
        %dma_start3A_1136 = tpu.memref_slice %arg8[%mul3A_1088, %dma_start3A_1135] : memref<40x64xi32, #tpu.memory_space<vmem>> -> memref<1x64xi32, #tpu.memory_space<vmem>>
        %dma_start3A_1137 = tpu.memref_squeeze %dma_start3A_1136 : memref<1x64xi32, #tpu.memory_space<vmem>> -> memref<64xi32, #tpu.memory_space<vmem>>
        %dma_start3A_1138 = arith.constant 0 : i32
        %dma_start3A_1139 = arith.constant 0 : i32
        %dma_start3A_1140 = tpu.memref_slice %arg14[%dma_start3A_1138, %dma_start3A_1139] : memref<10240x128xf32, #tpu.memory_space<vmem_shared>> -> memref<10240x128xf32, #tpu.memory_space<vmem_shared>>
        tpu.enqueue_indirect_dma source(%arg9 : memref<64x128xf32, #tpu.memory_space<vmem>>) target(%dma_start3A_1140 : memref<10240x128xf32, #tpu.memory_space<vmem_shared>>) offsets(%dma_start3A_1137 : memref<64xi32, #tpu.memory_space<vmem>>) semaphore(%run_scoped3A : memref<!tpu.dma_semaphore, #tpu.memory_space<semaphore_mem>>) {add = true}
        %dma_wait3A_1141 = arith.constant 0 : i32
        %dma_wait3A_1142 = tpu.memref_slice %arg8[%mul3A_1088, %dma_wait3A_1141] : memref<40x64xi32, #tpu.memory_space<vmem>> -> memref<1x64xi32, #tpu.memory_space<vmem>>
        %dma_wait3A_1143 = tpu.memref_squeeze %dma_wait3A_1142 : memref<1x64xi32, #tpu.memory_space<vmem>> -> memref<64xi32, #tpu.memory_space<vmem>>
        %dma_wait3A_1144 = arith.constant 0 : i32
        %dma_wait3A_1145 = arith.constant 0 : i32
        %dma_wait3A_1146 = tpu.memref_slice %arg14[%dma_wait3A_1144, %dma_wait3A_1145] : memref<10240x128xf32, #tpu.memory_space<vmem_shared>> -> memref<10240x128xf32, #tpu.memory_space<vmem_shared>>
        tpu.wait_indirect_dma semaphore(%run_scoped3A : memref<!tpu.dma_semaphore, #tpu.memory_space<semaphore_mem>>) src(%arg9 : memref<64x128xf32, #tpu.memory_space<vmem>>) dst(%dma_wait3A_1146 : memref<10240x128xf32, #tpu.memory_space<vmem_shared>>)
        tpu.yield
      }) : () -> ()
      %eq3A = arith.constant 0 : i32
      %eq3A_1095 = arith.cmpi eq, %arg0, %eq3A : i32
      %convert_element_type3A = arith.extui %eq3A_1095 : i1 to i32
      %cond3A = arith.constant 0 : i32
      %cond3A_1096 = arith.cmpi ne, %convert_element_type3A, %cond3A : i32
      scf.if %cond3A_1096 {
        "tpu.region"() ({
          %run_scoped3A = tpu.sem_alloc : memref<!tpu.dma_semaphore, #tpu.memory_space<semaphore_mem>>
          %dma_start3A_1135 = arith.constant 0 : i32
          %dma_start3A_1136 = tpu.memref_slice %arg13[%dma_start3A_1135] : memref<64xf32, #tpu.memory_space<vmem>> -> memref<32xf32, #tpu.memory_space<vmem>>
          %dma_start3A_1137 = arith.constant 0 : i32
          %dma_start3A_1138 = tpu.memref_slice %arg8[%mul3A_1088, %dma_start3A_1137] : memref<40x64xi32, #tpu.memory_space<vmem>> -> memref<1x32xi32, #tpu.memory_space<vmem>>
          %dma_start3A_1139 = tpu.memref_squeeze %dma_start3A_1138 : memref<1x32xi32, #tpu.memory_space<vmem>> -> memref<32xi32, #tpu.memory_space<vmem>>
          %dma_start3A_1140 = arith.constant 0 : i32
          %dma_start3A_1141 = tpu.memref_slice %arg15[%dma_start3A_1140] : memref<10240xf32, #tpu.memory_space<vmem_shared>> -> memref<10240xf32, #tpu.memory_space<vmem_shared>>
          tpu.enqueue_indirect_dma source(%dma_start3A_1136 : memref<32xf32, #tpu.memory_space<vmem>>) target(%dma_start3A_1141 : memref<10240xf32, #tpu.memory_space<vmem_shared>>) offsets(%dma_start3A_1139 : memref<32xi32, #tpu.memory_space<vmem>>) semaphore(%run_scoped3A : memref<!tpu.dma_semaphore, #tpu.memory_space<semaphore_mem>>) {add = true}
          %dma_wait3A_1142 = arith.constant 0 : i32
          %dma_wait3A_1143 = tpu.memref_slice %arg13[%dma_wait3A_1142] : memref<64xf32, #tpu.memory_space<vmem>> -> memref<32xf32, #tpu.memory_space<vmem>>
          %dma_wait3A_1144 = arith.constant 0 : i32
          %dma_wait3A_1145 = tpu.memref_slice %arg8[%mul3A_1088, %dma_wait3A_1144] : memref<40x64xi32, #tpu.memory_space<vmem>> -> memref<1x32xi32, #tpu.memory_space<vmem>>
          %dma_wait3A_1146 = tpu.memref_squeeze %dma_wait3A_1145 : memref<1x32xi32, #tpu.memory_space<vmem>> -> memref<32xi32, #tpu.memory_space<vmem>>
          %dma_wait3A_1147 = arith.constant 0 : i32
          %dma_wait3A_1148 = tpu.memref_slice %arg15[%dma_wait3A_1147] : memref<10240xf32, #tpu.memory_space<vmem_shared>> -> memref<10240xf32, #tpu.memory_space<vmem_shared>>
          tpu.wait_indirect_dma semaphore(%run_scoped3A : memref<!tpu.dma_semaphore, #tpu.memory_space<semaphore_mem>>) src(%dma_wait3A_1143 : memref<32xf32, #tpu.memory_space<vmem>>) dst(%dma_wait3A_1148 : memref<10240xf32, #tpu.memory_space<vmem_shared>>)
          tpu.yield
        }) : () -> ()
      } else {
      }
      %eq3A_1097 = arith.constant 1 : i32
      %eq3A_1098 = arith.cmpi eq, %arg0, %eq3A_1097 : i32
      %convert_element_type3A_1099 = arith.extui %eq3A_1098 : i1 to i32
      %cond3A_1100 = arith.constant 0 : i32
      %cond3A_1101 = arith.cmpi ne, %convert_element_type3A_1099, %cond3A_1100 : i32
      scf.if %cond3A_1101 {
        "tpu.region"() ({
          %run_scoped3A = tpu.sem_alloc : memref<!tpu.dma_semaphore, #tpu.memory_space<semaphore_mem>>
          %dma_start3A_1135 = arith.constant 0 : i32
          %dma_start3A_1136 = tpu.memref_slice %arg13[%dma_start3A_1135] : memref<64xf32, #tpu.memory_space<vmem>> -> memref<32xf32, #tpu.memory_space<vmem>>
          %dma_start3A_1137 = arith.constant 32 : i32
          %dma_start3A_1138 = tpu.memref_slice %arg8[%mul3A_1088, %dma_start3A_1137] : memref<40x64xi32, #tpu.memory_space<vmem>> -> memref<1x32xi32, #tpu.memory_space<vmem>>
          %dma_start3A_1139 = tpu.memref_squeeze %dma_start3A_1138 : memref<1x32xi32, #tpu.memory_space<vmem>> -> memref<32xi32, #tpu.memory_space<vmem>>
          %dma_start3A_1140 = arith.constant 0 : i32
          %dma_start3A_1141 = tpu.memref_slice %arg15[%dma_start3A_1140] : memref<10240xf32, #tpu.memory_space<vmem_shared>> -> memref<10240xf32, #tpu.memory_space<vmem_shared>>
          tpu.enqueue_indirect_dma source(%dma_start3A_1136 : memref<32xf32, #tpu.memory_space<vmem>>) target(%dma_start3A_1141 : memref<10240xf32, #tpu.memory_space<vmem_shared>>) offsets(%dma_start3A_1139 : memref<32xi32, #tpu.memory_space<vmem>>) semaphore(%run_scoped3A : memref<!tpu.dma_semaphore, #tpu.memory_space<semaphore_mem>>) {add = true}
          %dma_wait3A_1142 = arith.constant 0 : i32
          %dma_wait3A_1143 = tpu.memref_slice %arg13[%dma_wait3A_1142] : memref<64xf32, #tpu.memory_space<vmem>> -> memref<32xf32, #tpu.memory_space<vmem>>
          %dma_wait3A_1144 = arith.constant 32 : i32
          %dma_wait3A_1145 = tpu.memref_slice %arg8[%mul3A_1088, %dma_wait3A_1144] : memref<40x64xi32, #tpu.memory_space<vmem>> -> memref<1x32xi32, #tpu.memory_space<vmem>>
          %dma_wait3A_1146 = tpu.memref_squeeze %dma_wait3A_1145 : memref<1x32xi32, #tpu.memory_space<vmem>> -> memref<32xi32, #tpu.memory_space<vmem>>
          %dma_wait3A_1147 = arith.constant 0 : i32
          %dma_wait3A_1148 = tpu.memref_slice %arg15[%dma_wait3A_1147] : memref<10240xf32, #tpu.memory_space<vmem_shared>> -> memref<10240xf32, #tpu.memory_space<vmem_shared>>
          tpu.wait_indirect_dma semaphore(%run_scoped3A : memref<!tpu.dma_semaphore, #tpu.memory_space<semaphore_mem>>) src(%dma_wait3A_1143 : memref<32xf32, #tpu.memory_space<vmem>>) dst(%dma_wait3A_1148 : memref<10240xf32, #tpu.memory_space<vmem_shared>>)
          tpu.yield
        }) : () -> ()
      } else {
      }
      %add3A_1102 = arith.constant 2 : i32
      %add3A_1103 = arith.addi %mul3A_1088, %add3A_1102 : i32
      %lt3A = arith.constant 40 : i32
      %lt3A_1104 = arith.cmpi slt, %add3A_1103, %lt3A : i32
      %convert_element_type3A_1105 = arith.extui %lt3A_1104 : i1 to i32
      %cond3A_1106 = arith.constant 0 : i32
      %cond3A_1107 = arith.cmpi ne, %convert_element_type3A_1105, %cond3A_1106 : i32
      scf.if %cond3A_1107 {
        %add3A_1135 = arith.constant 2 : i32
        %add3A_1136 = arith.addi %mul3A_1088, %add3A_1135 : i32
        %dma_start3A_1137 = arith.constant 0 : i32
        %dma_start3A_1138 = tpu.memref_slice %arg7[%add3A_1136, %dma_start3A_1137] : memref<40x64xi32, #tpu.memory_space<vmem>> -> memref<1x64xi32, #tpu.memory_space<vmem>>
        %dma_start3A_1139 = tpu.memref_squeeze %dma_start3A_1138 : memref<1x64xi32, #tpu.memory_space<vmem>> -> memref<64xi32, #tpu.memory_space<vmem>>
        %dma_start3A_1140 = arith.constant 0 : i32
        %dma_start3A_1141 = arith.constant 0 : i32
        %dma_start3A_1142 = tpu.memref_slice %arg2[%dma_start3A_1140, %dma_start3A_1141] : memref<20000x128xf32, #tpu.memory_space<hbm>> -> memref<20000x128xf32, #tpu.memory_space<hbm>>
        tpu.enqueue_indirect_dma source(%dma_start3A_1142 : memref<20000x128xf32, #tpu.memory_space<hbm>>) target(%arg9 : memref<64x128xf32, #tpu.memory_space<vmem>>) offsets(%dma_start3A_1139 : memref<64xi32, #tpu.memory_space<vmem>>) semaphore(%arg16 : memref<!tpu.dma_semaphore, #tpu.memory_space<semaphore_mem>>)
      } else {
      }
      %dma_wait3A_1108 = arith.constant 0 : i32
      %dma_wait3A_1109 = arith.constant 0 : i32
      %dma_wait3A_1110 = tpu.memref_slice %arg7[%dma_wait3A_1108, %dma_wait3A_1109] : memref<40x64xi32, #tpu.memory_space<vmem>> -> memref<1x64xi32, #tpu.memory_space<vmem>>
      %dma_wait3A_1111 = tpu.memref_squeeze %dma_wait3A_1110 : memref<1x64xi32, #tpu.memory_space<vmem>> -> memref<64xi32, #tpu.memory_space<vmem>>
      %dma_wait3A_1112 = arith.constant 0 : i32
      %dma_wait3A_1113 = arith.constant 0 : i32
      %dma_wait3A_1114 = tpu.memref_slice %arg2[%dma_wait3A_1112, %dma_wait3A_1113] : memref<20000x128xf32, #tpu.memory_space<hbm>> -> memref<20000x128xf32, #tpu.memory_space<hbm>>
      tpu.wait_indirect_dma semaphore(%arg17 : memref<!tpu.dma_semaphore, #tpu.memory_space<semaphore_mem>>) src(%dma_wait3A_1114 : memref<20000x128xf32, #tpu.memory_space<hbm>>) dst(%arg10 : memref<64x128xf32, #tpu.memory_space<vmem>>)
      %add3A_1115 = arith.constant 1 : i32
      %add3A_1116 = arith.addi %mul3A_1088, %add3A_1115 : i32
      "tpu.region"() ({
        %run_scoped3A = tpu.sem_alloc : memref<!tpu.dma_semaphore, #tpu.memory_space<semaphore_mem>>
        %dma_start3A_1135 = arith.constant 0 : i32
        %dma_start3A_1136 = tpu.memref_slice %arg8[%add3A_1116, %dma_start3A_1135] : memref<40x64xi32, #tpu.memory_space<vmem>> -> memref<1x64xi32, #tpu.memory_space<vmem>>
        %dma_start3A_1137 = tpu.memref_squeeze %dma_start3A_1136 : memref<1x64xi32, #tpu.memory_space<vmem>> -> memref<64xi32, #tpu.memory_space<vmem>>
        %dma_start3A_1138 = arith.constant 0 : i32
        %dma_start3A_1139 = arith.constant 0 : i32
        %dma_start3A_1140 = tpu.memref_slice %arg14[%dma_start3A_1138, %dma_start3A_1139] : memref<10240x128xf32, #tpu.memory_space<vmem_shared>> -> memref<10240x128xf32, #tpu.memory_space<vmem_shared>>
        tpu.enqueue_indirect_dma source(%arg10 : memref<64x128xf32, #tpu.memory_space<vmem>>) target(%dma_start3A_1140 : memref<10240x128xf32, #tpu.memory_space<vmem_shared>>) offsets(%dma_start3A_1137 : memref<64xi32, #tpu.memory_space<vmem>>) semaphore(%run_scoped3A : memref<!tpu.dma_semaphore, #tpu.memory_space<semaphore_mem>>) {add = true}
        %dma_wait3A_1141 = arith.constant 0 : i32
        %dma_wait3A_1142 = tpu.memref_slice %arg8[%add3A_1116, %dma_wait3A_1141] : memref<40x64xi32, #tpu.memory_space<vmem>> -> memref<1x64xi32, #tpu.memory_space<vmem>>
        %dma_wait3A_1143 = tpu.memref_squeeze %dma_wait3A_1142 : memref<1x64xi32, #tpu.memory_space<vmem>> -> memref<64xi32, #tpu.memory_space<vmem>>
        %dma_wait3A_1144 = arith.constant 0 : i32
        %dma_wait3A_1145 = arith.constant 0 : i32
        %dma_wait3A_1146 = tpu.memref_slice %arg14[%dma_wait3A_1144, %dma_wait3A_1145] : memref<10240x128xf32, #tpu.memory_space<vmem_shared>> -> memref<10240x128xf32, #tpu.memory_space<vmem_shared>>
        tpu.wait_indirect_dma semaphore(%run_scoped3A : memref<!tpu.dma_semaphore, #tpu.memory_space<semaphore_mem>>) src(%arg10 : memref<64x128xf32, #tpu.memory_space<vmem>>) dst(%dma_wait3A_1146 : memref<10240x128xf32, #tpu.memory_space<vmem_shared>>)
        tpu.yield
      }) : () -> ()
      %eq3A_1117 = arith.constant 0 : i32
      %eq3A_1118 = arith.cmpi eq, %arg0, %eq3A_1117 : i32
      %convert_element_type3A_1119 = arith.extui %eq3A_1118 : i1 to i32
      %cond3A_1120 = arith.constant 0 : i32
      %cond3A_1121 = arith.cmpi ne, %convert_element_type3A_1119, %cond3A_1120 : i32
      scf.if %cond3A_1121 {
        "tpu.region"() ({
          %run_scoped3A = tpu.sem_alloc : memref<!tpu.dma_semaphore, #tpu.memory_space<semaphore_mem>>
          %dma_start3A_1135 = arith.constant 0 : i32
          %dma_start3A_1136 = tpu.memref_slice %arg13[%dma_start3A_1135] : memref<64xf32, #tpu.memory_space<vmem>> -> memref<32xf32, #tpu.memory_space<vmem>>
          %dma_start3A_1137 = arith.constant 0 : i32
          %dma_start3A_1138 = tpu.memref_slice %arg8[%add3A_1116, %dma_start3A_1137] : memref<40x64xi32, #tpu.memory_space<vmem>> -> memref<1x32xi32, #tpu.memory_space<vmem>>
          %dma_start3A_1139 = tpu.memref_squeeze %dma_start3A_1138 : memref<1x32xi32, #tpu.memory_space<vmem>> -> memref<32xi32, #tpu.memory_space<vmem>>
          %dma_start3A_1140 = arith.constant 0 : i32
          %dma_start3A_1141 = tpu.memref_slice %arg15[%dma_start3A_1140] : memref<10240xf32, #tpu.memory_space<vmem_shared>> -> memref<10240xf32, #tpu.memory_space<vmem_shared>>
          tpu.enqueue_indirect_dma source(%dma_start3A_1136 : memref<32xf32, #tpu.memory_space<vmem>>) target(%dma_start3A_1141 : memref<10240xf32, #tpu.memory_space<vmem_shared>>) offsets(%dma_start3A_1139 : memref<32xi32, #tpu.memory_space<vmem>>) semaphore(%run_scoped3A : memref<!tpu.dma_semaphore, #tpu.memory_space<semaphore_mem>>) {add = true}
          %dma_wait3A_1142 = arith.constant 0 : i32
          %dma_wait3A_1143 = tpu.memref_slice %arg13[%dma_wait3A_1142] : memref<64xf32, #tpu.memory_space<vmem>> -> memref<32xf32, #tpu.memory_space<vmem>>
          %dma_wait3A_1144 = arith.constant 0 : i32
          %dma_wait3A_1145 = tpu.memref_slice %arg8[%add3A_1116, %dma_wait3A_1144] : memref<40x64xi32, #tpu.memory_space<vmem>> -> memref<1x32xi32, #tpu.memory_space<vmem>>
          %dma_wait3A_1146 = tpu.memref_squeeze %dma_wait3A_1145 : memref<1x32xi32, #tpu.memory_space<vmem>> -> memref<32xi32, #tpu.memory_space<vmem>>
          %dma_wait3A_1147 = arith.constant 0 : i32
          %dma_wait3A_1148 = tpu.memref_slice %arg15[%dma_wait3A_1147] : memref<10240xf32, #tpu.memory_space<vmem_shared>> -> memref<10240xf32, #tpu.memory_space<vmem_shared>>
          tpu.wait_indirect_dma semaphore(%run_scoped3A : memref<!tpu.dma_semaphore, #tpu.memory_space<semaphore_mem>>) src(%dma_wait3A_1143 : memref<32xf32, #tpu.memory_space<vmem>>) dst(%dma_wait3A_1148 : memref<10240xf32, #tpu.memory_space<vmem_shared>>)
          tpu.yield
        }) : () -> ()
      } else {
      }
      %eq3A_1122 = arith.constant 1 : i32
      %eq3A_1123 = arith.cmpi eq, %arg0, %eq3A_1122 : i32
      %convert_element_type3A_1124 = arith.extui %eq3A_1123 : i1 to i32
      %cond3A_1125 = arith.constant 0 : i32
      %cond3A_1126 = arith.cmpi ne, %convert_element_type3A_1124, %cond3A_1125 : i32
      scf.if %cond3A_1126 {
        "tpu.region"() ({
          %run_scoped3A = tpu.sem_alloc : memref<!tpu.dma_semaphore, #tpu.memory_space<semaphore_mem>>
          %dma_start3A_1135 = arith.constant 0 : i32
          %dma_start3A_1136 = tpu.memref_slice %arg13[%dma_start3A_1135] : memref<64xf32, #tpu.memory_space<vmem>> -> memref<32xf32, #tpu.memory_space<vmem>>
          %dma_start3A_1137 = arith.constant 32 : i32
          %dma_start3A_1138 = tpu.memref_slice %arg8[%add3A_1116, %dma_start3A_1137] : memref<40x64xi32, #tpu.memory_space<vmem>> -> memref<1x32xi32, #tpu.memory_space<vmem>>
          %dma_start3A_1139 = tpu.memref_squeeze %dma_start3A_1138 : memref<1x32xi32, #tpu.memory_space<vmem>> -> memref<32xi32, #tpu.memory_space<vmem>>
          %dma_start3A_1140 = arith.constant 0 : i32
          %dma_start3A_1141 = tpu.memref_slice %arg15[%dma_start3A_1140] : memref<10240xf32, #tpu.memory_space<vmem_shared>> -> memref<10240xf32, #tpu.memory_space<vmem_shared>>
          tpu.enqueue_indirect_dma source(%dma_start3A_1136 : memref<32xf32, #tpu.memory_space<vmem>>) target(%dma_start3A_1141 : memref<10240xf32, #tpu.memory_space<vmem_shared>>) offsets(%dma_start3A_1139 : memref<32xi32, #tpu.memory_space<vmem>>) semaphore(%run_scoped3A : memref<!tpu.dma_semaphore, #tpu.memory_space<semaphore_mem>>) {add = true}
          %dma_wait3A_1142 = arith.constant 0 : i32
          %dma_wait3A_1143 = tpu.memref_slice %arg13[%dma_wait3A_1142] : memref<64xf32, #tpu.memory_space<vmem>> -> memref<32xf32, #tpu.memory_space<vmem>>
          %dma_wait3A_1144 = arith.constant 32 : i32
          %dma_wait3A_1145 = tpu.memref_slice %arg8[%add3A_1116, %dma_wait3A_1144] : memref<40x64xi32, #tpu.memory_space<vmem>> -> memref<1x32xi32, #tpu.memory_space<vmem>>
          %dma_wait3A_1146 = tpu.memref_squeeze %dma_wait3A_1145 : memref<1x32xi32, #tpu.memory_space<vmem>> -> memref<32xi32, #tpu.memory_space<vmem>>
          %dma_wait3A_1147 = arith.constant 0 : i32
          %dma_wait3A_1148 = tpu.memref_slice %arg15[%dma_wait3A_1147] : memref<10240xf32, #tpu.memory_space<vmem_shared>> -> memref<10240xf32, #tpu.memory_space<vmem_shared>>
          tpu.wait_indirect_dma semaphore(%run_scoped3A : memref<!tpu.dma_semaphore, #tpu.memory_space<semaphore_mem>>) src(%dma_wait3A_1143 : memref<32xf32, #tpu.memory_space<vmem>>) dst(%dma_wait3A_1148 : memref<10240xf32, #tpu.memory_space<vmem_shared>>)
          tpu.yield
        }) : () -> ()
      } else {
      }
      %add3A_1127 = arith.constant 3 : i32
      %add3A_1128 = arith.addi %mul3A_1088, %add3A_1127 : i32
      %lt3A_1129 = arith.constant 40 : i32
      %lt3A_1130 = arith.cmpi slt, %add3A_1128, %lt3A_1129 : i32
      %convert_element_type3A_1131 = arith.extui %lt3A_1130 : i1 to i32
      %cond3A_1132 = arith.constant 0 : i32
      %cond3A_1133 = arith.cmpi ne, %convert_element_type3A_1131, %cond3A_1132 : i32
      scf.if %cond3A_1133 {
        %add3A_1135 = arith.constant 3 : i32
        %add3A_1136 = arith.addi %mul3A_1088, %add3A_1135 : i32
        %dma_start3A_1137 = arith.constant 0 : i32
        %dma_start3A_1138 = tpu.memref_slice %arg7[%add3A_1136, %dma_start3A_1137] : memref<40x64xi32, #tpu.memory_space<vmem>> -> memref<1x64xi32, #tpu.memory_space<vmem>>
        %dma_start3A_1139 = tpu.memref_squeeze %dma_start3A_1138 : memref<1x64xi32, #tpu.memory_space<vmem>> -> memref<64xi32, #tpu.memory_space<vmem>>
        %dma_start3A_1140 = arith.constant 0 : i32
        %dma_start3A_1141 = arith.constant 0 : i32
        %dma_start3A_1142 = tpu.memref_slice %arg2[%dma_start3A_1140, %dma_start3A_1141] : memref<20000x128xf32, #tpu.memory_space<hbm>> -> memref<20000x128xf32, #tpu.memory_space<hbm>>
        tpu.enqueue_indirect_dma source(%dma_start3A_1142 : memref<20000x128xf32, #tpu.memory_space<hbm>>) target(%arg10 : memref<64x128xf32, #tpu.memory_space<vmem>>) offsets(%dma_start3A_1139 : memref<64xi32, #tpu.memory_space<vmem>>) semaphore(%arg17 : memref<!tpu.dma_semaphore, #tpu.memory_space<semaphore_mem>>)
      } else {
      }
      %scan3A_1134 = arith.constant 0 : i32
      scf.yield %scan3A_1134 : i32
    }
    %scan3A_1040 = arith.constant 20 : i32
    %mul3A_1041 = arith.constant 4 : i32
    %mul3A_1042 = arith.muli %add3A, %mul3A_1041 : i32
    %add3A_1043 = arith.constant 3 : i32
    %add3A_1044 = arith.addi %mul3A_1042, %add3A_1043 : i32
    "tpu.region"() ({
      %run_scoped3A = tpu.sem_alloc : memref<!tpu.dma_semaphore, #tpu.memory_space<semaphore_mem>>
      %dma_start3A_1085 = arith.constant 0 : i32
      %dma_start3A_1086 = arith.constant 0 : i32
      %dma_start3A_1087 = tpu.memref_slice %arg3[%add3A_1044, %dma_start3A_1085, %dma_start3A_1086] : memref<128x40x64xi32, #tpu.memory_space<hbm>> -> memref<1x40x64xi32, #tpu.memory_space<hbm>>
      %dma_start3A_1088 = tpu.memref_squeeze %dma_start3A_1087 : memref<1x40x64xi32, #tpu.memory_space<hbm>> -> memref<40x64xi32, #tpu.memory_space<hbm>>
      %dma_start3A_1089 = arith.constant 0 : i32
      %dma_start3A_1090 = arith.constant 0 : i32
      %dma_start3A_1091 = tpu.memref_slice %arg3[%add3A_1044, %dma_start3A_1089, %dma_start3A_1090] : memref<128x40x64xi32, #tpu.memory_space<hbm>> -> memref<1x40x64xi32, #tpu.memory_space<hbm>>
      %dma_start3A_1092 = tpu.memref_squeeze %dma_start3A_1091 : memref<1x40x64xi32, #tpu.memory_space<hbm>> -> memref<40x64xi32, #tpu.memory_space<hbm>>
      tpu.enqueue_dma source(%dma_start3A_1092 : memref<40x64xi32, #tpu.memory_space<hbm>>) target(%arg7 : memref<40x64xi32, #tpu.memory_space<vmem>>) target_semaphore(%run_scoped3A : memref<!tpu.dma_semaphore, #tpu.memory_space<semaphore_mem>>)
      %dma_wait3A = arith.constant 0 : i32
      %dma_wait3A_1093 = arith.constant 0 : i32
      %dma_wait3A_1094 = tpu.memref_slice %arg3[%add3A_1044, %dma_wait3A, %dma_wait3A_1093] : memref<128x40x64xi32, #tpu.memory_space<hbm>> -> memref<1x40x64xi32, #tpu.memory_space<hbm>>
      %dma_wait3A_1095 = tpu.memref_squeeze %dma_wait3A_1094 : memref<1x40x64xi32, #tpu.memory_space<hbm>> -> memref<40x64xi32, #tpu.memory_space<hbm>>
      %dma_wait3A_1096 = arith.constant 0 : i32
      %dma_wait3A_1097 = arith.constant 0 : i32
      %dma_wait3A_1098 = tpu.memref_slice %arg3[%add3A_1044, %dma_wait3A_1096, %dma_wait3A_1097] : memref<128x40x64xi32, #tpu.memory_space<hbm>> -> memref<1x40x64xi32, #tpu.memory_space<hbm>>
      %dma_wait3A_1099 = tpu.memref_squeeze %dma_wait3A_1098 : memref<1x40x64xi32, #tpu.memory_space<hbm>> -> memref<40x64xi32, #tpu.memory_space<hbm>>
      tpu.wait_dma2 semaphore(%run_scoped3A : memref<!tpu.dma_semaphore, #tpu.memory_space<semaphore_mem>>) src(%dma_wait3A_1099 : memref<40x64xi32, #tpu.memory_space<hbm>>) dst(%arg7 : memref<40x64xi32, #tpu.memory_space<vmem>>)
      tpu.yield
    }) : () -> ()
    %mul3A_1045 = arith.constant 4 : i32
    %mul3A_1046 = arith.muli %arg1, %mul3A_1045 : i32
    %add3A_1047 = arith.constant 3 : i32
    %add3A_1048 = arith.addi %mul3A_1046, %add3A_1047 : i32
    "tpu.region"() ({
      %run_scoped3A = tpu.sem_alloc : memref<!tpu.dma_semaphore, #tpu.memory_space<semaphore_mem>>
      %dma_start3A_1085 = arith.constant 0 : i32
      %dma_start3A_1086 = arith.constant 0 : i32
      %dma_start3A_1087 = tpu.memref_slice %arg4[%add3A_1048, %dma_start3A_1085, %dma_start3A_1086] : memref<64x40x64xi32, #tpu.memory_space<hbm>> -> memref<1x40x64xi32, #tpu.memory_space<hbm>>
      %dma_start3A_1088 = tpu.memref_squeeze %dma_start3A_1087 : memref<1x40x64xi32, #tpu.memory_space<hbm>> -> memref<40x64xi32, #tpu.memory_space<hbm>>
      %dma_start3A_1089 = arith.constant 0 : i32
      %dma_start3A_1090 = arith.constant 0 : i32
      %dma_start3A_1091 = tpu.memref_slice %arg4[%add3A_1048, %dma_start3A_1089, %dma_start3A_1090] : memref<64x40x64xi32, #tpu.memory_space<hbm>> -> memref<1x40x64xi32, #tpu.memory_space<hbm>>
      %dma_start3A_1092 = tpu.memref_squeeze %dma_start3A_1091 : memref<1x40x64xi32, #tpu.memory_space<hbm>> -> memref<40x64xi32, #tpu.memory_space<hbm>>
      tpu.enqueue_dma source(%dma_start3A_1092 : memref<40x64xi32, #tpu.memory_space<hbm>>) target(%arg8 : memref<40x64xi32, #tpu.memory_space<vmem>>) target_semaphore(%run_scoped3A : memref<!tpu.dma_semaphore, #tpu.memory_space<semaphore_mem>>)
      %dma_wait3A = arith.constant 0 : i32
      %dma_wait3A_1093 = arith.constant 0 : i32
      %dma_wait3A_1094 = tpu.memref_slice %arg4[%add3A_1048, %dma_wait3A, %dma_wait3A_1093] : memref<64x40x64xi32, #tpu.memory_space<hbm>> -> memref<1x40x64xi32, #tpu.memory_space<hbm>>
      %dma_wait3A_1095 = tpu.memref_squeeze %dma_wait3A_1094 : memref<1x40x64xi32, #tpu.memory_space<hbm>> -> memref<40x64xi32, #tpu.memory_space<hbm>>
      %dma_wait3A_1096 = arith.constant 0 : i32
      %dma_wait3A_1097 = arith.constant 0 : i32
      %dma_wait3A_1098 = tpu.memref_slice %arg4[%add3A_1048, %dma_wait3A_1096, %dma_wait3A_1097] : memref<64x40x64xi32, #tpu.memory_space<hbm>> -> memref<1x40x64xi32, #tpu.memory_space<hbm>>
      %dma_wait3A_1099 = tpu.memref_squeeze %dma_wait3A_1098 : memref<1x40x64xi32, #tpu.memory_space<hbm>> -> memref<40x64xi32, #tpu.memory_space<hbm>>
      tpu.wait_dma2 semaphore(%run_scoped3A : memref<!tpu.dma_semaphore, #tpu.memory_space<semaphore_mem>>) src(%dma_wait3A_1099 : memref<40x64xi32, #tpu.memory_space<hbm>>) dst(%arg8 : memref<40x64xi32, #tpu.memory_space<vmem>>)
      tpu.yield
    }) : () -> ()
    %dma_start3A_1049 = arith.constant 0 : i32
    %dma_start3A_1050 = arith.constant 0 : i32
    %dma_start3A_1051 = tpu.memref_slice %arg7[%dma_start3A_1049, %dma_start3A_1050] : memref<40x64xi32, #tpu.memory_space<vmem>> -> memref<1x64xi32, #tpu.memory_space<vmem>>
    %dma_start3A_1052 = tpu.memref_squeeze %dma_start3A_1051 : memref<1x64xi32, #tpu.memory_space<vmem>> -> memref<64xi32, #tpu.memory_space<vmem>>
    %dma_start3A_1053 = arith.constant 0 : i32
    %dma_start3A_1054 = arith.constant 0 : i32
    %dma_start3A_1055 = tpu.memref_slice %arg2[%dma_start3A_1053, %dma_start3A_1054] : memref<20000x128xf32, #tpu.memory_space<hbm>> -> memref<20000x128xf32, #tpu.memory_space<hbm>>
    tpu.enqueue_indirect_dma source(%dma_start3A_1055 : memref<20000x128xf32, #tpu.memory_space<hbm>>) target(%arg9 : memref<64x128xf32, #tpu.memory_space<vmem>>) offsets(%dma_start3A_1052 : memref<64xi32, #tpu.memory_space<vmem>>) semaphore(%arg16 : memref<!tpu.dma_semaphore, #tpu.memory_space<semaphore_mem>>)
    %dma_start3A_1056 = arith.constant 1 : i32
    %dma_start3A_1057 = arith.constant 0 : i32
    %dma_start3A_1058 = tpu.memref_slice %arg7[%dma_start3A_1056, %dma_start3A_1057] : memref<40x64xi32, #tpu.memory_space<vmem>> -> memref<1x64xi32, #tpu.memory_space<vmem>>
    %dma_start3A_1059 = tpu.memref_squeeze %dma_start3A_1058 : memref<1x64xi32, #tpu.memory_space<vmem>> -> memref<64xi32, #tpu.memory_space<vmem>>
    %dma_start3A_1060 = arith.constant 0 : i32
    %dma_start3A_1061 = arith.constant 0 : i32
    %dma_start3A_1062 = tpu.memref_slice %arg2[%dma_start3A_1060, %dma_start3A_1061] : memref<20000x128xf32, #tpu.memory_space<hbm>> -> memref<20000x128xf32, #tpu.memory_space<hbm>>
    tpu.enqueue_indirect_dma source(%dma_start3A_1062 : memref<20000x128xf32, #tpu.memory_space<hbm>>) target(%arg10 : memref<64x128xf32, #tpu.memory_space<vmem>>) offsets(%dma_start3A_1059 : memref<64xi32, #tpu.memory_space<vmem>>) semaphore(%arg17 : memref<!tpu.dma_semaphore, #tpu.memory_space<semaphore_mem>>)
    %scan3A_1063 = arith.constant 0 : i32
    %scan3A_1064 = arith.constant 0 : i32
    %scan3A_1065 = arith.constant 20 : i32
    %scan3A_1066 = arith.addi %scan3A_1064, %scan3A_1065 : i32
    %scan3A_1067 = arith.constant 1 : i32
    %scan3A_1068 = scf.for %scan3A_1085 = %scan3A_1064 to %scan3A_1066 step %scan3A_1067 iter_args(%scan3A_1086 = %scan3A_1063) -> (i32)  : i32 {
      %mul3A_1087 = arith.constant 2 : i32
      %mul3A_1088 = arith.muli %scan3A_1085, %mul3A_1087 : i32
      %dma_wait3A = arith.constant 0 : i32
      %dma_wait3A_1089 = arith.constant 0 : i32
      %dma_wait3A_1090 = tpu.memref_slice %arg7[%dma_wait3A, %dma_wait3A_1089] : memref<40x64xi32, #tpu.memory_space<vmem>> -> memref<1x64xi32, #tpu.memory_space<vmem>>
      %dma_wait3A_1091 = tpu.memref_squeeze %dma_wait3A_1090 : memref<1x64xi32, #tpu.memory_space<vmem>> -> memref<64xi32, #tpu.memory_space<vmem>>
      %dma_wait3A_1092 = arith.constant 0 : i32
      %dma_wait3A_1093 = arith.constant 0 : i32
      %dma_wait3A_1094 = tpu.memref_slice %arg2[%dma_wait3A_1092, %dma_wait3A_1093] : memref<20000x128xf32, #tpu.memory_space<hbm>> -> memref<20000x128xf32, #tpu.memory_space<hbm>>
      tpu.wait_indirect_dma semaphore(%arg16 : memref<!tpu.dma_semaphore, #tpu.memory_space<semaphore_mem>>) src(%dma_wait3A_1094 : memref<20000x128xf32, #tpu.memory_space<hbm>>) dst(%arg9 : memref<64x128xf32, #tpu.memory_space<vmem>>)
      "tpu.region"() ({
        %run_scoped3A = tpu.sem_alloc : memref<!tpu.dma_semaphore, #tpu.memory_space<semaphore_mem>>
        %dma_start3A_1135 = arith.constant 0 : i32
        %dma_start3A_1136 = tpu.memref_slice %arg8[%mul3A_1088, %dma_start3A_1135] : memref<40x64xi32, #tpu.memory_space<vmem>> -> memref<1x64xi32, #tpu.memory_space<vmem>>
        %dma_start3A_1137 = tpu.memref_squeeze %dma_start3A_1136 : memref<1x64xi32, #tpu.memory_space<vmem>> -> memref<64xi32, #tpu.memory_space<vmem>>
        %dma_start3A_1138 = arith.constant 0 : i32
        %dma_start3A_1139 = arith.constant 0 : i32
        %dma_start3A_1140 = tpu.memref_slice %arg14[%dma_start3A_1138, %dma_start3A_1139] : memref<10240x128xf32, #tpu.memory_space<vmem_shared>> -> memref<10240x128xf32, #tpu.memory_space<vmem_shared>>
        tpu.enqueue_indirect_dma source(%arg9 : memref<64x128xf32, #tpu.memory_space<vmem>>) target(%dma_start3A_1140 : memref<10240x128xf32, #tpu.memory_space<vmem_shared>>) offsets(%dma_start3A_1137 : memref<64xi32, #tpu.memory_space<vmem>>) semaphore(%run_scoped3A : memref<!tpu.dma_semaphore, #tpu.memory_space<semaphore_mem>>) {add = true}
        %dma_wait3A_1141 = arith.constant 0 : i32
        %dma_wait3A_1142 = tpu.memref_slice %arg8[%mul3A_1088, %dma_wait3A_1141] : memref<40x64xi32, #tpu.memory_space<vmem>> -> memref<1x64xi32, #tpu.memory_space<vmem>>
        %dma_wait3A_1143 = tpu.memref_squeeze %dma_wait3A_1142 : memref<1x64xi32, #tpu.memory_space<vmem>> -> memref<64xi32, #tpu.memory_space<vmem>>
        %dma_wait3A_1144 = arith.constant 0 : i32
        %dma_wait3A_1145 = arith.constant 0 : i32
        %dma_wait3A_1146 = tpu.memref_slice %arg14[%dma_wait3A_1144, %dma_wait3A_1145] : memref<10240x128xf32, #tpu.memory_space<vmem_shared>> -> memref<10240x128xf32, #tpu.memory_space<vmem_shared>>
        tpu.wait_indirect_dma semaphore(%run_scoped3A : memref<!tpu.dma_semaphore, #tpu.memory_space<semaphore_mem>>) src(%arg9 : memref<64x128xf32, #tpu.memory_space<vmem>>) dst(%dma_wait3A_1146 : memref<10240x128xf32, #tpu.memory_space<vmem_shared>>)
        tpu.yield
      }) : () -> ()
      %eq3A = arith.constant 0 : i32
      %eq3A_1095 = arith.cmpi eq, %arg0, %eq3A : i32
      %convert_element_type3A = arith.extui %eq3A_1095 : i1 to i32
      %cond3A = arith.constant 0 : i32
      %cond3A_1096 = arith.cmpi ne, %convert_element_type3A, %cond3A : i32
      scf.if %cond3A_1096 {
        "tpu.region"() ({
          %run_scoped3A = tpu.sem_alloc : memref<!tpu.dma_semaphore, #tpu.memory_space<semaphore_mem>>
          %dma_start3A_1135 = arith.constant 0 : i32
          %dma_start3A_1136 = tpu.memref_slice %arg13[%dma_start3A_1135] : memref<64xf32, #tpu.memory_space<vmem>> -> memref<32xf32, #tpu.memory_space<vmem>>
          %dma_start3A_1137 = arith.constant 0 : i32
          %dma_start3A_1138 = tpu.memref_slice %arg8[%mul3A_1088, %dma_start3A_1137] : memref<40x64xi32, #tpu.memory_space<vmem>> -> memref<1x32xi32, #tpu.memory_space<vmem>>
          %dma_start3A_1139 = tpu.memref_squeeze %dma_start3A_1138 : memref<1x32xi32, #tpu.memory_space<vmem>> -> memref<32xi32, #tpu.memory_space<vmem>>
          %dma_start3A_1140 = arith.constant 0 : i32
          %dma_start3A_1141 = tpu.memref_slice %arg15[%dma_start3A_1140] : memref<10240xf32, #tpu.memory_space<vmem_shared>> -> memref<10240xf32, #tpu.memory_space<vmem_shared>>
          tpu.enqueue_indirect_dma source(%dma_start3A_1136 : memref<32xf32, #tpu.memory_space<vmem>>) target(%dma_start3A_1141 : memref<10240xf32, #tpu.memory_space<vmem_shared>>) offsets(%dma_start3A_1139 : memref<32xi32, #tpu.memory_space<vmem>>) semaphore(%run_scoped3A : memref<!tpu.dma_semaphore, #tpu.memory_space<semaphore_mem>>) {add = true}
          %dma_wait3A_1142 = arith.constant 0 : i32
          %dma_wait3A_1143 = tpu.memref_slice %arg13[%dma_wait3A_1142] : memref<64xf32, #tpu.memory_space<vmem>> -> memref<32xf32, #tpu.memory_space<vmem>>
          %dma_wait3A_1144 = arith.constant 0 : i32
          %dma_wait3A_1145 = tpu.memref_slice %arg8[%mul3A_1088, %dma_wait3A_1144] : memref<40x64xi32, #tpu.memory_space<vmem>> -> memref<1x32xi32, #tpu.memory_space<vmem>>
          %dma_wait3A_1146 = tpu.memref_squeeze %dma_wait3A_1145 : memref<1x32xi32, #tpu.memory_space<vmem>> -> memref<32xi32, #tpu.memory_space<vmem>>
          %dma_wait3A_1147 = arith.constant 0 : i32
          %dma_wait3A_1148 = tpu.memref_slice %arg15[%dma_wait3A_1147] : memref<10240xf32, #tpu.memory_space<vmem_shared>> -> memref<10240xf32, #tpu.memory_space<vmem_shared>>
          tpu.wait_indirect_dma semaphore(%run_scoped3A : memref<!tpu.dma_semaphore, #tpu.memory_space<semaphore_mem>>) src(%dma_wait3A_1143 : memref<32xf32, #tpu.memory_space<vmem>>) dst(%dma_wait3A_1148 : memref<10240xf32, #tpu.memory_space<vmem_shared>>)
          tpu.yield
        }) : () -> ()
      } else {
      }
      %eq3A_1097 = arith.constant 1 : i32
      %eq3A_1098 = arith.cmpi eq, %arg0, %eq3A_1097 : i32
      %convert_element_type3A_1099 = arith.extui %eq3A_1098 : i1 to i32
      %cond3A_1100 = arith.constant 0 : i32
      %cond3A_1101 = arith.cmpi ne, %convert_element_type3A_1099, %cond3A_1100 : i32
      scf.if %cond3A_1101 {
        "tpu.region"() ({
          %run_scoped3A = tpu.sem_alloc : memref<!tpu.dma_semaphore, #tpu.memory_space<semaphore_mem>>
          %dma_start3A_1135 = arith.constant 0 : i32
          %dma_start3A_1136 = tpu.memref_slice %arg13[%dma_start3A_1135] : memref<64xf32, #tpu.memory_space<vmem>> -> memref<32xf32, #tpu.memory_space<vmem>>
          %dma_start3A_1137 = arith.constant 32 : i32
          %dma_start3A_1138 = tpu.memref_slice %arg8[%mul3A_1088, %dma_start3A_1137] : memref<40x64xi32, #tpu.memory_space<vmem>> -> memref<1x32xi32, #tpu.memory_space<vmem>>
          %dma_start3A_1139 = tpu.memref_squeeze %dma_start3A_1138 : memref<1x32xi32, #tpu.memory_space<vmem>> -> memref<32xi32, #tpu.memory_space<vmem>>
          %dma_start3A_1140 = arith.constant 0 : i32
          %dma_start3A_1141 = tpu.memref_slice %arg15[%dma_start3A_1140] : memref<10240xf32, #tpu.memory_space<vmem_shared>> -> memref<10240xf32, #tpu.memory_space<vmem_shared>>
          tpu.enqueue_indirect_dma source(%dma_start3A_1136 : memref<32xf32, #tpu.memory_space<vmem>>) target(%dma_start3A_1141 : memref<10240xf32, #tpu.memory_space<vmem_shared>>) offsets(%dma_start3A_1139 : memref<32xi32, #tpu.memory_space<vmem>>) semaphore(%run_scoped3A : memref<!tpu.dma_semaphore, #tpu.memory_space<semaphore_mem>>) {add = true}
          %dma_wait3A_1142 = arith.constant 0 : i32
          %dma_wait3A_1143 = tpu.memref_slice %arg13[%dma_wait3A_1142] : memref<64xf32, #tpu.memory_space<vmem>> -> memref<32xf32, #tpu.memory_space<vmem>>
          %dma_wait3A_1144 = arith.constant 32 : i32
          %dma_wait3A_1145 = tpu.memref_slice %arg8[%mul3A_1088, %dma_wait3A_1144] : memref<40x64xi32, #tpu.memory_space<vmem>> -> memref<1x32xi32, #tpu.memory_space<vmem>>
          %dma_wait3A_1146 = tpu.memref_squeeze %dma_wait3A_1145 : memref<1x32xi32, #tpu.memory_space<vmem>> -> memref<32xi32, #tpu.memory_space<vmem>>
          %dma_wait3A_1147 = arith.constant 0 : i32
          %dma_wait3A_1148 = tpu.memref_slice %arg15[%dma_wait3A_1147] : memref<10240xf32, #tpu.memory_space<vmem_shared>> -> memref<10240xf32, #tpu.memory_space<vmem_shared>>
          tpu.wait_indirect_dma semaphore(%run_scoped3A : memref<!tpu.dma_semaphore, #tpu.memory_space<semaphore_mem>>) src(%dma_wait3A_1143 : memref<32xf32, #tpu.memory_space<vmem>>) dst(%dma_wait3A_1148 : memref<10240xf32, #tpu.memory_space<vmem_shared>>)
          tpu.yield
        }) : () -> ()
      } else {
      }
      %add3A_1102 = arith.constant 2 : i32
      %add3A_1103 = arith.addi %mul3A_1088, %add3A_1102 : i32
      %lt3A = arith.constant 40 : i32
      %lt3A_1104 = arith.cmpi slt, %add3A_1103, %lt3A : i32
      %convert_element_type3A_1105 = arith.extui %lt3A_1104 : i1 to i32
      %cond3A_1106 = arith.constant 0 : i32
      %cond3A_1107 = arith.cmpi ne, %convert_element_type3A_1105, %cond3A_1106 : i32
      scf.if %cond3A_1107 {
        %add3A_1135 = arith.constant 2 : i32
        %add3A_1136 = arith.addi %mul3A_1088, %add3A_1135 : i32
        %dma_start3A_1137 = arith.constant 0 : i32
        %dma_start3A_1138 = tpu.memref_slice %arg7[%add3A_1136, %dma_start3A_1137] : memref<40x64xi32, #tpu.memory_space<vmem>> -> memref<1x64xi32, #tpu.memory_space<vmem>>
        %dma_start3A_1139 = tpu.memref_squeeze %dma_start3A_1138 : memref<1x64xi32, #tpu.memory_space<vmem>> -> memref<64xi32, #tpu.memory_space<vmem>>
        %dma_start3A_1140 = arith.constant 0 : i32
        %dma_start3A_1141 = arith.constant 0 : i32
        %dma_start3A_1142 = tpu.memref_slice %arg2[%dma_start3A_1140, %dma_start3A_1141] : memref<20000x128xf32, #tpu.memory_space<hbm>> -> memref<20000x128xf32, #tpu.memory_space<hbm>>
        tpu.enqueue_indirect_dma source(%dma_start3A_1142 : memref<20000x128xf32, #tpu.memory_space<hbm>>) target(%arg9 : memref<64x128xf32, #tpu.memory_space<vmem>>) offsets(%dma_start3A_1139 : memref<64xi32, #tpu.memory_space<vmem>>) semaphore(%arg16 : memref<!tpu.dma_semaphore, #tpu.memory_space<semaphore_mem>>)
      } else {
      }
      %dma_wait3A_1108 = arith.constant 0 : i32
      %dma_wait3A_1109 = arith.constant 0 : i32
      %dma_wait3A_1110 = tpu.memref_slice %arg7[%dma_wait3A_1108, %dma_wait3A_1109] : memref<40x64xi32, #tpu.memory_space<vmem>> -> memref<1x64xi32, #tpu.memory_space<vmem>>
      %dma_wait3A_1111 = tpu.memref_squeeze %dma_wait3A_1110 : memref<1x64xi32, #tpu.memory_space<vmem>> -> memref<64xi32, #tpu.memory_space<vmem>>
      %dma_wait3A_1112 = arith.constant 0 : i32
      %dma_wait3A_1113 = arith.constant 0 : i32
      %dma_wait3A_1114 = tpu.memref_slice %arg2[%dma_wait3A_1112, %dma_wait3A_1113] : memref<20000x128xf32, #tpu.memory_space<hbm>> -> memref<20000x128xf32, #tpu.memory_space<hbm>>
      tpu.wait_indirect_dma semaphore(%arg17 : memref<!tpu.dma_semaphore, #tpu.memory_space<semaphore_mem>>) src(%dma_wait3A_1114 : memref<20000x128xf32, #tpu.memory_space<hbm>>) dst(%arg10 : memref<64x128xf32, #tpu.memory_space<vmem>>)
      %add3A_1115 = arith.constant 1 : i32
      %add3A_1116 = arith.addi %mul3A_1088, %add3A_1115 : i32
      "tpu.region"() ({
        %run_scoped3A = tpu.sem_alloc : memref<!tpu.dma_semaphore, #tpu.memory_space<semaphore_mem>>
        %dma_start3A_1135 = arith.constant 0 : i32
        %dma_start3A_1136 = tpu.memref_slice %arg8[%add3A_1116, %dma_start3A_1135] : memref<40x64xi32, #tpu.memory_space<vmem>> -> memref<1x64xi32, #tpu.memory_space<vmem>>
        %dma_start3A_1137 = tpu.memref_squeeze %dma_start3A_1136 : memref<1x64xi32, #tpu.memory_space<vmem>> -> memref<64xi32, #tpu.memory_space<vmem>>
        %dma_start3A_1138 = arith.constant 0 : i32
        %dma_start3A_1139 = arith.constant 0 : i32
        %dma_start3A_1140 = tpu.memref_slice %arg14[%dma_start3A_1138, %dma_start3A_1139] : memref<10240x128xf32, #tpu.memory_space<vmem_shared>> -> memref<10240x128xf32, #tpu.memory_space<vmem_shared>>
        tpu.enqueue_indirect_dma source(%arg10 : memref<64x128xf32, #tpu.memory_space<vmem>>) target(%dma_start3A_1140 : memref<10240x128xf32, #tpu.memory_space<vmem_shared>>) offsets(%dma_start3A_1137 : memref<64xi32, #tpu.memory_space<vmem>>) semaphore(%run_scoped3A : memref<!tpu.dma_semaphore, #tpu.memory_space<semaphore_mem>>) {add = true}
        %dma_wait3A_1141 = arith.constant 0 : i32
        %dma_wait3A_1142 = tpu.memref_slice %arg8[%add3A_1116, %dma_wait3A_1141] : memref<40x64xi32, #tpu.memory_space<vmem>> -> memref<1x64xi32, #tpu.memory_space<vmem>>
        %dma_wait3A_1143 = tpu.memref_squeeze %dma_wait3A_1142 : memref<1x64xi32, #tpu.memory_space<vmem>> -> memref<64xi32, #tpu.memory_space<vmem>>
        %dma_wait3A_1144 = arith.constant 0 : i32
        %dma_wait3A_1145 = arith.constant 0 : i32
        %dma_wait3A_1146 = tpu.memref_slice %arg14[%dma_wait3A_1144, %dma_wait3A_1145] : memref<10240x128xf32, #tpu.memory_space<vmem_shared>> -> memref<10240x128xf32, #tpu.memory_space<vmem_shared>>
        tpu.wait_indirect_dma semaphore(%run_scoped3A : memref<!tpu.dma_semaphore, #tpu.memory_space<semaphore_mem>>) src(%arg10 : memref<64x128xf32, #tpu.memory_space<vmem>>) dst(%dma_wait3A_1146 : memref<10240x128xf32, #tpu.memory_space<vmem_shared>>)
        tpu.yield
      }) : () -> ()
      %eq3A_1117 = arith.constant 0 : i32
      %eq3A_1118 = arith.cmpi eq, %arg0, %eq3A_1117 : i32
      %convert_element_type3A_1119 = arith.extui %eq3A_1118 : i1 to i32
      %cond3A_1120 = arith.constant 0 : i32
      %cond3A_1121 = arith.cmpi ne, %convert_element_type3A_1119, %cond3A_1120 : i32
      scf.if %cond3A_1121 {
        "tpu.region"() ({
          %run_scoped3A = tpu.sem_alloc : memref<!tpu.dma_semaphore, #tpu.memory_space<semaphore_mem>>
          %dma_start3A_1135 = arith.constant 0 : i32
          %dma_start3A_1136 = tpu.memref_slice %arg13[%dma_start3A_1135] : memref<64xf32, #tpu.memory_space<vmem>> -> memref<32xf32, #tpu.memory_space<vmem>>
          %dma_start3A_1137 = arith.constant 0 : i32
          %dma_start3A_1138 = tpu.memref_slice %arg8[%add3A_1116, %dma_start3A_1137] : memref<40x64xi32, #tpu.memory_space<vmem>> -> memref<1x32xi32, #tpu.memory_space<vmem>>
          %dma_start3A_1139 = tpu.memref_squeeze %dma_start3A_1138 : memref<1x32xi32, #tpu.memory_space<vmem>> -> memref<32xi32, #tpu.memory_space<vmem>>
          %dma_start3A_1140 = arith.constant 0 : i32
          %dma_start3A_1141 = tpu.memref_slice %arg15[%dma_start3A_1140] : memref<10240xf32, #tpu.memory_space<vmem_shared>> -> memref<10240xf32, #tpu.memory_space<vmem_shared>>
          tpu.enqueue_indirect_dma source(%dma_start3A_1136 : memref<32xf32, #tpu.memory_space<vmem>>) target(%dma_start3A_1141 : memref<10240xf32, #tpu.memory_space<vmem_shared>>) offsets(%dma_start3A_1139 : memref<32xi32, #tpu.memory_space<vmem>>) semaphore(%run_scoped3A : memref<!tpu.dma_semaphore, #tpu.memory_space<semaphore_mem>>) {add = true}
          %dma_wait3A_1142 = arith.constant 0 : i32
          %dma_wait3A_1143 = tpu.memref_slice %arg13[%dma_wait3A_1142] : memref<64xf32, #tpu.memory_space<vmem>> -> memref<32xf32, #tpu.memory_space<vmem>>
          %dma_wait3A_1144 = arith.constant 0 : i32
          %dma_wait3A_1145 = tpu.memref_slice %arg8[%add3A_1116, %dma_wait3A_1144] : memref<40x64xi32, #tpu.memory_space<vmem>> -> memref<1x32xi32, #tpu.memory_space<vmem>>
          %dma_wait3A_1146 = tpu.memref_squeeze %dma_wait3A_1145 : memref<1x32xi32, #tpu.memory_space<vmem>> -> memref<32xi32, #tpu.memory_space<vmem>>
          %dma_wait3A_1147 = arith.constant 0 : i32
          %dma_wait3A_1148 = tpu.memref_slice %arg15[%dma_wait3A_1147] : memref<10240xf32, #tpu.memory_space<vmem_shared>> -> memref<10240xf32, #tpu.memory_space<vmem_shared>>
          tpu.wait_indirect_dma semaphore(%run_scoped3A : memref<!tpu.dma_semaphore, #tpu.memory_space<semaphore_mem>>) src(%dma_wait3A_1143 : memref<32xf32, #tpu.memory_space<vmem>>) dst(%dma_wait3A_1148 : memref<10240xf32, #tpu.memory_space<vmem_shared>>)
          tpu.yield
        }) : () -> ()
      } else {
      }
      %eq3A_1122 = arith.constant 1 : i32
      %eq3A_1123 = arith.cmpi eq, %arg0, %eq3A_1122 : i32
      %convert_element_type3A_1124 = arith.extui %eq3A_1123 : i1 to i32
      %cond3A_1125 = arith.constant 0 : i32
      %cond3A_1126 = arith.cmpi ne, %convert_element_type3A_1124, %cond3A_1125 : i32
      scf.if %cond3A_1126 {
        "tpu.region"() ({
          %run_scoped3A = tpu.sem_alloc : memref<!tpu.dma_semaphore, #tpu.memory_space<semaphore_mem>>
          %dma_start3A_1135 = arith.constant 0 : i32
          %dma_start3A_1136 = tpu.memref_slice %arg13[%dma_start3A_1135] : memref<64xf32, #tpu.memory_space<vmem>> -> memref<32xf32, #tpu.memory_space<vmem>>
          %dma_start3A_1137 = arith.constant 32 : i32
          %dma_start3A_1138 = tpu.memref_slice %arg8[%add3A_1116, %dma_start3A_1137] : memref<40x64xi32, #tpu.memory_space<vmem>> -> memref<1x32xi32, #tpu.memory_space<vmem>>
          %dma_start3A_1139 = tpu.memref_squeeze %dma_start3A_1138 : memref<1x32xi32, #tpu.memory_space<vmem>> -> memref<32xi32, #tpu.memory_space<vmem>>
          %dma_start3A_1140 = arith.constant 0 : i32
          %dma_start3A_1141 = tpu.memref_slice %arg15[%dma_start3A_1140] : memref<10240xf32, #tpu.memory_space<vmem_shared>> -> memref<10240xf32, #tpu.memory_space<vmem_shared>>
          tpu.enqueue_indirect_dma source(%dma_start3A_1136 : memref<32xf32, #tpu.memory_space<vmem>>) target(%dma_start3A_1141 : memref<10240xf32, #tpu.memory_space<vmem_shared>>) offsets(%dma_start3A_1139 : memref<32xi32, #tpu.memory_space<vmem>>) semaphore(%run_scoped3A : memref<!tpu.dma_semaphore, #tpu.memory_space<semaphore_mem>>) {add = true}
          %dma_wait3A_1142 = arith.constant 0 : i32
          %dma_wait3A_1143 = tpu.memref_slice %arg13[%dma_wait3A_1142] : memref<64xf32, #tpu.memory_space<vmem>> -> memref<32xf32, #tpu.memory_space<vmem>>
          %dma_wait3A_1144 = arith.constant 32 : i32
          %dma_wait3A_1145 = tpu.memref_slice %arg8[%add3A_1116, %dma_wait3A_1144] : memref<40x64xi32, #tpu.memory_space<vmem>> -> memref<1x32xi32, #tpu.memory_space<vmem>>
          %dma_wait3A_1146 = tpu.memref_squeeze %dma_wait3A_1145 : memref<1x32xi32, #tpu.memory_space<vmem>> -> memref<32xi32, #tpu.memory_space<vmem>>
          %dma_wait3A_1147 = arith.constant 0 : i32
          %dma_wait3A_1148 = tpu.memref_slice %arg15[%dma_wait3A_1147] : memref<10240xf32, #tpu.memory_space<vmem_shared>> -> memref<10240xf32, #tpu.memory_space<vmem_shared>>
          tpu.wait_indirect_dma semaphore(%run_scoped3A : memref<!tpu.dma_semaphore, #tpu.memory_space<semaphore_mem>>) src(%dma_wait3A_1143 : memref<32xf32, #tpu.memory_space<vmem>>) dst(%dma_wait3A_1148 : memref<10240xf32, #tpu.memory_space<vmem_shared>>)
          tpu.yield
        }) : () -> ()
      } else {
      }
      %add3A_1127 = arith.constant 3 : i32
      %add3A_1128 = arith.addi %mul3A_1088, %add3A_1127 : i32
      %lt3A_1129 = arith.constant 40 : i32
      %lt3A_1130 = arith.cmpi slt, %add3A_1128, %lt3A_1129 : i32
      %convert_element_type3A_1131 = arith.extui %lt3A_1130 : i1 to i32
      %cond3A_1132 = arith.constant 0 : i32
      %cond3A_1133 = arith.cmpi ne, %convert_element_type3A_1131, %cond3A_1132 : i32
      scf.if %cond3A_1133 {
        %add3A_1135 = arith.constant 3 : i32
        %add3A_1136 = arith.addi %mul3A_1088, %add3A_1135 : i32
        %dma_start3A_1137 = arith.constant 0 : i32
        %dma_start3A_1138 = tpu.memref_slice %arg7[%add3A_1136, %dma_start3A_1137] : memref<40x64xi32, #tpu.memory_space<vmem>> -> memref<1x64xi32, #tpu.memory_space<vmem>>
        %dma_start3A_1139 = tpu.memref_squeeze %dma_start3A_1138 : memref<1x64xi32, #tpu.memory_space<vmem>> -> memref<64xi32, #tpu.memory_space<vmem>>
        %dma_start3A_1140 = arith.constant 0 : i32
        %dma_start3A_1141 = arith.constant 0 : i32
        %dma_start3A_1142 = tpu.memref_slice %arg2[%dma_start3A_1140, %dma_start3A_1141] : memref<20000x128xf32, #tpu.memory_space<hbm>> -> memref<20000x128xf32, #tpu.memory_space<hbm>>
        tpu.enqueue_indirect_dma source(%dma_start3A_1142 : memref<20000x128xf32, #tpu.memory_space<hbm>>) target(%arg10 : memref<64x128xf32, #tpu.memory_space<vmem>>) offsets(%dma_start3A_1139 : memref<64xi32, #tpu.memory_space<vmem>>) semaphore(%arg17 : memref<!tpu.dma_semaphore, #tpu.memory_space<semaphore_mem>>)
      } else {
      }
      %scan3A_1134 = arith.constant 0 : i32
      scf.yield %scan3A_1134 : i32
    }
    %scan3A_1069 = arith.constant 20 : i32
    %barrier3A_1070 = arith.constant 0 : index
    tpu.barrier barrier_id(%barrier3A_1070)
    %mul3A_1071 = arith.constant 640 : i32
    %mul3A_1072 = arith.muli %arg1, %mul3A_1071 : i32
    %mul3A_1073 = arith.constant 10240 : i32
    %mul3A_1074 = arith.muli %arg0, %mul3A_1073 : i32
    %mul3A_1075 = arith.constant 640 : i32
    %mul3A_1076 = arith.muli %arg1, %mul3A_1075 : i32
    %add3A_1077 = arith.addi %mul3A_1074, %mul3A_1076 : i32
    "tpu.region"() ({
      %run_scoped3A = tpu.sem_alloc : memref<!tpu.dma_semaphore, #tpu.memory_space<semaphore_mem>>
      %dma_start3A_1085 = arith.constant 0 : i32
      %dma_start3A_1086 = tpu.memref_slice %arg5[%add3A_1077, %dma_start3A_1085] : memref<20480x128xf32, #tpu.memory_space<hbm>> -> memref<640x128xf32, #tpu.memory_space<hbm>>
      %dma_start3A_1087 = arith.constant 0 : i32
      %dma_start3A_1088 = tpu.memref_slice %arg14[%mul3A_1072, %dma_start3A_1087] : memref<10240x128xf32, #tpu.memory_space<vmem_shared>> -> memref<640x128xf32, #tpu.memory_space<vmem_shared>>
      tpu.enqueue_dma source(%dma_start3A_1088 : memref<640x128xf32, #tpu.memory_space<vmem_shared>>) target(%dma_start3A_1086 : memref<640x128xf32, #tpu.memory_space<hbm>>) target_semaphore(%run_scoped3A : memref<!tpu.dma_semaphore, #tpu.memory_space<semaphore_mem>>)
      %dma_wait3A = arith.constant 0 : i32
      %dma_wait3A_1089 = tpu.memref_slice %arg5[%add3A_1077, %dma_wait3A] : memref<20480x128xf32, #tpu.memory_space<hbm>> -> memref<640x128xf32, #tpu.memory_space<hbm>>
      %dma_wait3A_1090 = arith.constant 0 : i32
      %dma_wait3A_1091 = tpu.memref_slice %arg14[%mul3A_1072, %dma_wait3A_1090] : memref<10240x128xf32, #tpu.memory_space<vmem_shared>> -> memref<640x128xf32, #tpu.memory_space<vmem_shared>>
      tpu.wait_dma2 semaphore(%run_scoped3A : memref<!tpu.dma_semaphore, #tpu.memory_space<semaphore_mem>>) src(%dma_wait3A_1091 : memref<640x128xf32, #tpu.memory_space<vmem_shared>>) dst(%dma_wait3A_1089 : memref<640x128xf32, #tpu.memory_space<hbm>>)
      tpu.yield
    }) : () -> ()
    %mul3A_1078 = arith.constant 640 : i32
    %mul3A_1079 = arith.muli %arg1, %mul3A_1078 : i32
    %mul3A_1080 = arith.constant 10240 : i32
    %mul3A_1081 = arith.muli %arg0, %mul3A_1080 : i32
    %mul3A_1082 = arith.constant 640 : i32
    %mul3A_1083 = arith.muli %arg1, %mul3A_1082 : i32
    %add3A_1084 = arith.addi %mul3A_1081, %mul3A_1083 : i32
    "tpu.region"() ({
      %run_scoped3A = tpu.sem_alloc : memref<!tpu.dma_semaphore, #tpu.memory_space<semaphore_mem>>
      %dma_start3A_1085 = tpu.memref_slice %arg6[%add3A_1084] : memref<20480xf32, #tpu.memory_space<hbm>> -> memref<640xf32, #tpu.memory_space<hbm>>
      %dma_start3A_1086 = tpu.memref_slice %arg15[%mul3A_1079] : memref<10240xf32, #tpu.memory_space<vmem_shared>> -> memref<640xf32, #tpu.memory_space<vmem_shared>>
      tpu.enqueue_dma source(%dma_start3A_1086 : memref<640xf32, #tpu.memory_space<vmem_shared>>) target(%dma_start3A_1085 : memref<640xf32, #tpu.memory_space<hbm>>) target_semaphore(%run_scoped3A : memref<!tpu.dma_semaphore, #tpu.memory_space<semaphore_mem>>)
      %dma_wait3A = tpu.memref_slice %arg6[%add3A_1084] : memref<20480xf32, #tpu.memory_space<hbm>> -> memref<640xf32, #tpu.memory_space<hbm>>
      %dma_wait3A_1087 = tpu.memref_slice %arg15[%mul3A_1079] : memref<10240xf32, #tpu.memory_space<vmem_shared>> -> memref<640xf32, #tpu.memory_space<vmem_shared>>
      tpu.wait_dma2 semaphore(%run_scoped3A : memref<!tpu.dma_semaphore, #tpu.memory_space<semaphore_mem>>) src(%dma_wait3A_1087 : memref<640xf32, #tpu.memory_space<vmem_shared>>) dst(%dma_wait3A : memref<640xf32, #tpu.memory_space<hbm>>)
      tpu.yield
    }) : () -> ()
    return
  }
}

module attributes {stable_mosaic.version = 14 : i64} {
  func.func @_tc_pre_kernel(%arg0: i32, %arg1: memref<1000x256xf32, #tpu.memory_space<vmem>>, %arg2: memref<256x256xf32, #tpu.memory_space<vmem>>, %arg3: memref<1x256xf32, #tpu.memory_space<vmem>>, %arg4: memref<1000x256xf32, #tpu.memory_space<vmem>>) attributes {dimension_semantics = [#tpu.dimension_semantics<arbitrary>], iteration_bounds = array<i64: 10>, scalar_prefetch = 0 : i64, scratch_operands = 0 : i64, tpu.core_type = #tpu.core_type<tc>, window_params = [{transform_indices = @transform_0, window_bounds = array<i64: 1000, 256>}, {pipeline_mode = #tpu.pipeline_mode<synchronous>, transform_indices = @transform_1, window_bounds = array<i64: 256, 256>}, {pipeline_mode = #tpu.pipeline_mode<synchronous>, transform_indices = @transform_2, window_bounds = array<i64: 1, 256>}, {transform_indices = @transform_3, window_bounds = array<i64: 1000, 256>}]} {
    %get3A = arith.constant 0 : index
    %get3A_0 = arith.constant 0 : index
    %get3A_1 = vector.load %arg1[%get3A, %get3A_0] : memref<1000x256xf32, #tpu.memory_space<vmem>>, vector<1000x256xf32>
    %get3A_2 = arith.constant 0 : index
    %get3A_3 = arith.constant 0 : index
    %get3A_4 = vector.load %arg2[%get3A_2, %get3A_3] : memref<256x256xf32, #tpu.memory_space<vmem>>, vector<256x256xf32>
    %dot_general3A = arith.constant dense<0.000000e+00> : vector<1000x256xf32>
    %dot_general3A_5 = tpu.matmul %get3A_1, %get3A_4, %dot_general3A {dimension_numbers = #tpu.dot_dimension_numbers<[1], [0], [0], [1], [0, 0, 1, 1], [], []>, transpose_lhs_hint = false} : vector<1000x256xf32>, vector<256x256xf32>, vector<1000x256xf32> -> vector<1000x256xf32>
    %get3A_6 = arith.constant 0 : index
    %get3A_7 = arith.constant 0 : index
    %get3A_8 = vector.load %arg3[%get3A_6, %get3A_7] : memref<1x256xf32, #tpu.memory_space<vmem>>, vector<1x256xf32>
    %add3A = vector.broadcast %get3A_8 : vector<1x256xf32> to vector<1000x256xf32>
    %add3A_9 = arith.addf %dot_general3A_5, %add3A : vector<1000x256xf32>
    %swap3A = arith.constant 0 : index
    %swap3A_10 = arith.constant 0 : index
    %swap3A_11 = vector.load %arg4[%swap3A, %swap3A_10] : memref<1000x256xf32, #tpu.memory_space<vmem>>, vector<1000x256xf32>
    tpu.vector_store %arg4[%swap3A, %swap3A_10], %add3A_9 {strides = array<i32>} : memref<1000x256xf32, #tpu.memory_space<vmem>>, vector<1000x256xf32>,
    return
  }
  func.func @transform_0(%arg0: i32) -> (i32, i32) {
    %c0_i32 = arith.constant 0 : i32
    %c0_i32_0 = arith.constant 0 : i32
    return %arg0, %c0_i32 : i32, i32
  }
  func.func @transform_1(%arg0: i32) -> (i32, i32) {
    %c0_i32 = arith.constant 0 : i32
    %c0_i32_0 = arith.constant 0 : i32
    %c0_i32_1 = arith.constant 0 : i32
    return %c0_i32, %c0_i32_0 : i32, i32
  }
  func.func @transform_2(%arg0: i32) -> (i32, i32) {
    %c0_i32 = arith.constant 0 : i32
    %c0_i32_0 = arith.constant 0 : i32
    %c0_i32_1 = arith.constant 0 : i32
    return %c0_i32, %c0_i32_0 : i32, i32
  }
  func.func @transform_3(%arg0: i32) -> (i32, i32) {
    %c0_i32 = arith.constant 0 : i32
    %c0_i32_0 = arith.constant 0 : i32
    return %arg0, %c0_i32 : i32, i32
  }
}

module attributes {stable_mosaic.version = 14 : i64} {
  func.func @_tc_post_kernel(%arg0: i32, %arg1: memref<2x1000x128xf32, #tpu.memory_space<vmem>>, %arg2: memref<2x1000x1xf32, #tpu.memory_space<vmem>>, %arg3: memref<1000x256xf32, #tpu.memory_space<vmem>>, %arg4: memref<2x128x256xf32, #tpu.memory_space<vmem>>, %arg5: memref<1000x256xf32, #tpu.memory_space<vmem>>) attributes {dimension_semantics = [#tpu.dimension_semantics<arbitrary>], iteration_bounds = array<i64: 10>, scalar_prefetch = 0 : i64, scratch_operands = 0 : i64, tpu.core_type = #tpu.core_type<tc>, window_params = [{transform_indices = @transform_0, window_bounds = array<i64: 2, 1000, 128>}, {transform_indices = @transform_1, window_bounds = array<i64: 2, 1000, 1>}, {transform_indices = @transform_2, window_bounds = array<i64: 1000, 256>}, {pipeline_mode = #tpu.pipeline_mode<synchronous>, transform_indices = @transform_3, window_bounds = array<i64: 2, 128, 256>}, {transform_indices = @transform_4, window_bounds = array<i64: 1000, 256>}]} {
    %get3A = arith.constant 0 : index
    %get3A_0 = arith.constant 0 : index
    %get3A_1 = arith.constant 0 : index
    %get3A_2 = vector.load %arg2[%get3A, %get3A_0, %get3A_1] : memref<2x1000x1xf32, #tpu.memory_space<vmem>>, vector<1x1000x1xf32>
    %get3A_3 = vector.shape_cast %get3A_2 : vector<1x1000x1xf32> to vector<1000x1xf32>
    %get3A_4 = arith.constant 1 : index
    %get3A_5 = arith.constant 0 : index
    %get3A_6 = arith.constant 0 : index
    %get3A_7 = vector.load %arg2[%get3A_4, %get3A_5, %get3A_6] : memref<2x1000x1xf32, #tpu.memory_space<vmem>>, vector<1x1000x1xf32>
    %get3A_8 = vector.shape_cast %get3A_7 : vector<1x1000x1xf32> to vector<1000x1xf32>
    %add3A = arith.addf %get3A_3, %get3A_8 : vector<1000x1xf32>
    %max3A = arith.constant 1.000000e+00 : f32
    %max3A_9 = vector.broadcast %max3A : f32 to vector<1000x1xf32>
    %max3A_10 = arith.maximumf %add3A, %max3A_9 : vector<1000x1xf32>
    %div3A = arith.constant 1.000000e+00 : f32
    %div3A_11 = vector.broadcast %div3A : f32 to vector<1000x1xf32>
    %div3A_12 = arith.divf %div3A_11, %max3A_10 : vector<1000x1xf32>
    %get3A_13 = arith.constant 0 : index
    %get3A_14 = arith.constant 0 : index
    %get3A_15 = arith.constant 0 : index
    %get3A_16 = vector.load %arg1[%get3A_13, %get3A_14, %get3A_15] : memref<2x1000x128xf32, #tpu.memory_space<vmem>>, vector<1x1000x128xf32>
    %get3A_17 = vector.shape_cast %get3A_16 : vector<1x1000x128xf32> to vector<1000x128xf32>
    %get3A_18 = arith.constant 0 : index
    %get3A_19 = arith.constant 0 : index
    %get3A_20 = arith.constant 0 : index
    %get3A_21 = vector.load %arg4[%get3A_18, %get3A_19, %get3A_20] : memref<2x128x256xf32, #tpu.memory_space<vmem>>, vector<1x128x256xf32>
    %get3A_22 = vector.shape_cast %get3A_21 : vector<1x128x256xf32> to vector<128x256xf32>
    %dot_general3A = arith.constant dense<0.000000e+00> : vector<1000x256xf32>
    %dot_general3A_23 = tpu.matmul %get3A_17, %get3A_22, %dot_general3A {dimension_numbers = #tpu.dot_dimension_numbers<[1], [0], [0], [1], [0, 0, 1, 1], [], []>, transpose_lhs_hint = false} : vector<1000x128xf32>, vector<128x256xf32>, vector<1000x256xf32> -> vector<1000x256xf32>
    %get3A_24 = arith.constant 1 : index
    %get3A_25 = arith.constant 0 : index
    %get3A_26 = arith.constant 0 : index
    %get3A_27 = vector.load %arg1[%get3A_24, %get3A_25, %get3A_26] : memref<2x1000x128xf32, #tpu.memory_space<vmem>>, vector<1x1000x128xf32>
    %get3A_28 = vector.shape_cast %get3A_27 : vector<1x1000x128xf32> to vector<1000x128xf32>
    %get3A_29 = arith.constant 1 : index
    %get3A_30 = arith.constant 0 : index
    %get3A_31 = arith.constant 0 : index
    %get3A_32 = vector.load %arg4[%get3A_29, %get3A_30, %get3A_31] : memref<2x128x256xf32, #tpu.memory_space<vmem>>, vector<1x128x256xf32>
    %get3A_33 = vector.shape_cast %get3A_32 : vector<1x128x256xf32> to vector<128x256xf32>
    %dot_general3A_34 = arith.constant dense<0.000000e+00> : vector<1000x256xf32>
    %dot_general3A_35 = tpu.matmul %get3A_28, %get3A_33, %dot_general3A_34 {dimension_numbers = #tpu.dot_dimension_numbers<[1], [0], [0], [1], [0, 0, 1, 1], [], []>, transpose_lhs_hint = false} : vector<1000x128xf32>, vector<128x256xf32>, vector<1000x256xf32> -> vector<1000x256xf32>
    %add3A_36 = arith.addf %dot_general3A_23, %dot_general3A_35 : vector<1000x256xf32>
    %mul3A = vector.broadcast %div3A_12 : vector<1000x1xf32> to vector<1000x256xf32>
    %mul3A_37 = arith.mulf %add3A_36, %mul3A : vector<1000x256xf32>
    %get3A_38 = arith.constant 0 : index
    %get3A_39 = arith.constant 0 : index
    %get3A_40 = vector.load %arg3[%get3A_38, %get3A_39] : memref<1000x256xf32, #tpu.memory_space<vmem>>, vector<1000x256xf32>
    %add3A_41 = arith.addf %mul3A_37, %get3A_40 : vector<1000x256xf32>
    %gt3A = arith.constant 0.000000e+00 : f32
    %gt3A_42 = vector.broadcast %gt3A : f32 to vector<1000x256xf32>
    %gt3A_43 = arith.cmpf ogt, %add3A_41, %gt3A_42 : vector<1000x256xf32>
    %exp3A = math.exp %add3A_41 : vector<1000x256xf32>
    %sub3A = arith.constant 1.000000e+00 : f32
    %sub3A_44 = vector.broadcast %sub3A : f32 to vector<1000x256xf32>
    %sub3A_45 = arith.subf %exp3A, %sub3A_44 : vector<1000x256xf32>
    %select_n3A = arith.select %gt3A_43, %add3A_41, %sub3A_45 : vector<1000x256xi1>, vector<1000x256xf32>
    %swap3A = arith.constant 0 : index
    %swap3A_46 = arith.constant 0 : index
    %swap3A_47 = vector.load %arg5[%swap3A, %swap3A_46] : memref<1000x256xf32, #tpu.memory_space<vmem>>, vector<1000x256xf32>
    tpu.vector_store %arg5[%swap3A, %swap3A_46], %select_n3A {strides = array<i32>} : memref<1000x256xf32, #tpu.memory_space<vmem>>, vector<1000x256xf32>,
    return
  }
  func.func @transform_0(%arg0: i32) -> (i32, i32, i32) {
    %c0_i32 = arith.constant 0 : i32
    %c0_i32_0 = arith.constant 0 : i32
    %c0_i32_1 = arith.constant 0 : i32
    return %c0_i32, %arg0, %c0_i32_0 : i32, i32, i32
  }
  func.func @transform_1(%arg0: i32) -> (i32, i32, i32) {
    %c0_i32 = arith.constant 0 : i32
    %c0_i32_0 = arith.constant 0 : i32
    %c0_i32_1 = arith.constant 0 : i32
    return %c0_i32, %arg0, %c0_i32_0 : i32, i32, i32
  }
  func.func @transform_2(%arg0: i32) -> (i32, i32) {
    %c0_i32 = arith.constant 0 : i32
    %c0_i32_0 = arith.constant 0 : i32
    return %arg0, %c0_i32 : i32, i32
  }
  func.func @transform_3(%arg0: i32) -> (i32, i32, i32) {
    %c0_i32 = arith.constant 0 : i32
    %c0_i32_0 = arith.constant 0 : i32
    %c0_i32_1 = arith.constant 0 : i32
    %c0_i32_2 = arith.constant 0 : i32
    return %c0_i32, %c0_i32_0, %c0_i32_1 : i32, i32, i32
  }
  func.func @transform_4(%arg0: i32) -> (i32, i32) {
    %c0_i32 = arith.constant 0 : i32
    %c0_i32_0 = arith.constant 0 : i32
    return %arg0, %c0_i32 : i32, i32
  }
}

</mosaic_0001>

<sc_bundles>
// kernel: kernel.5.cloned.1.call-start
scs
__scs_entry_jumppad:
0x0: {  	(pc) =	sbr.rel $0x88, $3  }
0x1: {  	(tag) =	ssettag $0x0;
	lr =	simm.s32 $0x1  }
0x2: {  	[smem:$0x3F9A] =	sst lr;
	_ =	strace $0xD0000000  }
0x3: {  	_ = 	snop  }
0x4: {  	_ = 	snop  }
0x5: {  	_ = 	snop  }
0x6: {  	_ = 	snop  }
0x7: {  	_ = 	snop  }
__scs_overlays_trampoline_lowered:
0x8: {  	[smem:$0x3FA9] =	sst s0  }
0x9: {  	[smem:$0x3FAA] =	sst s1  }
0xa: {  	[smem:$0x3FAB] =	sst s2  }
0xb: {  	[smem:$0x3FAC] =	sst s3  }
0xc: {  	[smem:$0x3FAD] =	sst s4  }
0xd: {  	[smem:$0x3FAE] =	sst s5  }
0xe: {  	[smem:$0x3FAF] =	sst s6  }
0xf: {  	[smem:$0x3FB0] =	sst s7  }
0x10: {  	[smem:$0x3FB1] =	sst s8  }
0x11: {  	[smem:$0x3FB2] =	sst s9;
	s0 =	simm.s32 @!p0 $0x0  }
0x12: {  	s1 =	sld [smem:$0x3F98];
	s0 =	simm.s32 @p0 $0x1  }
0x13: {  	[smem:$0x3FB3] =	sst s0;
	s0 =	simm.s32 @!p1 $0x0  }
0x14: {  	s2 =	sld [smem:$0x3F97];
	s0 =	simm.s32 @p1 $0x1  }
0x15: {  	[smem:$0x3FB4] =	sst s0;
	s0 =	simm.s32 @!p2 $0x0  }
0x16: {  	s3 =	sld [smem:$0x3FDB];
	s0 =	simm.s32 @p2 $0x1  }
0x17: {  	s4 =	simm.s32 $0x1BF5;
	[smem:$0x3FB6] =	sst s0  }
0x18: {  	s0 =	sld [smem:$0x3F99];
	_ =	swait.ge [sflag:s4], $0x0  }
0x19: {  	s7 =	sld [smem:$0x3F9A]  }
0x1a: {  	s8 =	sadd.s32 $0xFFFFE003, lr  }
0x1b: {  	s9 =	sadd.s32 $0xFFFFFEF7, lr;
	s5 =	simm.s32 $0xFFFFFFFF;
	p2 =	slt.u32 s8, $0xFFFFF086  }
0x1c: {  	p1 =	slt.u32 s9, $0xF7A;
	s5 =	simm.s32 @!p2 $0x0  }
0x1d: {  	s5 =	simm.s32 @p1 $0x1;
	p0 =	seq.s32 s7, s2  }
0x1e: {  	s7 =	smul.u32 @!p0 $0xF7A, s2;
	p2 =	seq.s32 @!p0 s5, $0x0  }
0x1f: {  	s9 =	smul.u32 $0xF7A, s1;
	s8 =	simm.s32 @!p0 $0x1BF5;
	p2 =	por !p2, p0  }
0x20: {  	[sflag:s8] =	ssyncset.s32 @!p0 $0xFFFFF086;
	s6 =	sadd.s32 @!p0 s3, s7;
	s7 =	simm.s32 @!p0 $0x108  }
0x21: {  	s3 =	sadd.s32 s3, s9;
	s6 =	sadd.s32 @!p0 $0x88, s6;
	s7 =	simm.s32 @p2 $0x1082  }
0x22: {  	[simem:s7], [sflag:s8] =	dma.local @!p0 [hbm:s6], $0xF7A  }
0x23: {  	s9 =	sor.u32 $0xD0000000, s2;
	s6 =	simm.s32 $0x108;
	_ =	swait.ge @!p0 [sflag:s8], $0x0  }
0x24: {  	s3 =	sadd.s32 $0x88, s3;
	s6 =	simm.s32 @!p1 $0x1082;
	[sflag:s4] =	ssyncset.s32 $0xFFFFF086  }
0x25: {  	[simem:s6], [sflag:s4] =	dma.local [hbm:s3], $0xF7A  }
0x26: {  	[smem:$0x3F9A] =	sst s1;
	(tag) =	ssettag s2;
	_ =	strace s9  }
0x27: {  	s1 =	sld [smem:$0x3FAA]  }
0x28: {  	s2 =	sld [smem:$0x3FAB]  }
0x29: {  	s4 =	sld [smem:$0x3FAD]  }
0x2a: {  	p0 =	seq.s32 s5, $0x0;
	s5 =	sld [smem:$0x3FAE]  }
0x2b: {  	s6 =	sld [smem:$0x3FAF]  }
0x2c: {  	s7 =	sld [smem:$0x3FB0]  }
0x2d: {  	s3 =	simm.s32 $0x108;
	s8 =	sld [smem:$0x3FB1]  }
0x2e: {  	s3 =	simm.s32 @!p0 $0x1082;
	s9 =	sld [smem:$0x3FB2]  }
0x2f: {  	lr =	sadd.s32 s0, s3;
	s0 =	sld [smem:$0x3FA9]  }
0x30: {  	s3 =	sld [smem:$0x3FAC]  }
0x31: {  	[smem:$0x3FB5] =	sst s10  }
0x32: {  	s10 =	sld [smem:$0x3FB3];
	_ =	sdelay $0x3  }
0x33: {  	p0 =	seq.s32 s10, $0x1;
	s10 =	sld [smem:$0x3FB5];
	_ =	sdelay $0x3  }
0x34: {  	[smem:$0x3FB5] =	sst s10  }
0x35: {  	s10 =	sld [smem:$0x3FB4];
	_ =	sdelay $0x3  }
0x36: {  	p1 =	seq.s32 s10, $0x1;
	s10 =	sld [smem:$0x3FB5];
	_ =	sdelay $0x3  }
0x37: {  	[smem:$0x3FB5] =	sst s10  }
0x38: {  	s10 =	sld [smem:$0x3FB6]  }
0x39: {  	_ = 	snop;
	(pc) =	sbr.ind lr, $3  }
0x3a: {  	_ = 	snop  }
0x3b: {  	_ = 	snop  }
0x3c: {  	p2 =	seq.s32 s10, $0x1;
	s10 =	sld [smem:$0x3FB5]  }
0x3d: {  	_ =	shalt  }
0x3e: {  	_ =	shalt  }
0x3f: {  	_ =	shalt  }
0x40: {  	_ =	shalt  }
0x41: {  	_ =	shalt  }
0x42: {  	_ =	shalt  }
0x43: {  	_ =	shalt  }
0x44: {  	_ =	shalt  }
0x45: {  	_ =	shalt  }
0x46: {  	_ =	shalt  }
0x47: {  	_ =	shalt  }
0x48: {  	_ =	shalt  }
0x49: {  	_ =	shalt  }
0x4a: {  	_ =	shalt  }
0x4b: {  	_ =	shalt  }
0x4c: {  	_ =	shalt  }
0x4d: {  	_ =	shalt  }
0x4e: {  	_ =	shalt  }
0x4f: {  	_ =	shalt  }
0x50: {  	_ =	shalt  }
0x51: {  	_ =	shalt  }
0x52: {  	_ =	shalt  }
0x53: {  	_ =	shalt  }
0x54: {  	_ =	shalt  }
0x55: {  	_ =	shalt  }
0x56: {  	_ =	shalt  }
0x57: {  	_ =	shalt  }
0x58: {  	_ =	shalt  }
0x59: {  	_ =	shalt  }
0x5a: {  	_ =	shalt  }
0x5b: {  	_ =	shalt  }
0x5c: {  	_ =	shalt  }
0x5d: {  	_ =	shalt  }
0x5e: {  	_ =	shalt  }
0x5f: {  	_ =	shalt  }
0x60: {  	_ =	shalt  }
0x61: {  	_ =	shalt  }
0x62: {  	_ =	shalt  }
0x63: {  	_ =	shalt  }
0x64: {  	_ =	shalt  }
0x65: {  	_ =	shalt  }
0x66: {  	_ =	shalt  }
0x67: {  	_ =	shalt  }
0x68: {  	_ =	shalt  }
0x69: {  	_ =	shalt  }
0x6a: {  	_ =	shalt  }
0x6b: {  	_ =	shalt  }
0x6c: {  	_ =	shalt  }
0x6d: {  	_ =	shalt  }
0x6e: {  	_ =	shalt  }
0x6f: {  	_ =	shalt  }
0x70: {  	_ =	shalt  }
0x71: {  	_ =	shalt  }
0x72: {  	_ =	shalt  }
0x73: {  	_ =	shalt  }
0x74: {  	_ =	shalt  }
0x75: {  	_ =	shalt  }
0x76: {  	_ =	shalt  }
0x77: {  	_ =	shalt  }
0x78: {  	_ =	shalt  }
0x79: {  	_ =	shalt  }
0x7a: {  	_ =	shalt  }
0x7b: {  	_ =	shalt  }
0x7c: {  	_ =	shalt  }
0x7d: {  	_ =	shalt  }
0x7e: {  	_ =	shalt  }
0x7f: {  	_ =	shalt  }
0x80: {  	_ =	shalt  }
0x81: {  	_ =	shalt  }
0x82: {  	_ =	shalt  }
0x83: {  	_ =	shalt  }
0x84: {  	_ =	shalt  }
0x85: {  	_ =	shalt  }
0x86: {  	_ =	shalt  }
0x87: {  	_ =	shalt  }
.Lfunc_end0:
.L_simem_size_0:
called_computation_lowered:
.L_overlay_start_0:
0x88: {  	s2 =	sld [smem:$0x3FD9]  }
0x89: {  	s3 =	sld [smem:$0x3FFE];
	_ =	sdelay $0x1  }
0x8a: {  	s1 =	srdreg.scid  }
0x8b: {  	s0 =	sand.u32 $0x1, s1  }
0x8c: {  	s17 =	sshll.u32 s0, $0xA;
	s2 =	sadd.s32 s3, s2  }
0x8d: {  	s2 =	sadd.s32 s2, s17  }
0x8e: {  	[smem:$0x3FC1] =	sst s2  }
0x8f: {  	_ = 	snop  }
0x90: {  	s2 =	sld [smem:$0x3FD0];
	(tm) =	ssettm $0x1  }
0x91: {  	s18 =	sld [smem:$0x3FFB];
	_ =	sdelay $0x3  }
0x92: {  	_ =	strace s18  }
0x93: {  	s3 =	sld [smem:$0x3FFC];
	_ =	sdelay $0x3  }
0x94: {  	_ =	strace s3  }
0x95: {  	s3 =	sld [smem:$0x3FFD];
	_ =	sdelay $0x3  }
0x96: {  	_ =	strace s3  }
0x97: {  	_ =	strace $0x8FFFFFFF  }
0x98: {  	s19 =	sld [smem:$0x3FDB];
	_ =	sdelay $0x1  }
0x99: {  	s4 =	simm.s32 $_scs_section_size  }
0x9a: {  	s5 =	simm.s32 $_size__tile_overlayer_lowered;
	s6 =	simm.s32 $_tile_overlayer_lowered  }
0x9b: {  	s22 =	simm.s32 $0x1BFF;
	s21 =	sshll.u32 s6, $0x1;
	s3 =	sadd.s32 s4, s19  }
0x9c: {  	s7 =	simm.s32 $0x0;
	s20 =	sshll.u32 s5, $0x1;
	s5 =	sadd.s32 s21, s3  }
0x9d: {  	[timem:s7], [sflag:s22] =	dma.local [hbm:s5], s20  }
0x9e: {  	_ =	swait.ge [sflag:s22], s20  }
0x9f: {  	s4 =	ssub.s32 $0x0, s20;
	[sflag:s22] =	ssyncset.done $0x0  }
0xa0: {  	[sflag:s22] =	ssyncadd.s32 s4;
	_ =	sdelay $0x1  }
0xa1: {  	s23 =	simm.s32 $0x1B8B  }
0xa2: {  	_ =	swait.ge [sflag:s23], $0x1  }
0xa3: {  	[sflag:s23] =	ssyncset.done $0x0  }
0xa4: {  	s25 =	simm.s32 $0x1B8E;
	s24 =	sld [smem:$0x3FFE];
	[sflag:s23] =	ssyncadd.s32 $0xFFFFFFFF  }
0xa5: {  	s26 =	simm.s32 $execute0_lowered;
	[smem:$0x3FD2] =	sst s25  }
0xa6: {  	s5 =	sshll.u32 s26, $0x1;
	_ =	strace $0x80000046;
	[dreg:$0x1] =	wrdreg $0xFFFFFFFF  }
0xa7: {  	s28 =	simm.s32 $_size_execute0_lowered;
	s3 =	sadd.s32 s3, s5;
	[dreg:$0x0] =	wrdreg $0x0  }
0xa8: {  	s5 =	sshll.u32 s28, $0x1;
	[dreg:$0x2] =	wrdreg s3  }
0xa9: {  	[dreg:$0x3] =	wrdreg s5  }
0xaa: {  	[dreg:$0x4] =	wrdreg $0xC0  }
0xab: {  	_ =	task [dreg:s7], $0x5FFFF  }
0xac: {  	[dreg:$0x1] =	wrdreg $0xFFFFFFFF  }
0xad: {  	[dreg:$0x0] =	wrdreg $0x60  }
0xae: {  	[dreg:$0x2] =	wrdreg s2  }
0xaf: {  	[dreg:$0x3] =	wrdreg s24  }
0xb0: {  	[dreg:$0x4] =	wrdreg $0x73000  }
0xb1: {  	[dreg:$0x5] =	wrdreg $0x1B3000  }
0xb2: {  	[dreg:$0x6] =	wrdreg $0x9  }
0xb3: {  	_ =	task.clear_ibuf [dreg:s7], $0x7FFFF;
	_ =	strace $0x90000046  }
0xb4: {  	s29 =	simm.s32 $0x9;
	_ =	strace $0x80000048  }
0xb5: {  	_ =	swait.ge [sflag:s29], $0x1  }
0xb6: {  	[sflag:s29] =	ssyncadd.s32 $0xFFFFFFFF  }
0xb7: {  	_ =	strace $0x90000048  }
0xb8: {  	_ =	sfence  }
0xb9: {  	s30 =	sld [smem:$0x0];
	_ =	sdelay $0x2  }
0xba: {  	s31 =	sshll.u32 s1, $0xD;
	s1 =	sshrl.u32 s1, $0x2  }
0xbb: {  	s3 =	sand.u32 $0x4000, s31;
	s1 =	sadd.s32 s1, s30  }
0xbc: {  	s0 =	sor.u32 s3, s0;
	s1 =	sshll.u32 s1, $0x11  }
0xbd: {  	s0 =	sor.u32 s1, s0  }
0xbe: {  	s0 =	sadd.s32 $0x8F2B, s0  }
0xbf: {  	[sflag:s0] =	ssyncadd.remote.s32 $0x1  }
0xc0: {  	_ =	sfence.sel $0xFFFF  }
0xc1: {  	[dreg:$0x0] =	wrdreg $0xFFFFFFFF;
	(pc) =	sbr.abs _section_cstart, $3  }
0xc2: {  	[dreg:$0x1] =	wrdreg $0xFFFFFFFF  }
0xc3: {  	_ =	task.clear_ibuf [dreg:s7], $0x2FFFF;
	_ =	strace $0x9FFFFFFF  }
0xc4: {  	(tm) =	ssettm $0x7FFFFFFF  }
0xc5: {  	_ =	shalt  }
tec
execute0_lowered:
.L_overlay_start_1:
0x0: {  	(tag) =	ssettag $0x1  }
0x1: {  	s1 =	rddreg [dreg:$0x0]  }
0x2: {  	s0 =	rddreg [dreg:$0x1]  }
0x3: {  	s3 =	rddreg [dreg:$0x2]  }
0x4: {  	s4 =	rddreg [dreg:$0x3];
	s2 =	srdreg.scid  }
0x5: {  	s15 =	stileid.u32;
	s5 =	simm.s32 $0x0;
	s28 =	simm.s32 $0x1400  }
0x6: {  	s29 =	simm.s32 $0x40;
	s30 =	simm.s32 $0x2800;
	s7 =	smul.u32 $0x280, s15  }
0x7: {  	s31 =	simm.s32 $0x80;
	s2 =	sand.u32 $0x1, s2;
	s13 =	smul.u32 $0x50000, s15  }
0x8: {  	[smem:$0x7FF] =	sst s5;
	s8 =	sadd.s32 $0x1600, s0;
	s21 =	smul.u32 $0x5000, s15  }
0x9: {  	s9 =	sadd.s32 $0x15600, s0;
	s12 =	sshll.u32 s15, $0x2;
	s22 =	smul.u32 $0xA00, s15  }
0xa: {  	s6 =	smul.u32 $0x2800, s2;
	_ =	strace $0x80000047;
	s11 =	sshll.u32 s2, $0x6  }
0xb: {  	s18 =	ssub.s32 $0x2, s2;
	p0 =	seq.s32 s2, $0x0;
	s26 =	sshll.u32 s2, $0x5  }
0xc: {  	s2 =	simm.s32 $0x20;
	s11 =	sor.u32 s12, s11;
	s19 =	sshrl.u32 s18, $0x1  }
0xd: {  	s20 =	sshrl.u32 s13, $0x2;
	s12 =	sshrl.u32 s21, $0x3;
	s13 =	sadd.s32 s9, s22  }
0xe: {  	s21 =	simm.s32 $0x2780;
	s22 =	simm.s32 $0x2780;
	s14 =	smul.u32 $0x280, s11  }
0xf: {  	s6 =	sadd.s32 s7, s6;
	s11 =	smul.u32 $0x1400, s11;
	s18 =	ssub.s32 s18, s19  }
0x10: {  	s7 =	sadd.s32 s7, s4;
	[dreg:$0x6] =	wrdreg s13;
	s9 =	sadd.s32 s9, s12  }
0x11: {  	s19 =	simm.s32 $0x2700;
	s21 =	simm.s32 @!p0 $0x27A0;
	s10 =	sshll.u32 s6, $0x4  }
0x12: {  	s6 =	sshrl.u32 s6, $0x3;
	s23 =	sadd.s32 $0x280, s9;
	s25 =	sadd.s32 $0x500, s9  }
0x13: {  	s15 =	sadd.s32 $0x780, s9;
	s18 =	smax.u32 s18, $0x1;
	s9 =	simm.s32 $0x2  }
0x14: {  	s10 =	sadd.s32 s10, s0;
	s0 =	sadd.s32 s6, s0;
	s6 =	sadd.s32 s20, s3  }
0x15: {  	s14 =	sadd.s32 s8, s14;
	s11 =	sshrl.u32 s11, $0x3;
	[dreg:$0x8] =	wrdreg s23  }
0x16: {  	[dreg:$0xa] =	wrdreg s25;
	s20 =	simm.s32 $0x2700;
	s23 =	sor.u32 $0x1400, s26  }
0x17: {  	s25 =	simm.s32 $0x3;
	s26 =	simm.s32 $0x1;
	[dreg:$0x5] =	wrdreg s14  }
0x18: {  	s8 =	sadd.s32 s8, s11;
	s16 =	sadd.s32 $0x20000, s10;
	s17 =	sadd.s32 $0x1F600, s0  }
0x19: {  	s20 =	simm.s32 @!p0 $0x2720;
	s0 =	simm.s32 $0x4800;
	s11 =	sadd.s32 $0x280, s8  }
0x1a: {  	s24 =	sadd.s32 $0x500, s8;
	s14 =	sadd.s32 $0x780, s8;
	[dreg:$0x7] =	wrdreg s11  }
0x1b: {  	v0 =	vimm.f32 $0.0e+00;
	v1 =	vimm.f32 $1.000000000e+00;
	s8 =	simm.s32 $0x7280;
	[dreg:$0x9] =	wrdreg s24;
	s24 =	simm.s32 $0x6800  }
.LBB2_1:
0x1c: {  	[tilespmem:$0x6800] =	vst v0  }
0x1d: {  	[tilespmem:$0x6810] =	vst v0  }
0x1e: {  	[tilespmem:$0x6820] =	vst v0  }
0x1f: {  	[tilespmem:$0x6830] =	vst v0  }
0x20: {  	[tilespmem:$0x6840] =	vst v0  }
0x21: {  	[tilespmem:$0x6850] =	vst v0  }
0x22: {  	[tilespmem:$0x6860] =	vst v0  }
0x23: {  	[tilespmem:$0x6870] =	vst v0  }
0x24: {  	[tilespmem:$0x6880] =	vst v0  }
0x25: {  	[tilespmem:$0x6890] =	vst v0  }
0x26: {  	[tilespmem:$0x68A0] =	vst v0  }
0x27: {  	[tilespmem:$0x68B0] =	vst v0  }
0x28: {  	[tilespmem:$0x68C0] =	vst v0  }
0x29: {  	[tilespmem:$0x68D0] =	vst v0  }
0x2a: {  	[tilespmem:$0x68E0] =	vst v0  }
0x2b: {  	[tilespmem:$0x68F0] =	vst v0  }
0x2c: {  	[tilespmem:$0x6900] =	vst v0  }
0x2d: {  	[tilespmem:$0x6910] =	vst v0  }
0x2e: {  	[tilespmem:$0x6920] =	vst v0  }
0x2f: {  	[tilespmem:$0x6930] =	vst v0  }
0x30: {  	[tilespmem:$0x6940] =	vst v0  }
0x31: {  	[tilespmem:$0x6950] =	vst v0  }
0x32: {  	[tilespmem:$0x6960] =	vst v0  }
0x33: {  	[tilespmem:$0x6970] =	vst v0  }
0x34: {  	[tilespmem:$0x6980] =	vst v0  }
0x35: {  	[tilespmem:$0x6990] =	vst v0  }
0x36: {  	[tilespmem:$0x69A0] =	vst v0  }
0x37: {  	[tilespmem:$0x69B0] =	vst v0  }
0x38: {  	[tilespmem:$0x69C0] =	vst v0  }
0x39: {  	[tilespmem:$0x69D0] =	vst v0  }
0x3a: {  	[tilespmem:$0x69E0] =	vst v0  }
0x3b: {  	[tilespmem:$0x69F0] =	vst v0  }
0x3c: {  	[tilespmem:$0x6A00] =	vst v0  }
0x3d: {  	[tilespmem:$0x6A10] =	vst v0  }
0x3e: {  	[tilespmem:$0x6A20] =	vst v0  }
0x3f: {  	[tilespmem:$0x6A30] =	vst v0  }
0x40: {  	[tilespmem:$0x6A40] =	vst v0  }
0x41: {  	[tilespmem:$0x6A50] =	vst v0  }
0x42: {  	[tilespmem:$0x6A60] =	vst v0  }
0x43: {  	[tilespmem:$0x6A70] =	vst v0  }
0x44: {  	[tilespmem:$0x6A80] =	vst v0  }
0x45: {  	[tilespmem:$0x6A90] =	vst v0  }
0x46: {  	[tilespmem:$0x6AA0] =	vst v0  }
0x47: {  	[tilespmem:$0x6AB0] =	vst v0  }
0x48: {  	[tilespmem:$0x6AC0] =	vst v0  }
0x49: {  	[tilespmem:$0x6AD0] =	vst v0  }
0x4a: {  	[tilespmem:$0x6AE0] =	vst v0  }
0x4b: {  	[tilespmem:$0x6AF0] =	vst v0  }
0x4c: {  	[tilespmem:$0x6B00] =	vst v0  }
0x4d: {  	[tilespmem:$0x6B10] =	vst v0  }
0x4e: {  	[tilespmem:$0x6B20] =	vst v0  }
0x4f: {  	[tilespmem:$0x6B30] =	vst v0  }
0x50: {  	[tilespmem:$0x6B40] =	vst v0  }
0x51: {  	[tilespmem:$0x6B50] =	vst v0  }
0x52: {  	[tilespmem:$0x6B60] =	vst v0  }
0x53: {  	[tilespmem:$0x6B70] =	vst v0  }
0x54: {  	[tilespmem:$0x6B80] =	vst v0  }
0x55: {  	[tilespmem:$0x6B90] =	vst v0  }
0x56: {  	[tilespmem:$0x6BA0] =	vst v0  }
0x57: {  	[tilespmem:$0x6BB0] =	vst v0  }
0x58: {  	[tilespmem:$0x6BC0] =	vst v0  }
0x59: {  	[tilespmem:$0x6BD0] =	vst v0  }
0x5a: {  	[tilespmem:$0x6BE0] =	vst v0  }
0x5b: {  	[tilespmem:$0x6BF0] =	vst v0  }
0x5c: {  	[tilespmem:$0x6C00] =	vst v0  }
0x5d: {  	[tilespmem:$0x6C10] =	vst v0  }
0x5e: {  	[tilespmem:$0x6C20] =	vst v0  }
0x5f: {  	[tilespmem:$0x6C30] =	vst v0  }
0x60: {  	[tilespmem:$0x6C40] =	vst v0  }
0x61: {  	[tilespmem:$0x6C50] =	vst v0  }
0x62: {  	[tilespmem:$0x6C60] =	vst v0  }
0x63: {  	[tilespmem:$0x6C70] =	vst v0  }
0x64: {  	[tilespmem:$0x6C80] =	vst v0  }
0x65: {  	[tilespmem:$0x6C90] =	vst v0  }
0x66: {  	[tilespmem:$0x6CA0] =	vst v0  }
0x67: {  	[tilespmem:$0x6CB0] =	vst v0  }
0x68: {  	[tilespmem:$0x6CC0] =	vst v0  }
0x69: {  	[tilespmem:$0x6CD0] =	vst v0  }
0x6a: {  	[tilespmem:$0x6CE0] =	vst v0  }
0x6b: {  	[tilespmem:$0x6CF0] =	vst v0  }
0x6c: {  	[tilespmem:$0x6D00] =	vst v0  }
0x6d: {  	[tilespmem:$0x6D10] =	vst v0  }
0x6e: {  	[tilespmem:$0x6D20] =	vst v0  }
0x6f: {  	[tilespmem:$0x6D30] =	vst v0  }
0x70: {  	[tilespmem:$0x6D40] =	vst v0  }
0x71: {  	[tilespmem:$0x6D50] =	vst v0  }
0x72: {  	[tilespmem:$0x6D60] =	vst v0  }
0x73: {  	[tilespmem:$0x6D70] =	vst v0  }
0x74: {  	[tilespmem:$0x6D80] =	vst v0  }
0x75: {  	[tilespmem:$0x6D90] =	vst v0  }
0x76: {  	[tilespmem:$0x6DA0] =	vst v0  }
0x77: {  	[tilespmem:$0x6DB0] =	vst v0  }
0x78: {  	[tilespmem:$0x6DC0] =	vst v0  }
0x79: {  	[tilespmem:$0x6DD0] =	vst v0  }
0x7a: {  	[tilespmem:$0x6DE0] =	vst v0  }
0x7b: {  	[tilespmem:$0x6DF0] =	vst v0  }
0x7c: {  	[tilespmem:$0x6E00] =	vst v0  }
0x7d: {  	[tilespmem:$0x6E10] =	vst v0  }
0x7e: {  	[tilespmem:$0x6E20] =	vst v0  }
0x7f: {  	[tilespmem:$0x6E30] =	vst v0  }
0x80: {  	[tilespmem:$0x6E40] =	vst v0  }
0x81: {  	[tilespmem:$0x6E50] =	vst v0  }
0x82: {  	[tilespmem:$0x6E60] =	vst v0  }
0x83: {  	[tilespmem:$0x6E70] =	vst v0  }
0x84: {  	[tilespmem:$0x6E80] =	vst v0  }
0x85: {  	[tilespmem:$0x6E90] =	vst v0  }
0x86: {  	[tilespmem:$0x6EA0] =	vst v0  }
0x87: {  	[tilespmem:$0x6EB0] =	vst v0  }
0x88: {  	[tilespmem:$0x6EC0] =	vst v0  }
0x89: {  	[tilespmem:$0x6ED0] =	vst v0  }
0x8a: {  	[tilespmem:$0x6EE0] =	vst v0  }
0x8b: {  	[tilespmem:$0x6EF0] =	vst v0  }
0x8c: {  	[tilespmem:$0x6F00] =	vst v0  }
0x8d: {  	[tilespmem:$0x6F10] =	vst v0  }
0x8e: {  	[tilespmem:$0x6F20] =	vst v0  }
0x8f: {  	[tilespmem:$0x6F30] =	vst v0  }
0x90: {  	[tilespmem:$0x6F40] =	vst v0  }
0x91: {  	[tilespmem:$0x6F50] =	vst v0  }
0x92: {  	[tilespmem:$0x6F60] =	vst v0  }
0x93: {  	[tilespmem:$0x6F70] =	vst v0  }
0x94: {  	[tilespmem:$0x6F80] =	vst v0  }
0x95: {  	[tilespmem:$0x6F90] =	vst v0  }
0x96: {  	[tilespmem:$0x6FA0] =	vst v0  }
0x97: {  	[tilespmem:$0x6FB0] =	vst v0  }
0x98: {  	[tilespmem:$0x6FC0] =	vst v0  }
0x99: {  	[tilespmem:$0x6FD0] =	vst v0  }
0x9a: {  	[tilespmem:$0x6FE0] =	vst v0  }
0x9b: {  	[tilespmem:$0x6FF0] =	vst v0  }
0x9c: {  	[tilespmem:$0x7280] =	vst v1  }
0x9d: {  	[tilespmem:$0x7290] =	vst v1  }
0x9e: {  	[tilespmem:$0x72A0] =	vst v1  }
0x9f: {  	[tilespmem:$0x72B0] =	vst v1  }
0xa0: {  	[tilespmem:$0x7000] =	vst v0  }
0xa1: {  	[tilespmem:$0x7010] =	vst v0  }
0xa2: {  	[tilespmem:$0x7020] =	vst v0  }
0xa3: {  	[tilespmem:$0x7030] =	vst v0  }
0xa4: {  	[tilespmem:$0x7040] =	vst v0  }
0xa5: {  	[tilespmem:$0x7050] =	vst v0  }
0xa6: {  	[tilespmem:$0x7060] =	vst v0  }
0xa7: {  	[tilespmem:$0x7070] =	vst v0  }
0xa8: {  	[tilespmem:$0x7080] =	vst v0  }
0xa9: {  	[tilespmem:$0x7090] =	vst v0  }
0xaa: {  	[tilespmem:$0x70A0] =	vst v0  }
0xab: {  	[tilespmem:$0x70B0] =	vst v0  }
0xac: {  	[tilespmem:$0x70C0] =	vst v0  }
0xad: {  	[tilespmem:$0x70D0] =	vst v0  }
0xae: {  	[tilespmem:$0x70E0] =	vst v0  }
0xaf: {  	[tilespmem:$0x70F0] =	vst v0  }
0xb0: {  	[tilespmem:$0x7100] =	vst v0  }
0xb1: {  	[tilespmem:$0x7110] =	vst v0  }
0xb2: {  	[tilespmem:$0x7120] =	vst v0  }
0xb3: {  	[tilespmem:$0x7130] =	vst v0  }
0xb4: {  	[tilespmem:$0x7140] =	vst v0  }
0xb5: {  	[tilespmem:$0x7150] =	vst v0  }
0xb6: {  	[tilespmem:$0x7160] =	vst v0  }
0xb7: {  	[tilespmem:$0x7170] =	vst v0  }
0xb8: {  	[tilespmem:$0x7180] =	vst v0  }
0xb9: {  	[tilespmem:$0x7190] =	vst v0  }
0xba: {  	[tilespmem:$0x71A0] =	vst v0  }
0xbb: {  	[tilespmem:$0x71B0] =	vst v0  }
0xbc: {  	[tilespmem:$0x71C0] =	vst v0  }
0xbd: {  	[tilespmem:$0x71D0] =	vst v0  }
0xbe: {  	[tilespmem:$0x71E0] =	vst v0  }
0xbf: {  	[tilespmem:$0x71F0] =	vst v0  }
0xc0: {  	[tilespmem:$0x7200] =	vst v0  }
0xc1: {  	[tilespmem:$0x7210] =	vst v0  }
0xc2: {  	[tilespmem:$0x7220] =	vst v0  }
0xc3: {  	[tilespmem:$0x7230] =	vst v0  }
0xc4: {  	[tilespmem:$0x7240] =	vst v0  }
0xc5: {  	[tilespmem:$0x7250] =	vst v0  }
0xc6: {  	[tilespmem:$0x7260] =	vst v0  }
0xc7: {  	[tilespmem:$0x7270] =	vst v0;
	s10 =	sadd.s32 $0x0, s6  }
0xc8: {  	[spmem:s10] =	stream.linear.scatter [tilespmem:s24], [sflag:$0x3], $0x800, $0x38;
	[tilespmem:$0x1B580] =	vst v63  }
0xc9: {  	s10 =	simm.s32 $0x2000;
	_ =	swait.ge [sflag:s25], $0x800  }
.LBB2_2:
0xca: {  	s11 =	sshra.s32 s10, $0x2;
	[sflag:s25] =	ssyncset.done $0x0;
	p1 =	sne.s32 s10, $0x4E000  }
.Ltmp0:
0xcb: {  	s11 =	sadd.s32 s11, s6;
	[sflag:s25] =	ssyncadd.s32 $0xFFFFF800;
	(pc) =	sbr.rel @p1 .LBB2_2-.Ltmp0, $3  }
0xcc: {  	[spmem:s11] =	stream.linear.scatter [tilespmem:s24], [sflag:$0x3], $0x800, $0x38;
	[tilespmem:$0x1B580] =	vst v63  }
0xcd: {  	s10 =	sadd.s32 $0x2000, s10;
	_ =	sdelay $0x1  }
0xce: {  	_ =	swait.ge [sflag:s25], $0x800  }
0xcf: {  	[sflag:s25] =	ssyncset.done $0x0  }
0xd0: {  	s10 =	simm.s32 $0x7000;
	[sflag:s25] =	ssyncadd.s32 $0xFFFFF800  }
0xd1: {  	[spmem:s7] =	stream.linear.scatter [tilespmem:s10], [sflag:$0x3], $0x280, $0x38;
	[tilespmem:$0x1B580] =	vst v63  }
0xd2: {  	_ =	swait.ge [sflag:s25], $0x280  }
0xd3: {  	[sflag:s25] =	ssyncset.done $0x0  }
0xd4: {  	[sflag:s25] =	ssyncadd.s32 $0xFFFFFD80  }
0xd5: {  	[bflag:$0x0] =	sbarrier.arrive $0xFFFF  }
0xd6: {  	s12 =	simm.s32 $0x0;
	s11 =	rddreg [dreg:$0x5]  }
0xd7: {  	[tilespmem:s12], [sflag:$0x3] =	stream.linear.gather [hbm4b:s11+s12], $0x1400, $0x38;
	[tilespmem:$0x1B580] =	vst v63  }
0xd8: {  	_ =	swait.ge [sflag:s25], $0x1400  }
0xd9: {  	[sflag:s25] =	ssyncset.done $0x0  }
0xda: {  	s13 =	rddreg [dreg:$0x6];
	[sflag:s25] =	ssyncadd.s32 $0xFFFFEC00  }
0xdb: {  	[tilespmem:s28], [sflag:$0x3] =	stream.linear.gather [hbm4b:s13+s12], $0x1400, $0x38;
	[tilespmem:$0x1B580] =	vst v63  }
0xdc: {  	_ =	swait.ge [sflag:s25], $0x1400  }
0xdd: {  	[sflag:s25] =	ssyncset.done $0x0  }
0xde: {  	[sflag:s25] =	ssyncadd.s32 $0xFFFFEC00  }
0xdf: {  	[tilespmem:s30], [sflag:$0x1] =	stream.indirect.gather [hbm4b:s1+s29], $0x80, s12, s29, $0xb8;
	[tilespmem:$0x1B580] =	vst v63  }
0xe0: {  	_ = 	snop  }
0xe1: {  	[tilespmem:s0], [sflag:$0x2] =	stream.indirect.gather [hbm4b:s1+s29], $0x80, s31, s29, $0xb8;
	[tilespmem:$0x1B580] =	vst v63  }
0xe2: {  	_ =	swait.ge [sflag:s26], $0x2000  }
0xe3: {  	[sflag:s26] =	ssyncset.done $0x0  }
0xe4: {  	s11 =	simm.s32 $0x1400;
	[sflag:s26] =	ssyncadd.s32 $0xFFFFE000  }
0xe5: {  	[spmem:s3] =	stream.indirect.scatter.add.f32 [tilespmem:s30], [sflag:$0x3], $0x80, s11, s29, $0xb8;
	[tilespmem:$0x1B580] =	vst v63  }
0xe6: {  	_ =	swait.ge [sflag:s25], $0x2000  }
0xe7: {  	[sflag:s25] =	ssyncset.done $0x0  }
0xe8: {  	s12 =	sadd.s32 $0x0, s23;
	[sflag:s25] =	ssyncadd.s32 $0xFFFFE000  }
0xe9: {  	[spmem:s4] =	stream.indirect.scatter.add.f32 [tilespmem:s8], [sflag:$0x3], $0x1, s12, s2, $0xb8;
	[tilespmem:$0x1B580] =	vst v63  }
0xea: {  	_ =	swait.ge [sflag:s25], $0x20  }
0xeb: {  	[sflag:s25] =	ssyncset.done $0x0  }
0xec: {  	s13 =	simm.s32 $0x100;
	[sflag:s25] =	ssyncadd.s32 $0xFFFFFFE0  }
0xed: {  	[tilespmem:s30], [sflag:$0x1] =	stream.indirect.gather [hbm4b:s1+s29], $0x80, s13, s29, $0xb8;
	[tilespmem:$0x1B580] =	vst v63  }
0xee: {  	_ =	swait.ge [sflag:s9], $0x2000  }
0xef: {  	[sflag:s9] =	ssyncset.done $0x0  }
0xf0: {  	s10 =	simm.s32 $0x1480;
	[sflag:s9] =	ssyncadd.s32 $0xFFFFE000  }
0xf1: {  	[spmem:s3] =	stream.indirect.scatter.add.f32 [tilespmem:s0], [sflag:$0x3], $0x80, s10, s29, $0xb8;
	[tilespmem:$0x1B580] =	vst v63  }
0xf2: {  	_ =	swait.ge [sflag:s25], $0x2000  }
0xf3: {  	s11 =	simm.s32 $0x14A0;
	[sflag:s25] =	ssyncset.done $0x0  }
0xf4: {  	s11 =	smov.u32 @p0 s10;
	[sflag:s25] =	ssyncadd.s32 $0xFFFFE000  }
0xf5: {  	[spmem:s4] =	stream.indirect.scatter.add.f32 [tilespmem:s8], [sflag:$0x3], $0x1, s11, s2, $0xb8;
	[tilespmem:$0x1B580] =	vst v63  }
0xf6: {  	_ =	swait.ge [sflag:s25], $0x20  }
0xf7: {  	[sflag:s25] =	ssyncset.done $0x0  }
0xf8: {  	s10 =	simm.s32 $0x400;
	s11 =	simm.s32 $0x180;
	[sflag:s25] =	ssyncadd.s32 $0xFFFFFFE0  }
.LBB2_4:
0xf9: {  	[tilespmem:s0], [sflag:$0x2] =	stream.indirect.gather [hbm4b:s1+s29], $0x80, s11, s29, $0xb8;
	[tilespmem:$0x1B580] =	vst v63  }
0xfa: {  	s11 =	smov.u32 s10  }
0xfb: {  	p1 =	sne.s32 s10, $0x4800;
	s10 =	sadd.s32 $0x400, s10;
	_ =	swait.ge [sflag:s26], $0x2000  }
0xfc: {  	s11 =	sshra.s32 s11, $0x2;
	[sflag:s26] =	ssyncset.done $0x0  }
0xfd: {  	s12 =	sadd.s32 $0x1400, s11;
	s13 =	sadd.s32 $0x14A0, s11;
	[sflag:s26] =	ssyncadd.s32 $0xFFFFE000  }
0xfe: {  	[spmem:s3] =	stream.indirect.scatter.add.f32 [tilespmem:s30], [sflag:$0x3], $0x80, s12, s29, $0xb8;
	[tilespmem:$0x1B580] =	vst v63  }
0xff: {  	_ =	swait.ge [sflag:s25], $0x2000  }
0x100: {  	[sflag:s25] =	ssyncset.done $0x0  }
0x101: {  	s12 =	sadd.s32 s11, s23;
	[sflag:s25] =	ssyncadd.s32 $0xFFFFE000  }
0x102: {  	[spmem:s4] =	stream.indirect.scatter.add.f32 [tilespmem:s8], [sflag:$0x3], $0x1, s12, s2, $0xb8;
	[tilespmem:$0x1B580] =	vst v63  }
0x103: {  	_ =	swait.ge [sflag:s25], $0x20  }
0x104: {  	[sflag:s25] =	ssyncset.done $0x0  }
0x105: {  	s12 =	sadd.s32 $0x100, s11;
	[sflag:s25] =	ssyncadd.s32 $0xFFFFFFE0  }
0x106: {  	[tilespmem:s30], [sflag:$0x1] =	stream.indirect.gather [hbm4b:s1+s29], $0x80, s12, s29, $0xb8;
	[tilespmem:$0x1B580] =	vst v63  }
0x107: {  	_ =	swait.ge [sflag:s9], $0x2000  }
0x108: {  	[sflag:s9] =	ssyncset.done $0x0  }
0x109: {  	s12 =	sadd.s32 $0x1480, s11;
	[sflag:s9] =	ssyncadd.s32 $0xFFFFE000  }
0x10a: {  	[spmem:s3] =	stream.indirect.scatter.add.f32 [tilespmem:s0], [sflag:$0x3], $0x80, s12, s29, $0xb8;
	[tilespmem:$0x1B580] =	vst v63  }
0x10b: {  	s13 =	smov.u32 @p0 s12;
	_ =	swait.ge [sflag:s25], $0x2000  }
0x10c: {  	[sflag:s25] =	ssyncset.done $0x0  }
.Ltmp1:
0x10d: {  	[sflag:s25] =	ssyncadd.s32 $0xFFFFE000;
	(pc) =	sbr.rel @p1 .LBB2_4-.Ltmp1, $4  }
0x10e: {  	[spmem:s4] =	stream.indirect.scatter.add.f32 [tilespmem:s8], [sflag:$0x3], $0x1, s13, s2, $0xb8;
	[tilespmem:$0x1B580] =	vst v63  }
0x10f: {  	_ =	swait.ge [sflag:s25], $0x20  }
0x110: {  	[sflag:s25] =	ssyncset.done $0x0  }
0x111: {  	s11 =	sadd.s32 $0x180, s11;
	[sflag:s25] =	ssyncadd.s32 $0xFFFFFFE0  }
0x112: {  	[tilespmem:s0], [sflag:$0x2] =	stream.indirect.gather [hbm4b:s1+s29], $0x80, s11, s29, $0xb8;
	[tilespmem:$0x1B580] =	vst v63  }
0x113: {  	_ =	swait.ge [sflag:s26], $0x2000  }
0x114: {  	[sflag:s26] =	ssyncset.done $0x0  }
0x115: {  	[sflag:s26] =	ssyncadd.s32 $0xFFFFE000  }
0x116: {  	[spmem:s3] =	stream.indirect.scatter.add.f32 [tilespmem:s30], [sflag:$0x3], $0x80, s19, s29, $0xb8;
	[tilespmem:$0x1B580] =	vst v63  }
0x117: {  	_ =	swait.ge [sflag:s25], $0x2000  }
0x118: {  	[sflag:s25] =	ssyncset.done $0x0  }
0x119: {  	[sflag:s25] =	ssyncadd.s32 $0xFFFFE000  }
0x11a: {  	[spmem:s4] =	stream.indirect.scatter.add.f32 [tilespmem:s8], [sflag:$0x3], $0x1, s20, s2, $0xb8;
	[tilespmem:$0x1B580] =	vst v63  }
0x11b: {  	_ =	swait.ge [sflag:s25], $0x20  }
0x11c: {  	[sflag:s25] =	ssyncset.done $0x0  }
0x11d: {  	[sflag:s25] =	ssyncadd.s32 $0xFFFFFFE0  }
0x11e: {  	_ =	swait.ge [sflag:s9], $0x2000  }
0x11f: {  	[sflag:s9] =	ssyncset.done $0x0  }
0x120: {  	[sflag:s9] =	ssyncadd.s32 $0xFFFFE000  }
0x121: {  	[spmem:s3] =	stream.indirect.scatter.add.f32 [tilespmem:s0], [sflag:$0x3], $0x80, s22, s29, $0xb8;
	[tilespmem:$0x1B580] =	vst v63  }
0x122: {  	_ =	swait.ge [sflag:s25], $0x2000  }
0x123: {  	[sflag:s25] =	ssyncset.done $0x0  }
0x124: {  	[sflag:s25] =	ssyncadd.s32 $0xFFFFE000  }
0x125: {  	[spmem:s4] =	stream.indirect.scatter.add.f32 [tilespmem:s8], [sflag:$0x3], $0x1, s21, s2, $0xb8;
	[tilespmem:$0x1B580] =	vst v63  }
0x126: {  	_ =	swait.ge [sflag:s25], $0x20  }
0x127: {  	[sflag:s25] =	ssyncset.done $0x0  }
0x128: {  	s10 =	simm.s32 $0x0;
	s12 =	rddreg [dreg:$0x7];
	[sflag:s25] =	ssyncadd.s32 $0xFFFFFFE0  }
0x129: {  	[tilespmem:s10], [sflag:$0x3] =	stream.linear.gather [hbm4b:s12+s10], $0x1400, $0x38;
	[tilespmem:$0x1B580] =	vst v63  }
0x12a: {  	_ =	swait.ge [sflag:s25], $0x1400  }
0x12b: {  	[sflag:s25] =	ssyncset.done $0x0  }
0x12c: {  	s13 =	rddreg [dreg:$0x8];
	[sflag:s25] =	ssyncadd.s32 $0xFFFFEC00  }
0x12d: {  	[tilespmem:s28], [sflag:$0x3] =	stream.linear.gather [hbm4b:s13+s10], $0x1400, $0x38;
	[tilespmem:$0x1B580] =	vst v63  }
0x12e: {  	_ =	swait.ge [sflag:s25], $0x1400  }
0x12f: {  	[sflag:s25] =	ssyncset.done $0x0  }
0x130: {  	[sflag:s25] =	ssyncadd.s32 $0xFFFFEC00  }
0x131: {  	[tilespmem:s30], [sflag:$0x1] =	stream.indirect.gather [hbm4b:s1+s29], $0x80, s10, s29, $0xb8;
	[tilespmem:$0x1B580] =	vst v63  }
0x132: {  	_ = 	snop  }
0x133: {  	[tilespmem:s0], [sflag:$0x2] =	stream.indirect.gather [hbm4b:s1+s29], $0x80, s31, s29, $0xb8;
	[tilespmem:$0x1B580] =	vst v63  }
0x134: {  	_ =	swait.ge [sflag:s26], $0x2000  }
0x135: {  	[sflag:s26] =	ssyncset.done $0x0  }
0x136: {  	s11 =	simm.s32 $0x1400;
	[sflag:s26] =	ssyncadd.s32 $0xFFFFE000  }
0x137: {  	[spmem:s3] =	stream.indirect.scatter.add.f32 [tilespmem:s30], [sflag:$0x3], $0x80, s11, s29, $0xb8;
	[tilespmem:$0x1B580] =	vst v63  }
0x138: {  	_ =	swait.ge [sflag:s25], $0x2000  }
0x139: {  	[sflag:s25] =	ssyncset.done $0x0  }
0x13a: {  	s12 =	sadd.s32 $0x0, s23;
	[sflag:s25] =	ssyncadd.s32 $0xFFFFE000  }
0x13b: {  	[spmem:s4] =	stream.indirect.scatter.add.f32 [tilespmem:s8], [sflag:$0x3], $0x1, s12, s2, $0xb8;
	[tilespmem:$0x1B580] =	vst v63  }
0x13c: {  	_ =	swait.ge [sflag:s25], $0x20  }
0x13d: {  	[sflag:s25] =	ssyncset.done $0x0  }
0x13e: {  	s13 =	simm.s32 $0x100;
	[sflag:s25] =	ssyncadd.s32 $0xFFFFFFE0  }
0x13f: {  	[tilespmem:s30], [sflag:$0x1] =	stream.indirect.gather [hbm4b:s1+s29], $0x80, s13, s29, $0xb8;
	[tilespmem:$0x1B580] =	vst v63  }
0x140: {  	_ =	swait.ge [sflag:s9], $0x2000  }
0x141: {  	[sflag:s9] =	ssyncset.done $0x0  }
0x142: {  	s10 =	simm.s32 $0x1480;
	[sflag:s9] =	ssyncadd.s32 $0xFFFFE000  }
0x143: {  	[spmem:s3] =	stream.indirect.scatter.add.f32 [tilespmem:s0], [sflag:$0x3], $0x80, s10, s29, $0xb8;
	[tilespmem:$0x1B580] =	vst v63  }
0x144: {  	_ =	swait.ge [sflag:s25], $0x2000  }
0x145: {  	s11 =	simm.s32 $0x14A0;
	[sflag:s25] =	ssyncset.done $0x0  }
0x146: {  	s11 =	smov.u32 @p0 s10;
	[sflag:s25] =	ssyncadd.s32 $0xFFFFE000  }
0x147: {  	[spmem:s4] =	stream.indirect.scatter.add.f32 [tilespmem:s8], [sflag:$0x3], $0x1, s11, s2, $0xb8;
	[tilespmem:$0x1B580] =	vst v63  }
0x148: {  	_ =	swait.ge [sflag:s25], $0x20  }
0x149: {  	[sflag:s25] =	ssyncset.done $0x0  }
0x14a: {  	s10 =	simm.s32 $0x400;
	s11 =	simm.s32 $0x180;
	[sflag:s25] =	ssyncadd.s32 $0xFFFFFFE0  }
.LBB2_6:
0x14b: {  	[tilespmem:s0], [sflag:$0x2] =	stream.indirect.gather [hbm4b:s1+s29], $0x80, s11, s29, $0xb8;
	[tilespmem:$0x1B580] =	vst v63  }
0x14c: {  	s11 =	smov.u32 s10  }
0x14d: {  	p1 =	sne.s32 s10, $0x4800;
	s10 =	sadd.s32 $0x400, s10;
	_ =	swait.ge [sflag:s26], $0x2000  }
0x14e: {  	s11 =	sshra.s32 s11, $0x2;
	[sflag:s26] =	ssyncset.done $0x0  }
0x14f: {  	s12 =	sadd.s32 $0x1400, s11;
	s13 =	sadd.s32 $0x14A0, s11;
	[sflag:s26] =	ssyncadd.s32 $0xFFFFE000  }
0x150: {  	[spmem:s3] =	stream.indirect.scatter.add.f32 [tilespmem:s30], [sflag:$0x3], $0x80, s12, s29, $0xb8;
	[tilespmem:$0x1B580] =	vst v63  }
0x151: {  	_ =	swait.ge [sflag:s25], $0x2000  }
0x152: {  	[sflag:s25] =	ssyncset.done $0x0  }
0x153: {  	s12 =	sadd.s32 s11, s23;
	[sflag:s25] =	ssyncadd.s32 $0xFFFFE000  }
0x154: {  	[spmem:s4] =	stream.indirect.scatter.add.f32 [tilespmem:s8], [sflag:$0x3], $0x1, s12, s2, $0xb8;
	[tilespmem:$0x1B580] =	vst v63  }
0x155: {  	_ =	swait.ge [sflag:s25], $0x20  }
0x156: {  	[sflag:s25] =	ssyncset.done $0x0  }
0x157: {  	s12 =	sadd.s32 $0x100, s11;
	[sflag:s25] =	ssyncadd.s32 $0xFFFFFFE0  }
0x158: {  	[tilespmem:s30], [sflag:$0x1] =	stream.indirect.gather [hbm4b:s1+s29], $0x80, s12, s29, $0xb8;
	[tilespmem:$0x1B580] =	vst v63  }
0x159: {  	_ =	swait.ge [sflag:s9], $0x2000  }
0x15a: {  	[sflag:s9] =	ssyncset.done $0x0  }
0x15b: {  	s12 =	sadd.s32 $0x1480, s11;
	[sflag:s9] =	ssyncadd.s32 $0xFFFFE000  }
0x15c: {  	[spmem:s3] =	stream.indirect.scatter.add.f32 [tilespmem:s0], [sflag:$0x3], $0x80, s12, s29, $0xb8;
	[tilespmem:$0x1B580] =	vst v63  }
0x15d: {  	s13 =	smov.u32 @p0 s12;
	_ =	swait.ge [sflag:s25], $0x2000  }
0x15e: {  	[sflag:s25] =	ssyncset.done $0x0  }
.Ltmp2:
0x15f: {  	[sflag:s25] =	ssyncadd.s32 $0xFFFFE000;
	(pc) =	sbr.rel @p1 .LBB2_6-.Ltmp2, $4  }
0x160: {  	[spmem:s4] =	stream.indirect.scatter.add.f32 [tilespmem:s8], [sflag:$0x3], $0x1, s13, s2, $0xb8;
	[tilespmem:$0x1B580] =	vst v63  }
0x161: {  	_ =	swait.ge [sflag:s25], $0x20  }
0x162: {  	[sflag:s25] =	ssyncset.done $0x0  }
0x163: {  	s11 =	sadd.s32 $0x180, s11;
	[sflag:s25] =	ssyncadd.s32 $0xFFFFFFE0  }
0x164: {  	[tilespmem:s0], [sflag:$0x2] =	stream.indirect.gather [hbm4b:s1+s29], $0x80, s11, s29, $0xb8;
	[tilespmem:$0x1B580] =	vst v63  }
0x165: {  	_ =	swait.ge [sflag:s26], $0x2000  }
0x166: {  	[sflag:s26] =	ssyncset.done $0x0  }
0x167: {  	[sflag:s26] =	ssyncadd.s32 $0xFFFFE000  }
0x168: {  	[spmem:s3] =	stream.indirect.scatter.add.f32 [tilespmem:s30], [sflag:$0x3], $0x80, s19, s29, $0xb8;
	[tilespmem:$0x1B580] =	vst v63  }
0x169: {  	_ =	swait.ge [sflag:s25], $0x2000  }
0x16a: {  	[sflag:s25] =	ssyncset.done $0x0  }
0x16b: {  	[sflag:s25] =	ssyncadd.s32 $0xFFFFE000  }
0x16c: {  	[spmem:s4] =	stream.indirect.scatter.add.f32 [tilespmem:s8], [sflag:$0x3], $0x1, s20, s2, $0xb8;
	[tilespmem:$0x1B580] =	vst v63  }
0x16d: {  	_ =	swait.ge [sflag:s25], $0x20  }
0x16e: {  	[sflag:s25] =	ssyncset.done $0x0  }
0x16f: {  	[sflag:s25] =	ssyncadd.s32 $0xFFFFFFE0  }
0x170: {  	_ =	swait.ge [sflag:s9], $0x2000  }
0x171: {  	[sflag:s9] =	ssyncset.done $0x0  }
0x172: {  	[sflag:s9] =	ssyncadd.s32 $0xFFFFE000  }
0x173: {  	[spmem:s3] =	stream.indirect.scatter.add.f32 [tilespmem:s0], [sflag:$0x3], $0x80, s22, s29, $0xb8;
	[tilespmem:$0x1B580] =	vst v63  }
0x174: {  	_ =	swait.ge [sflag:s25], $0x2000  }
0x175: {  	[sflag:s25] =	ssyncset.done $0x0  }
0x176: {  	[sflag:s25] =	ssyncadd.s32 $0xFFFFE000  }
0x177: {  	[spmem:s4] =	stream.indirect.scatter.add.f32 [tilespmem:s8], [sflag:$0x3], $0x1, s21, s2, $0xb8;
	[tilespmem:$0x1B580] =	vst v63  }
0x178: {  	_ =	swait.ge [sflag:s25], $0x20  }
0x179: {  	[sflag:s25] =	ssyncset.done $0x0  }
0x17a: {  	s10 =	simm.s32 $0x0;
	s12 =	rddreg [dreg:$0x9];
	[sflag:s25] =	ssyncadd.s32 $0xFFFFFFE0  }
0x17b: {  	[tilespmem:s10], [sflag:$0x3] =	stream.linear.gather [hbm4b:s12+s10], $0x1400, $0x38;
	[tilespmem:$0x1B580] =	vst v63  }
0x17c: {  	_ =	swait.ge [sflag:s25], $0x1400  }
0x17d: {  	[sflag:s25] =	ssyncset.done $0x0  }
0x17e: {  	s13 =	rddreg [dreg:$0xa];
	[sflag:s25] =	ssyncadd.s32 $0xFFFFEC00  }
0x17f: {  	[tilespmem:s28], [sflag:$0x3] =	stream.linear.gather [hbm4b:s13+s10], $0x1400, $0x38;
	[tilespmem:$0x1B580] =	vst v63  }
0x180: {  	_ =	swait.ge [sflag:s25], $0x1400  }
0x181: {  	[sflag:s25] =	ssyncset.done $0x0  }
0x182: {  	[sflag:s25] =	ssyncadd.s32 $0xFFFFEC00  }
0x183: {  	[tilespmem:s30], [sflag:$0x1] =	stream.indirect.gather [hbm4b:s1+s29], $0x80, s10, s29, $0xb8;
	[tilespmem:$0x1B580] =	vst v63  }
0x184: {  	_ = 	snop  }
0x185: {  	[tilespmem:s0], [sflag:$0x2] =	stream.indirect.gather [hbm4b:s1+s29], $0x80, s31, s29, $0xb8;
	[tilespmem:$0x1B580] =	vst v63  }
0x186: {  	_ =	swait.ge [sflag:s26], $0x2000  }
0x187: {  	[sflag:s26] =	ssyncset.done $0x0  }
0x188: {  	s11 =	simm.s32 $0x1400;
	[sflag:s26] =	ssyncadd.s32 $0xFFFFE000  }
0x189: {  	[spmem:s3] =	stream.indirect.scatter.add.f32 [tilespmem:s30], [sflag:$0x3], $0x80, s11, s29, $0xb8;
	[tilespmem:$0x1B580] =	vst v63  }
0x18a: {  	_ =	swait.ge [sflag:s25], $0x2000  }
0x18b: {  	[sflag:s25] =	ssyncset.done $0x0  }
0x18c: {  	s12 =	sadd.s32 $0x0, s23;
	[sflag:s25] =	ssyncadd.s32 $0xFFFFE000  }
0x18d: {  	[spmem:s4] =	stream.indirect.scatter.add.f32 [tilespmem:s8], [sflag:$0x3], $0x1, s12, s2, $0xb8;
	[tilespmem:$0x1B580] =	vst v63  }
0x18e: {  	_ =	swait.ge [sflag:s25], $0x20  }
0x18f: {  	[sflag:s25] =	ssyncset.done $0x0  }
0x190: {  	s13 =	simm.s32 $0x100;
	[sflag:s25] =	ssyncadd.s32 $0xFFFFFFE0  }
0x191: {  	[tilespmem:s30], [sflag:$0x1] =	stream.indirect.gather [hbm4b:s1+s29], $0x80, s13, s29, $0xb8;
	[tilespmem:$0x1B580] =	vst v63  }
0x192: {  	_ =	swait.ge [sflag:s9], $0x2000  }
0x193: {  	[sflag:s9] =	ssyncset.done $0x0  }
0x194: {  	s10 =	simm.s32 $0x1480;
	[sflag:s9] =	ssyncadd.s32 $0xFFFFE000  }
0x195: {  	[spmem:s3] =	stream.indirect.scatter.add.f32 [tilespmem:s0], [sflag:$0x3], $0x80, s10, s29, $0xb8;
	[tilespmem:$0x1B580] =	vst v63  }
0x196: {  	_ =	swait.ge [sflag:s25], $0x2000  }
0x197: {  	s11 =	simm.s32 $0x14A0;
	[sflag:s25] =	ssyncset.done $0x0  }
0x198: {  	s11 =	smov.u32 @p0 s10;
	[sflag:s25] =	ssyncadd.s32 $0xFFFFE000  }
0x199: {  	[spmem:s4] =	stream.indirect.scatter.add.f32 [tilespmem:s8], [sflag:$0x3], $0x1, s11, s2, $0xb8;
	[tilespmem:$0x1B580] =	vst v63  }
0x19a: {  	_ =	swait.ge [sflag:s25], $0x20  }
0x19b: {  	[sflag:s25] =	ssyncset.done $0x0  }
0x19c: {  	s10 =	simm.s32 $0x400;
	s11 =	simm.s32 $0x180;
	[sflag:s25] =	ssyncadd.s32 $0xFFFFFFE0  }
.LBB2_8:
0x19d: {  	[tilespmem:s0], [sflag:$0x2] =	stream.indirect.gather [hbm4b:s1+s29], $0x80, s11, s29, $0xb8;
	[tilespmem:$0x1B580] =	vst v63  }
0x19e: {  	s11 =	smov.u32 s10  }
0x19f: {  	p1 =	sne.s32 s10, $0x4800;
	s10 =	sadd.s32 $0x400, s10;
	_ =	swait.ge [sflag:s26], $0x2000  }
0x1a0: {  	s11 =	sshra.s32 s11, $0x2;
	[sflag:s26] =	ssyncset.done $0x0  }
0x1a1: {  	s12 =	sadd.s32 $0x1400, s11;
	s13 =	sadd.s32 $0x14A0, s11;
	[sflag:s26] =	ssyncadd.s32 $0xFFFFE000  }
0x1a2: {  	[spmem:s3] =	stream.indirect.scatter.add.f32 [tilespmem:s30], [sflag:$0x3], $0x80, s12, s29, $0xb8;
	[tilespmem:$0x1B580] =	vst v63  }
0x1a3: {  	_ =	swait.ge [sflag:s25], $0x2000  }
0x1a4: {  	[sflag:s25] =	ssyncset.done $0x0  }
0x1a5: {  	s12 =	sadd.s32 s11, s23;
	[sflag:s25] =	ssyncadd.s32 $0xFFFFE000  }
0x1a6: {  	[spmem:s4] =	stream.indirect.scatter.add.f32 [tilespmem:s8], [sflag:$0x3], $0x1, s12, s2, $0xb8;
	[tilespmem:$0x1B580] =	vst v63  }
0x1a7: {  	_ =	swait.ge [sflag:s25], $0x20  }
0x1a8: {  	[sflag:s25] =	ssyncset.done $0x0  }
0x1a9: {  	s12 =	sadd.s32 $0x100, s11;
	[sflag:s25] =	ssyncadd.s32 $0xFFFFFFE0  }
0x1aa: {  	[tilespmem:s30], [sflag:$0x1] =	stream.indirect.gather [hbm4b:s1+s29], $0x80, s12, s29, $0xb8;
	[tilespmem:$0x1B580] =	vst v63  }
0x1ab: {  	_ =	swait.ge [sflag:s9], $0x2000  }
0x1ac: {  	[sflag:s9] =	ssyncset.done $0x0  }
0x1ad: {  	s12 =	sadd.s32 $0x1480, s11;
	[sflag:s9] =	ssyncadd.s32 $0xFFFFE000  }
0x1ae: {  	[spmem:s3] =	stream.indirect.scatter.add.f32 [tilespmem:s0], [sflag:$0x3], $0x80, s12, s29, $0xb8;
	[tilespmem:$0x1B580] =	vst v63  }
0x1af: {  	s13 =	smov.u32 @p0 s12;
	_ =	swait.ge [sflag:s25], $0x2000  }
0x1b0: {  	[sflag:s25] =	ssyncset.done $0x0  }
.Ltmp3:
0x1b1: {  	[sflag:s25] =	ssyncadd.s32 $0xFFFFE000;
	(pc) =	sbr.rel @p1 .LBB2_8-.Ltmp3, $4  }
0x1b2: {  	[spmem:s4] =	stream.indirect.scatter.add.f32 [tilespmem:s8], [sflag:$0x3], $0x1, s13, s2, $0xb8;
	[tilespmem:$0x1B580] =	vst v63  }
0x1b3: {  	_ =	swait.ge [sflag:s25], $0x20  }
0x1b4: {  	[sflag:s25] =	ssyncset.done $0x0  }
0x1b5: {  	s11 =	sadd.s32 $0x180, s11;
	[sflag:s25] =	ssyncadd.s32 $0xFFFFFFE0  }
0x1b6: {  	[tilespmem:s0], [sflag:$0x2] =	stream.indirect.gather [hbm4b:s1+s29], $0x80, s11, s29, $0xb8;
	[tilespmem:$0x1B580] =	vst v63  }
0x1b7: {  	_ =	swait.ge [sflag:s26], $0x2000  }
0x1b8: {  	[sflag:s26] =	ssyncset.done $0x0  }
0x1b9: {  	[sflag:s26] =	ssyncadd.s32 $0xFFFFE000  }
0x1ba: {  	[spmem:s3] =	stream.indirect.scatter.add.f32 [tilespmem:s30], [sflag:$0x3], $0x80, s19, s29, $0xb8;
	[tilespmem:$0x1B580] =	vst v63  }
0x1bb: {  	_ =	swait.ge [sflag:s25], $0x2000  }
0x1bc: {  	[sflag:s25] =	ssyncset.done $0x0  }
0x1bd: {  	[sflag:s25] =	ssyncadd.s32 $0xFFFFE000  }
0x1be: {  	[spmem:s4] =	stream.indirect.scatter.add.f32 [tilespmem:s8], [sflag:$0x3], $0x1, s20, s2, $0xb8;
	[tilespmem:$0x1B580] =	vst v63  }
0x1bf: {  	_ =	swait.ge [sflag:s25], $0x20  }
0x1c0: {  	[sflag:s25] =	ssyncset.done $0x0  }
0x1c1: {  	[sflag:s25] =	ssyncadd.s32 $0xFFFFFFE0  }
0x1c2: {  	_ =	swait.ge [sflag:s9], $0x2000  }
0x1c3: {  	[sflag:s9] =	ssyncset.done $0x0  }
0x1c4: {  	[sflag:s9] =	ssyncadd.s32 $0xFFFFE000  }
0x1c5: {  	[spmem:s3] =	stream.indirect.scatter.add.f32 [tilespmem:s0], [sflag:$0x3], $0x80, s22, s29, $0xb8;
	[tilespmem:$0x1B580] =	vst v63  }
0x1c6: {  	_ =	swait.ge [sflag:s25], $0x2000  }
0x1c7: {  	[sflag:s25] =	ssyncset.done $0x0  }
0x1c8: {  	[sflag:s25] =	ssyncadd.s32 $0xFFFFE000  }
0x1c9: {  	[spmem:s4] =	stream.indirect.scatter.add.f32 [tilespmem:s8], [sflag:$0x3], $0x1, s21, s2, $0xb8;
	[tilespmem:$0x1B580] =	vst v63  }
0x1ca: {  	_ =	swait.ge [sflag:s25], $0x20  }
0x1cb: {  	[sflag:s25] =	ssyncset.done $0x0  }
0x1cc: {  	s10 =	simm.s32 $0x0;
	[sflag:s25] =	ssyncadd.s32 $0xFFFFFFE0  }
0x1cd: {  	[tilespmem:s10], [sflag:$0x3] =	stream.linear.gather [hbm4b:s14+s10], $0x1400, $0x38;
	[tilespmem:$0x1B580] =	vst v63  }
0x1ce: {  	_ =	swait.ge [sflag:s25], $0x1400  }
0x1cf: {  	[sflag:s25] =	ssyncset.done $0x0  }
0x1d0: {  	[sflag:s25] =	ssyncadd.s32 $0xFFFFEC00  }
0x1d1: {  	[tilespmem:s28], [sflag:$0x3] =	stream.linear.gather [hbm4b:s15+s10], $0x1400, $0x38;
	[tilespmem:$0x1B580] =	vst v63  }
0x1d2: {  	_ =	swait.ge [sflag:s25], $0x1400  }
0x1d3: {  	[sflag:s25] =	ssyncset.done $0x0  }
0x1d4: {  	[sflag:s25] =	ssyncadd.s32 $0xFFFFEC00  }
0x1d5: {  	[tilespmem:s30], [sflag:$0x1] =	stream.indirect.gather [hbm4b:s1+s29], $0x80, s10, s29, $0xb8;
	[tilespmem:$0x1B580] =	vst v63  }
0x1d6: {  	_ = 	snop  }
0x1d7: {  	[tilespmem:s0], [sflag:$0x2] =	stream.indirect.gather [hbm4b:s1+s29], $0x80, s31, s29, $0xb8;
	[tilespmem:$0x1B580] =	vst v63  }
0x1d8: {  	_ =	swait.ge [sflag:s26], $0x2000  }
0x1d9: {  	[sflag:s26] =	ssyncset.done $0x0  }
0x1da: {  	s11 =	simm.s32 $0x1400;
	[sflag:s26] =	ssyncadd.s32 $0xFFFFE000  }
0x1db: {  	[spmem:s3] =	stream.indirect.scatter.add.f32 [tilespmem:s30], [sflag:$0x3], $0x80, s11, s29, $0xb8;
	[tilespmem:$0x1B580] =	vst v63  }
0x1dc: {  	_ =	swait.ge [sflag:s25], $0x2000  }
0x1dd: {  	[sflag:s25] =	ssyncset.done $0x0  }
0x1de: {  	s12 =	sadd.s32 $0x0, s23;
	[sflag:s25] =	ssyncadd.s32 $0xFFFFE000  }
0x1df: {  	[spmem:s4] =	stream.indirect.scatter.add.f32 [tilespmem:s8], [sflag:$0x3], $0x1, s12, s2, $0xb8;
	[tilespmem:$0x1B580] =	vst v63  }
0x1e0: {  	_ =	swait.ge [sflag:s25], $0x20  }
0x1e1: {  	[sflag:s25] =	ssyncset.done $0x0  }
0x1e2: {  	s13 =	simm.s32 $0x100;
	[sflag:s25] =	ssyncadd.s32 $0xFFFFFFE0  }
0x1e3: {  	[tilespmem:s30], [sflag:$0x1] =	stream.indirect.gather [hbm4b:s1+s29], $0x80, s13, s29, $0xb8;
	[tilespmem:$0x1B580] =	vst v63  }
0x1e4: {  	_ =	swait.ge [sflag:s9], $0x2000  }
0x1e5: {  	[sflag:s9] =	ssyncset.done $0x0  }
0x1e6: {  	s10 =	simm.s32 $0x1480;
	[sflag:s9] =	ssyncadd.s32 $0xFFFFE000  }
0x1e7: {  	[spmem:s3] =	stream.indirect.scatter.add.f32 [tilespmem:s0], [sflag:$0x3], $0x80, s10, s29, $0xb8;
	[tilespmem:$0x1B580] =	vst v63  }
0x1e8: {  	_ =	swait.ge [sflag:s25], $0x2000  }
0x1e9: {  	s11 =	simm.s32 $0x14A0;
	[sflag:s25] =	ssyncset.done $0x0  }
0x1ea: {  	s11 =	smov.u32 @p0 s10;
	[sflag:s25] =	ssyncadd.s32 $0xFFFFE000  }
0x1eb: {  	[spmem:s4] =	stream.indirect.scatter.add.f32 [tilespmem:s8], [sflag:$0x3], $0x1, s11, s2, $0xb8;
	[tilespmem:$0x1B580] =	vst v63  }
0x1ec: {  	_ =	swait.ge [sflag:s25], $0x20  }
0x1ed: {  	[sflag:s25] =	ssyncset.done $0x0  }
0x1ee: {  	s10 =	simm.s32 $0x400;
	s11 =	simm.s32 $0x180;
	[sflag:s25] =	ssyncadd.s32 $0xFFFFFFE0  }
.LBB2_10:
0x1ef: {  	[tilespmem:s0], [sflag:$0x2] =	stream.indirect.gather [hbm4b:s1+s29], $0x80, s11, s29, $0xb8;
	[tilespmem:$0x1B580] =	vst v63  }
0x1f0: {  	s11 =	smov.u32 s10  }
0x1f1: {  	p1 =	sne.s32 s10, $0x4800;
	s10 =	sadd.s32 $0x400, s10;
	_ =	swait.ge [sflag:s26], $0x2000  }
0x1f2: {  	s11 =	sshra.s32 s11, $0x2;
	[sflag:s26] =	ssyncset.done $0x0  }
0x1f3: {  	s12 =	sadd.s32 $0x1400, s11;
	s13 =	sadd.s32 $0x14A0, s11;
	[sflag:s26] =	ssyncadd.s32 $0xFFFFE000  }
0x1f4: {  	[spmem:s3] =	stream.indirect.scatter.add.f32 [tilespmem:s30], [sflag:$0x3], $0x80, s12, s29, $0xb8;
	[tilespmem:$0x1B580] =	vst v63  }
0x1f5: {  	_ =	swait.ge [sflag:s25], $0x2000  }
0x1f6: {  	[sflag:s25] =	ssyncset.done $0x0  }
0x1f7: {  	s12 =	sadd.s32 s11, s23;
	[sflag:s25] =	ssyncadd.s32 $0xFFFFE000  }
0x1f8: {  	[spmem:s4] =	stream.indirect.scatter.add.f32 [tilespmem:s8], [sflag:$0x3], $0x1, s12, s2, $0xb8;
	[tilespmem:$0x1B580] =	vst v63  }
0x1f9: {  	_ =	swait.ge [sflag:s25], $0x20  }
0x1fa: {  	[sflag:s25] =	ssyncset.done $0x0  }
0x1fb: {  	s12 =	sadd.s32 $0x100, s11;
	[sflag:s25] =	ssyncadd.s32 $0xFFFFFFE0  }
0x1fc: {  	[tilespmem:s30], [sflag:$0x1] =	stream.indirect.gather [hbm4b:s1+s29], $0x80, s12, s29, $0xb8;
	[tilespmem:$0x1B580] =	vst v63  }
0x1fd: {  	_ =	swait.ge [sflag:s9], $0x2000  }
0x1fe: {  	[sflag:s9] =	ssyncset.done $0x0  }
0x1ff: {  	s12 =	sadd.s32 $0x1480, s11;
	[sflag:s9] =	ssyncadd.s32 $0xFFFFE000  }
0x200: {  	[spmem:s3] =	stream.indirect.scatter.add.f32 [tilespmem:s0], [sflag:$0x3], $0x80, s12, s29, $0xb8;
	[tilespmem:$0x1B580] =	vst v63  }
0x201: {  	s13 =	smov.u32 @p0 s12;
	_ =	swait.ge [sflag:s25], $0x2000  }
0x202: {  	[sflag:s25] =	ssyncset.done $0x0  }
.Ltmp4:
0x203: {  	[sflag:s25] =	ssyncadd.s32 $0xFFFFE000;
	(pc) =	sbr.rel @p1 .LBB2_10-.Ltmp4, $4  }
0x204: {  	[spmem:s4] =	stream.indirect.scatter.add.f32 [tilespmem:s8], [sflag:$0x3], $0x1, s13, s2, $0xb8;
	[tilespmem:$0x1B580] =	vst v63  }
0x205: {  	_ =	swait.ge [sflag:s25], $0x20  }
0x206: {  	[sflag:s25] =	ssyncset.done $0x0  }
0x207: {  	s11 =	sadd.s32 $0x180, s11;
	[sflag:s25] =	ssyncadd.s32 $0xFFFFFFE0  }
0x208: {  	[tilespmem:s0], [sflag:$0x2] =	stream.indirect.gather [hbm4b:s1+s29], $0x80, s11, s29, $0xb8;
	[tilespmem:$0x1B580] =	vst v63  }
0x209: {  	_ =	swait.ge [sflag:s26], $0x2000  }
0x20a: {  	[sflag:s26] =	ssyncset.done $0x0  }
0x20b: {  	[sflag:s26] =	ssyncadd.s32 $0xFFFFE000  }
0x20c: {  	[spmem:s3] =	stream.indirect.scatter.add.f32 [tilespmem:s30], [sflag:$0x3], $0x80, s19, s29, $0xb8;
	[tilespmem:$0x1B580] =	vst v63  }
0x20d: {  	_ =	swait.ge [sflag:s25], $0x2000  }
0x20e: {  	[sflag:s25] =	ssyncset.done $0x0  }
0x20f: {  	[sflag:s25] =	ssyncadd.s32 $0xFFFFE000  }
0x210: {  	[spmem:s4] =	stream.indirect.scatter.add.f32 [tilespmem:s8], [sflag:$0x3], $0x1, s20, s2, $0xb8;
	[tilespmem:$0x1B580] =	vst v63  }
0x211: {  	_ =	swait.ge [sflag:s25], $0x20  }
0x212: {  	[sflag:s25] =	ssyncset.done $0x0  }
0x213: {  	[sflag:s25] =	ssyncadd.s32 $0xFFFFFFE0  }
0x214: {  	_ =	swait.ge [sflag:s9], $0x2000  }
0x215: {  	[sflag:s9] =	ssyncset.done $0x0  }
0x216: {  	[sflag:s9] =	ssyncadd.s32 $0xFFFFE000  }
0x217: {  	[spmem:s3] =	stream.indirect.scatter.add.f32 [tilespmem:s0], [sflag:$0x3], $0x80, s22, s29, $0xb8;
	[tilespmem:$0x1B580] =	vst v63  }
0x218: {  	_ =	swait.ge [sflag:s25], $0x2000  }
0x219: {  	[sflag:s25] =	ssyncset.done $0x0  }
0x21a: {  	[sflag:s25] =	ssyncadd.s32 $0xFFFFE000  }
0x21b: {  	[spmem:s4] =	stream.indirect.scatter.add.f32 [tilespmem:s8], [sflag:$0x3], $0x1, s21, s2, $0xb8;
	[tilespmem:$0x1B580] =	vst v63  }
0x21c: {  	_ =	swait.ge [sflag:s25], $0x20  }
0x21d: {  	s10 =	stileid.u32;
	[sflag:s25] =	ssyncset.done $0x0  }
0x21e: {  	s10 =	sshll.u32 s10, $0x6;
	[sflag:s25] =	ssyncadd.s32 $0xFFFFFFE0  }
0x21f: {  	s12 =	sshrl.u32 s6, $0x3;
	s10 =	sor.u32 $0x1C03, s10;
	[bflag:$0x0] =	sbarrier.arrive $0xFFFF  }
0x220: {  	[hbm:s16], [sflag:s10] =	dma.local [spmem:s12], $0x2800  }
0x221: {  	s5 =	sadd.s32 $0x1, s5;
	_ =	swait.ge [sflag:s25], $0x2800  }
0x222: {  	p1 =	sne.s32 s5, s18;
	[sflag:s25] =	ssyncset.done $0x0  }
.Ltmp5:
0x223: {  	s13 =	sshrl.u32 s7, $0x3;
	[sflag:s25] =	ssyncadd.s32 $0xFFFFD800;
	(pc) =	sbr.rel @p1 .LBB2_1-.Ltmp5, $4  }
0x224: {  	[hbm:s17], [sflag:s10] =	dma.local [spmem:s13], $0x50  }
0x225: {  	_ =	swait.ge [sflag:s25], $0x50  }
0x226: {  	[sflag:s25] =	ssyncset.done $0x0  }
0x227: {  	[sflag:s25] =	ssyncadd.s32 $0xFFFFFFB0  }
0x228: {  	_ =	sfence.sel $0x180000  }
0x229: {  	[bflag:$0x0] =	sbarrier.arrive $0xFFFF  }
0x22a: {  	_ =	strace $0x90000047  }
0x22b: {  	s0 =	stileid.u32;
	[bflag:$0x2] =	sbarrier.arrive $0xFFFF  }
0x22c: {  	p0 =	sne.s32 s0, $0x0;
	s0 =	rddreg [dreg:$0x4]  }
0x22d: {  	s0 =	sadd.s32 @!p0 $0x100000, s0  }
0x22e: {  	[sflag:s0] =	ssyncadd.tile.s32 @!p0 $0x1;
	_ =	shalt  }
.Lfunc_end2:
_tile_overlayer_lowered:
.L_overlay_start_2:
0x22f: {  	(tag) =	ssettag $0x2  }
0x230: {  	s0 =	rddreg [dreg:$0x0];
	s2 =	stileid.u32  }
0x231: {  	s1 =	rddreg [dreg:$0x1];
	p0 =	sne.s32 s2, $0x0  }
0x232: {  	s3 =	rddreg [dreg:$0x2];
	[bflag:$0x3] =	sbarrier.arrive $0xFFFF;
	s2 =	simm.s32 @!p0 $0x1C03  }
0x233: {  	[timem:s3], [sflag:s2] =	dma.local @!p0 [hbm:s0], s1  }
0x234: {  	s0 =	simm.s32 @!p0 $0x3  }
0x235: {  	_ =	swait.ge @!p0 [sflag:s0], s1  }
0x236: {  	s1 =	ssub.s32 @!p0 $0x0, s1;
	[sflag:s0] =	ssyncset.done @!p0 $0x0  }
0x237: {  	[sflag:s0] =	ssyncadd.s32 @!p0 s1  }
0x238: {  	[bflag:$0x3] =	sbarrier.arrive $0xFFFF  }
0x239: {  	_ =	shalt  }

</sc_bundles>
